<compile_context>
chip_gen: v7x
topology: tpu7x:2x2x1
jax: 0.10.2.dev20260603
libtpu: 0.0.44.dev20260713+nightly
codegen_flags: <defaults>
</compile_context>

<pallas_src>
import functools

import jax
import jax.numpy as jnp
from jax import lax
from jax.experimental import pallas as pl
from jax.experimental.pallas import tpu as pltpu
from jax.experimental.pallas import tpu_sc as plsc

_N = 100000
_D = 128
_N_SC = 32000
_N_TC = _N - _N_SC
_B = 4000
_NW = 32
_PER_W = _N_SC * _D // _NW
_CHUNK = 16000
_NCHUNK = _PER_W // _CHUNK
_SC_BASE = _N_TC * _D

_mesh = plsc.VectorSubcoreMesh(core_axis_name="c", subcore_axis_name="s")



def _tc_body(c0_ref, c1_ref, c2_ref, e0_ref, e1_ref, e2_ref, o_ref):
    o_ref[...] = (
        e0_ref[...] * c0_ref[0]
        + e1_ref[...] * c1_ref[0]
        + e2_ref[...] * c2_ref[0]
    )


def _tc_main(coef_e0, coef_e1, coef_e2, embed_e0, embed_e1, embed_e2):
    blk = pl.BlockSpec((_B, _D), lambda i: (i, 0))
    return pl.pallas_call(
        _tc_body,
        grid=(_N_TC // _B,),
        in_specs=[
            pl.BlockSpec(memory_space=pltpu.SMEM),
            pl.BlockSpec(memory_space=pltpu.SMEM),
            pl.BlockSpec(memory_space=pltpu.SMEM),
            blk,
            blk,
            blk,
        ],
        out_specs=blk,
        out_shape=jax.ShapeDtypeStruct((_N, _D), jnp.float32),
        compiler_params=pltpu.CompilerParams(
            dimension_semantics=("arbitrary",),
        ),
    )(coef_e0, coef_e1, coef_e2, embed_e0, embed_e1, embed_e2)



@functools.partial(
    pl.kernel,
    mesh=_mesh,
    out_type=jax.ShapeDtypeStruct((_N_SC * _D,), jnp.float32),
    scratch_types=[
        pltpu.VMEM((48,), jnp.float32),
        pltpu.VMEM((2, _CHUNK), jnp.float32),
        pltpu.VMEM((2, _CHUNK), jnp.float32),
        pltpu.VMEM((2, _CHUNK), jnp.float32),
        pltpu.VMEM((2, _CHUNK), jnp.float32),
        pltpu.SemaphoreType.DMA,
        pltpu.SemaphoreType.DMA,
        pltpu.SemaphoreType.DMA,
        pltpu.SemaphoreType.DMA,
    ],
)
def _sc_agg(e0_hbm, e1_hbm, e2_hbm, c_hbm, out_hbm, c_v, b0, b1, b2, ob,
            sin0, sin1, sout0, sout1):
    wid = lax.axis_index("s") * 2 + lax.axis_index("c")
    in_base = _SC_BASE + wid * _PER_W
    out_base = wid * _PER_W
    pltpu.sync_copy(c_hbm, c_v)
    c0 = c_v[pl.ds(0, 16)]
    c1 = c_v[pl.ds(16, 16)]
    c2 = c_v[pl.ds(32, 16)]
    sin = (sin0, sin1)
    sout = (sout0, sout1)

    def issue_in(k, j):
        off = in_base + k * _CHUNK
        pltpu.async_copy(e0_hbm.at[pl.ds(off, _CHUNK)], b0.at[j], sin[j])
        pltpu.async_copy(e1_hbm.at[pl.ds(off, _CHUNK)], b1.at[j], sin[j])
        pltpu.async_copy(e2_hbm.at[pl.ds(off, _CHUNK)], b2.at[j], sin[j])

    def wait_in(j):
        pltpu.make_async_copy(e0_hbm.at[pl.ds(0, _CHUNK)], b0.at[j], sin[j]).wait()
        pltpu.make_async_copy(e1_hbm.at[pl.ds(0, _CHUNK)], b1.at[j], sin[j]).wait()
        pltpu.make_async_copy(e2_hbm.at[pl.ds(0, _CHUNK)], b2.at[j], sin[j]).wait()

    issue_in(0, 0)
    for k in range(_NCHUNK):
        j = k % 2
        if k + 1 < _NCHUNK:
            issue_in(k + 1, 1 - j)
        wait_in(j)
        if k >= 2:
            pltpu.make_async_copy(
                ob.at[j], out_hbm.at[pl.ds(0, _CHUNK)], sout[j]
            ).wait()

        @plsc.parallel_loop(0, _CHUNK, step=16, unroll=8)
        def _vec_body(s, _j=j):
            ob[_j, pl.ds(s, 16)] = (
                b0[_j, pl.ds(s, 16)] * c0
                + b1[_j, pl.ds(s, 16)] * c1
                + b2[_j, pl.ds(s, 16)] * c2
            )

        pltpu.async_copy(
            ob.at[j], out_hbm.at[pl.ds(out_base + k * _CHUNK, _CHUNK)], sout[j]
        )
    for j in (1, 0):
        pltpu.make_async_copy(
            ob.at[j], out_hbm.at[pl.ds(0, _CHUNK)], sout[j]
        ).wait()



def _merge_body(full_ref, sc_ref, o_ref):
    del full_ref
    o_ref[...] = sc_ref[...]


def _merge(out_full, sc_rows):
    return pl.pallas_call(
        _merge_body,
        grid=(_N_SC // _B,),
        in_specs=[
            pl.BlockSpec(memory_space=pl.ANY),
            pl.BlockSpec((_B, _D), lambda i: (i, 0)),
        ],
        out_specs=pl.BlockSpec((_B, _D), lambda i: (i + _N_TC // _B, 0)),
        out_shape=jax.ShapeDtypeStruct((_N, _D), jnp.float32),
        input_output_aliases={0: 0},
        compiler_params=pltpu.CompilerParams(
            dimension_semantics=("arbitrary",),
        ),
    )(out_full, sc_rows)


def kernel(embed_e0, embed_e1, embed_e2, coef_e0, coef_e1, coef_e2):
    coefs = jnp.concatenate(
        [
            jnp.broadcast_to(coef_e0, (16,)),
            jnp.broadcast_to(coef_e1, (16,)),
            jnp.broadcast_to(coef_e2, (16,)),
        ]
    )
    sc_flat = _sc_agg(
        embed_e0.reshape(_N * _D),
        embed_e1.reshape(_N * _D),
        embed_e2.reshape(_N * _D),
        coefs,
    )
    out_full = _tc_main(
        coef_e0, coef_e1, coef_e2, embed_e0, embed_e1, embed_e2
    )
    return _merge(out_full, sc_flat.reshape(_N_SC, _D))

# --- scband reference (transcript-rebuilt; emitter-appended) ---
"""Pipeline reference for scband-aggregator-37623913513070 (READ-ONLY COPY).

The authoritative reference and input builder live on the scoring server;
editing this copy changes nothing except your own understanding.
"""

import jax, jax.numpy as jnp
import numpy as np

N = 100000
D = 128

def setup_inputs(seed: int = 0) -> dict:
    key = jax.random.key(seed)
    k0, k1, k2, k3, k4, k5 = jax.random.split(key, 6)
    return {
        "embed_e0": jax.random.normal(k0, (N, D), dtype=jnp.float32),
        "embed_e1": jax.random.normal(k1, (N, D), dtype=jnp.float32),
        "embed_e2": jax.random.normal(k2, (N, D), dtype=jnp.float32),
        "coef_e0": jax.random.uniform(k3, (1,), dtype=jnp.float32),
        "coef_e1": jax.random.uniform(k4, (1,), dtype=jnp.float32),
        "coef_e2": jax.random.uniform(k5, (1,), dtype=jnp.float32),
    }

def reference(embed_e0, embed_e1, embed_e2, coef_e0, coef_e1, coef_e2):
    # Aggregator(aggregation_type='sum') with tensor coefficients:
    # scaled_embeds = {etype: embeds[etype] * coef}; then _sum over etypes.
    s0 = embed_e0 * coef_e0
    s1 = embed_e1 * coef_e1
    s2 = embed_e2 * coef_e2
    aggregated = jnp.zeros_like(s0)
    aggregated = aggregated + s0
    aggregated = aggregated + s1
    aggregated = aggregated + s2
    return aggregated

if __name__ == "__main__":
    import jax
    _d = setup_inputs()
    print(jax.jit(kernel)(*tuple(_d.values())))

</pallas_src>

<mosaic_0001>
#map = affine_map<(d0, d1) -> (0)>
module attributes {stable_mosaic.version = 14 : i64} {
  func.func @_sc_agg(%arg0: i32, %arg1: i32, %arg2: memref<12800000xf32, #tpu.memory_space<hbm>>, %arg3: memref<12800000xf32, #tpu.memory_space<hbm>>, %arg4: memref<12800000xf32, #tpu.memory_space<hbm>>, %arg5: memref<48xf32, #tpu.memory_space<hbm>>, %arg6: memref<4096000xf32, #tpu.memory_space<hbm>>, %arg7: memref<48xf32, #tpu.memory_space<vmem>>, %arg8: memref<2x16000xf32, #tpu.memory_space<vmem>>, %arg9: memref<2x16000xf32, #tpu.memory_space<vmem>>, %arg10: memref<2x16000xf32, #tpu.memory_space<vmem>>, %arg11: memref<2x16000xf32, #tpu.memory_space<vmem>>, %arg12: memref<!tpu.dma_semaphore, #tpu.memory_space<semaphore_mem>>, %arg13: memref<!tpu.dma_semaphore, #tpu.memory_space<semaphore_mem>>, %arg14: memref<!tpu.dma_semaphore, #tpu.memory_space<semaphore_mem>>, %arg15: memref<!tpu.dma_semaphore, #tpu.memory_space<semaphore_mem>>) attributes {dimension_semantics = [#tpu.dimension_semantics<core_parallel>, #tpu.dimension_semantics<subcore_parallel>], iteration_bounds = array<i64: 2, 16>, scalar_prefetch = 0 : i64, scratch_operands = 9 : i64, tpu.core_type = #tpu.core_type<sc_vector_subcore>, window_params = [{transform_indices = #map}, {transform_indices = #map}, {transform_indices = #map}, {transform_indices = #map}, {transform_indices = #map}]} {
    %mul3A = arith.constant 2 : i32
    %mul3A_0 = arith.muli %arg1, %mul3A : i32
    %add3A = arith.addi %mul3A_0, %arg0 : i32
    %mul3A_1 = arith.constant 128000 : i32
    %mul3A_2 = arith.muli %add3A, %mul3A_1 : i32
    %add3A_3 = arith.constant 8704000 : i32
    %add3A_4 = arith.addi %add3A_3, %mul3A_2 : i32
    %mul3A_5 = arith.constant 128000 : i32
    %mul3A_6 = arith.muli %add3A, %mul3A_5 : i32
    "tpu.region"() ({
      %run_scoped3A = tpu.sem_alloc : memref<!tpu.dma_semaphore, #tpu.memory_space<semaphore_mem>>
      tpu.enqueue_dma source(%arg5 : memref<48xf32, #tpu.memory_space<hbm>>) target(%arg7 : memref<48xf32, #tpu.memory_space<vmem>>) target_semaphore(%run_scoped3A : memref<!tpu.dma_semaphore, #tpu.memory_space<semaphore_mem>>)
      tpu.wait_dma2 semaphore(%run_scoped3A : memref<!tpu.dma_semaphore, #tpu.memory_space<semaphore_mem>>) src(%arg5 : memref<48xf32, #tpu.memory_space<hbm>>) dst(%arg7 : memref<48xf32, #tpu.memory_space<vmem>>)
      tpu.yield
    }) : () -> ()
    %get3A = arith.constant 0 : index
    %get3A_7 = tpu.vector_load %arg7[%get3A] {strides = array<i32>} : memref<48xf32, #tpu.memory_space<vmem>>, vector<16xf32>,
    %get3A_8 = vector.shape_cast %get3A_7 : vector<16xf32> to vector<16xf32>
    %get3A_9 = arith.constant 16 : index
    %get3A_10 = tpu.vector_load %arg7[%get3A_9] {strides = array<i32>} : memref<48xf32, #tpu.memory_space<vmem>>, vector<16xf32>,
    %get3A_11 = vector.shape_cast %get3A_10 : vector<16xf32> to vector<16xf32>
    %get3A_12 = arith.constant 32 : index
    %get3A_13 = tpu.vector_load %arg7[%get3A_12] {strides = array<i32>} : memref<48xf32, #tpu.memory_space<vmem>>, vector<16xf32>,
    %get3A_14 = vector.shape_cast %get3A_13 : vector<16xf32> to vector<16xf32>
    %add3A_15 = arith.constant 0 : i32
    %add3A_16 = arith.addi %add3A_4, %add3A_15 : i32
    %dma_start3A = arith.constant 0 : i32
    %dma_start3A_17 = arith.constant 0 : i32
    %dma_start3A_18 = tpu.memref_slice %arg8[%dma_start3A, %dma_start3A_17] : memref<2x16000xf32, #tpu.memory_space<vmem>> -> memref<1x16000xf32, #tpu.memory_space<vmem>>
    %dma_start3A_19 = tpu.memref_squeeze %dma_start3A_18 : memref<1x16000xf32, #tpu.memory_space<vmem>> -> memref<16000xf32, #tpu.memory_space<vmem>>
    %dma_start3A_20 = tpu.memref_slice %arg2[%add3A_16] : memref<12800000xf32, #tpu.memory_space<hbm>> -> memref<16000xf32, #tpu.memory_space<hbm>>
    %dma_start3A_21 = arith.constant 0 : i32
    %dma_start3A_22 = tpu.memref_slice %arg8[%dma_start3A, %dma_start3A_21] : memref<2x16000xf32, #tpu.memory_space<vmem>> -> memref<1x16000xf32, #tpu.memory_space<vmem>>
    %dma_start3A_23 = tpu.memref_squeeze %dma_start3A_22 : memref<1x16000xf32, #tpu.memory_space<vmem>> -> memref<16000xf32, #tpu.memory_space<vmem>>
    %dma_start3A_24 = tpu.memref_slice %arg2[%add3A_16] : memref<12800000xf32, #tpu.memory_space<hbm>> -> memref<16000xf32, #tpu.memory_space<hbm>>
    tpu.enqueue_dma source(%dma_start3A_24 : memref<16000xf32, #tpu.memory_space<hbm>>) target(%dma_start3A_23 : memref<16000xf32, #tpu.memory_space<vmem>>) target_semaphore(%arg12 : memref<!tpu.dma_semaphore, #tpu.memory_space<semaphore_mem>>)
    %dma_start3A_25 = arith.constant 0 : i32
    %dma_start3A_26 = arith.constant 0 : i32
    %dma_start3A_27 = tpu.memref_slice %arg9[%dma_start3A_25, %dma_start3A_26] : memref<2x16000xf32, #tpu.memory_space<vmem>> -> memref<1x16000xf32, #tpu.memory_space<vmem>>
    %dma_start3A_28 = tpu.memref_squeeze %dma_start3A_27 : memref<1x16000xf32, #tpu.memory_space<vmem>> -> memref<16000xf32, #tpu.memory_space<vmem>>
    %dma_start3A_29 = tpu.memref_slice %arg3[%add3A_16] : memref<12800000xf32, #tpu.memory_space<hbm>> -> memref<16000xf32, #tpu.memory_space<hbm>>
    %dma_start3A_30 = arith.constant 0 : i32
    %dma_start3A_31 = tpu.memref_slice %arg9[%dma_start3A_25, %dma_start3A_30] : memref<2x16000xf32, #tpu.memory_space<vmem>> -> memref<1x16000xf32, #tpu.memory_space<vmem>>
    %dma_start3A_32 = tpu.memref_squeeze %dma_start3A_31 : memref<1x16000xf32, #tpu.memory_space<vmem>> -> memref<16000xf32, #tpu.memory_space<vmem>>
    %dma_start3A_33 = tpu.memref_slice %arg3[%add3A_16] : memref<12800000xf32, #tpu.memory_space<hbm>> -> memref<16000xf32, #tpu.memory_space<hbm>>
    tpu.enqueue_dma source(%dma_start3A_33 : memref<16000xf32, #tpu.memory_space<hbm>>) target(%dma_start3A_32 : memref<16000xf32, #tpu.memory_space<vmem>>) target_semaphore(%arg12 : memref<!tpu.dma_semaphore, #tpu.memory_space<semaphore_mem>>)
    %dma_start3A_34 = arith.constant 0 : i32
    %dma_start3A_35 = arith.constant 0 : i32
    %dma_start3A_36 = tpu.memref_slice %arg10[%dma_start3A_34, %dma_start3A_35] : memref<2x16000xf32, #tpu.memory_space<vmem>> -> memref<1x16000xf32, #tpu.memory_space<vmem>>
    %dma_start3A_37 = tpu.memref_squeeze %dma_start3A_36 : memref<1x16000xf32, #tpu.memory_space<vmem>> -> memref<16000xf32, #tpu.memory_space<vmem>>
    %dma_start3A_38 = tpu.memref_slice %arg4[%add3A_16] : memref<12800000xf32, #tpu.memory_space<hbm>> -> memref<16000xf32, #tpu.memory_space<hbm>>
    %dma_start3A_39 = arith.constant 0 : i32
    %dma_start3A_40 = tpu.memref_slice %arg10[%dma_start3A_34, %dma_start3A_39] : memref<2x16000xf32, #tpu.memory_space<vmem>> -> memref<1x16000xf32, #tpu.memory_space<vmem>>
    %dma_start3A_41 = tpu.memref_squeeze %dma_start3A_40 : memref<1x16000xf32, #tpu.memory_space<vmem>> -> memref<16000xf32, #tpu.memory_space<vmem>>
    %dma_start3A_42 = tpu.memref_slice %arg4[%add3A_16] : memref<12800000xf32, #tpu.memory_space<hbm>> -> memref<16000xf32, #tpu.memory_space<hbm>>
    tpu.enqueue_dma source(%dma_start3A_42 : memref<16000xf32, #tpu.memory_space<hbm>>) target(%dma_start3A_41 : memref<16000xf32, #tpu.memory_space<vmem>>) target_semaphore(%arg12 : memref<!tpu.dma_semaphore, #tpu.memory_space<semaphore_mem>>)
    %add3A_43 = arith.constant 16000 : i32
    %add3A_44 = arith.addi %add3A_4, %add3A_43 : i32
    %dma_start3A_45 = arith.constant 1 : i32
    %dma_start3A_46 = arith.constant 0 : i32
    %dma_start3A_47 = tpu.memref_slice %arg8[%dma_start3A_45, %dma_start3A_46] : memref<2x16000xf32, #tpu.memory_space<vmem>> -> memref<1x16000xf32, #tpu.memory_space<vmem>>
    %dma_start3A_48 = tpu.memref_squeeze %dma_start3A_47 : memref<1x16000xf32, #tpu.memory_space<vmem>> -> memref<16000xf32, #tpu.memory_space<vmem>>
    %dma_start3A_49 = tpu.memref_slice %arg2[%add3A_44] : memref<12800000xf32, #tpu.memory_space<hbm>> -> memref<16000xf32, #tpu.memory_space<hbm>>
    %dma_start3A_50 = arith.constant 0 : i32
    %dma_start3A_51 = tpu.memref_slice %arg8[%dma_start3A_45, %dma_start3A_50] : memref<2x16000xf32, #tpu.memory_space<vmem>> -> memref<1x16000xf32, #tpu.memory_space<vmem>>
    %dma_start3A_52 = tpu.memref_squeeze %dma_start3A_51 : memref<1x16000xf32, #tpu.memory_space<vmem>> -> memref<16000xf32, #tpu.memory_space<vmem>>
    %dma_start3A_53 = tpu.memref_slice %arg2[%add3A_44] : memref<12800000xf32, #tpu.memory_space<hbm>> -> memref<16000xf32, #tpu.memory_space<hbm>>
    tpu.enqueue_dma source(%dma_start3A_53 : memref<16000xf32, #tpu.memory_space<hbm>>) target(%dma_start3A_52 : memref<16000xf32, #tpu.memory_space<vmem>>) target_semaphore(%arg13 : memref<!tpu.dma_semaphore, #tpu.memory_space<semaphore_mem>>)
    %dma_start3A_54 = arith.constant 1 : i32
    %dma_start3A_55 = arith.constant 0 : i32
    %dma_start3A_56 = tpu.memref_slice %arg9[%dma_start3A_54, %dma_start3A_55] : memref<2x16000xf32, #tpu.memory_space<vmem>> -> memref<1x16000xf32, #tpu.memory_space<vmem>>
    %dma_start3A_57 = tpu.memref_squeeze %dma_start3A_56 : memref<1x16000xf32, #tpu.memory_space<vmem>> -> memref<16000xf32, #tpu.memory_space<vmem>>
    %dma_start3A_58 = tpu.memref_slice %arg3[%add3A_44] : memref<12800000xf32, #tpu.memory_space<hbm>> -> memref<16000xf32, #tpu.memory_space<hbm>>
    %dma_start3A_59 = arith.constant 0 : i32
    %dma_start3A_60 = tpu.memref_slice %arg9[%dma_start3A_54, %dma_start3A_59] : memref<2x16000xf32, #tpu.memory_space<vmem>> -> memref<1x16000xf32, #tpu.memory_space<vmem>>
    %dma_start3A_61 = tpu.memref_squeeze %dma_start3A_60 : memref<1x16000xf32, #tpu.memory_space<vmem>> -> memref<16000xf32, #tpu.memory_space<vmem>>
    %dma_start3A_62 = tpu.memref_slice %arg3[%add3A_44] : memref<12800000xf32, #tpu.memory_space<hbm>> -> memref<16000xf32, #tpu.memory_space<hbm>>
    tpu.enqueue_dma source(%dma_start3A_62 : memref<16000xf32, #tpu.memory_space<hbm>>) target(%dma_start3A_61 : memref<16000xf32, #tpu.memory_space<vmem>>) target_semaphore(%arg13 : memref<!tpu.dma_semaphore, #tpu.memory_space<semaphore_mem>>)
    %dma_start3A_63 = arith.constant 1 : i32
    %dma_start3A_64 = arith.constant 0 : i32
    %dma_start3A_65 = tpu.memref_slice %arg10[%dma_start3A_63, %dma_start3A_64] : memref<2x16000xf32, #tpu.memory_space<vmem>> -> memref<1x16000xf32, #tpu.memory_space<vmem>>
    %dma_start3A_66 = tpu.memref_squeeze %dma_start3A_65 : memref<1x16000xf32, #tpu.memory_space<vmem>> -> memref<16000xf32, #tpu.memory_space<vmem>>
    %dma_start3A_67 = tpu.memref_slice %arg4[%add3A_44] : memref<12800000xf32, #tpu.memory_space<hbm>> -> memref<16000xf32, #tpu.memory_space<hbm>>
    %dma_start3A_68 = arith.constant 0 : i32
    %dma_start3A_69 = tpu.memref_slice %arg10[%dma_start3A_63, %dma_start3A_68] : memref<2x16000xf32, #tpu.memory_space<vmem>> -> memref<1x16000xf32, #tpu.memory_space<vmem>>
    %dma_start3A_70 = tpu.memref_squeeze %dma_start3A_69 : memref<1x16000xf32, #tpu.memory_space<vmem>> -> memref<16000xf32, #tpu.memory_space<vmem>>
    %dma_start3A_71 = tpu.memref_slice %arg4[%add3A_44] : memref<12800000xf32, #tpu.memory_space<hbm>> -> memref<16000xf32, #tpu.memory_space<hbm>>
    tpu.enqueue_dma source(%dma_start3A_71 : memref<16000xf32, #tpu.memory_space<hbm>>) target(%dma_start3A_70 : memref<16000xf32, #tpu.memory_space<vmem>>) target_semaphore(%arg13 : memref<!tpu.dma_semaphore, #tpu.memory_space<semaphore_mem>>)
    %dma_wait3A = arith.constant 0 : i32
    %dma_wait3A_72 = arith.constant 0 : i32
    %dma_wait3A_73 = tpu.memref_slice %arg8[%dma_wait3A, %dma_wait3A_72] : memref<2x16000xf32, #tpu.memory_space<vmem>> -> memref<1x16000xf32, #tpu.memory_space<vmem>>
    %dma_wait3A_74 = tpu.memref_squeeze %dma_wait3A_73 : memref<1x16000xf32, #tpu.memory_space<vmem>> -> memref<16000xf32, #tpu.memory_space<vmem>>
    %dma_wait3A_75 = arith.constant 0 : i32
    %dma_wait3A_76 = tpu.memref_slice %arg2[%dma_wait3A_75] : memref<12800000xf32, #tpu.memory_space<hbm>> -> memref<16000xf32, #tpu.memory_space<hbm>>
    %dma_wait3A_77 = arith.constant 0 : i32
    %dma_wait3A_78 = tpu.memref_slice %arg8[%dma_wait3A, %dma_wait3A_77] : memref<2x16000xf32, #tpu.memory_space<vmem>> -> memref<1x16000xf32, #tpu.memory_space<vmem>>
    %dma_wait3A_79 = tpu.memref_squeeze %dma_wait3A_78 : memref<1x16000xf32, #tpu.memory_space<vmem>> -> memref<16000xf32, #tpu.memory_space<vmem>>
    %dma_wait3A_80 = arith.constant 0 : i32
    %dma_wait3A_81 = tpu.memref_slice %arg2[%dma_wait3A_80] : memref<12800000xf32, #tpu.memory_space<hbm>> -> memref<16000xf32, #tpu.memory_space<hbm>>
    tpu.wait_dma2 semaphore(%arg12 : memref<!tpu.dma_semaphore, #tpu.memory_space<semaphore_mem>>) src(%dma_wait3A_81 : memref<16000xf32, #tpu.memory_space<hbm>>) dst(%dma_wait3A_79 : memref<16000xf32, #tpu.memory_space<vmem>>)
    %dma_wait3A_82 = arith.constant 0 : i32
    %dma_wait3A_83 = arith.constant 0 : i32
    %dma_wait3A_84 = tpu.memref_slice %arg9[%dma_wait3A_82, %dma_wait3A_83] : memref<2x16000xf32, #tpu.memory_space<vmem>> -> memref<1x16000xf32, #tpu.memory_space<vmem>>
    %dma_wait3A_85 = tpu.memref_squeeze %dma_wait3A_84 : memref<1x16000xf32, #tpu.memory_space<vmem>> -> memref<16000xf32, #tpu.memory_space<vmem>>
    %dma_wait3A_86 = arith.constant 0 : i32
    %dma_wait3A_87 = tpu.memref_slice %arg3[%dma_wait3A_86] : memref<12800000xf32, #tpu.memory_space<hbm>> -> memref<16000xf32, #tpu.memory_space<hbm>>
    %dma_wait3A_88 = arith.constant 0 : i32
    %dma_wait3A_89 = tpu.memref_slice %arg9[%dma_wait3A_82, %dma_wait3A_88] : memref<2x16000xf32, #tpu.memory_space<vmem>> -> memref<1x16000xf32, #tpu.memory_space<vmem>>
    %dma_wait3A_90 = tpu.memref_squeeze %dma_wait3A_89 : memref<1x16000xf32, #tpu.memory_space<vmem>> -> memref<16000xf32, #tpu.memory_space<vmem>>
    %dma_wait3A_91 = arith.constant 0 : i32
    %dma_wait3A_92 = tpu.memref_slice %arg3[%dma_wait3A_91] : memref<12800000xf32, #tpu.memory_space<hbm>> -> memref<16000xf32, #tpu.memory_space<hbm>>
    tpu.wait_dma2 semaphore(%arg12 : memref<!tpu.dma_semaphore, #tpu.memory_space<semaphore_mem>>) src(%dma_wait3A_92 : memref<16000xf32, #tpu.memory_space<hbm>>) dst(%dma_wait3A_90 : memref<16000xf32, #tpu.memory_space<vmem>>)
    %dma_wait3A_93 = arith.constant 0 : i32
    %dma_wait3A_94 = arith.constant 0 : i32
    %dma_wait3A_95 = tpu.memref_slice %arg10[%dma_wait3A_93, %dma_wait3A_94] : memref<2x16000xf32, #tpu.memory_space<vmem>> -> memref<1x16000xf32, #tpu.memory_space<vmem>>
    %dma_wait3A_96 = tpu.memref_squeeze %dma_wait3A_95 : memref<1x16000xf32, #tpu.memory_space<vmem>> -> memref<16000xf32, #tpu.memory_space<vmem>>
    %dma_wait3A_97 = arith.constant 0 : i32
    %dma_wait3A_98 = tpu.memref_slice %arg4[%dma_wait3A_97] : memref<12800000xf32, #tpu.memory_space<hbm>> -> memref<16000xf32, #tpu.memory_space<hbm>>
    %dma_wait3A_99 = arith.constant 0 : i32
    %dma_wait3A_100 = tpu.memref_slice %arg10[%dma_wait3A_93, %dma_wait3A_99] : memref<2x16000xf32, #tpu.memory_space<vmem>> -> memref<1x16000xf32, #tpu.memory_space<vmem>>
    %dma_wait3A_101 = tpu.memref_squeeze %dma_wait3A_100 : memref<1x16000xf32, #tpu.memory_space<vmem>> -> memref<16000xf32, #tpu.memory_space<vmem>>
    %dma_wait3A_102 = arith.constant 0 : i32
    %dma_wait3A_103 = tpu.memref_slice %arg4[%dma_wait3A_102] : memref<12800000xf32, #tpu.memory_space<hbm>> -> memref<16000xf32, #tpu.memory_space<hbm>>
    tpu.wait_dma2 semaphore(%arg12 : memref<!tpu.dma_semaphore, #tpu.memory_space<semaphore_mem>>) src(%dma_wait3A_103 : memref<16000xf32, #tpu.memory_space<hbm>>) dst(%dma_wait3A_101 : memref<16000xf32, #tpu.memory_space<vmem>>)
    %parallel_loop3A = arith.constant 0 : i32
    %parallel_loop3A_104 = arith.constant 16000 : i32
    %parallel_loop3A_105 = arith.constant 16 : i32
    scf.for %parallel_loop3A_708 = %parallel_loop3A to %parallel_loop3A_104 step %parallel_loop3A_105  : i32 {
      %parallel_loop3A_709 = arith.constant 0 : i32
      %parallel_loop3A_710 = arith.index_cast %parallel_loop3A_709 : i32 to index
      %parallel_loop3A_711 = arith.index_cast %parallel_loop3A_708 : i32 to index
      %parallel_loop3A_712 = tpu.vector_load %arg8[%parallel_loop3A_710, %parallel_loop3A_711] {strides = array<i32>} : memref<2x16000xf32, #tpu.memory_space<vmem>>, vector<1x16xf32>,
      %parallel_loop3A_713 = vector.shape_cast %parallel_loop3A_712 : vector<1x16xf32> to vector<16xf32>
      %parallel_loop3A_714 = arith.mulf %parallel_loop3A_713, %get3A_8 : vector<16xf32>
      %parallel_loop3A_715 = arith.constant 0 : i32
      %parallel_loop3A_716 = arith.index_cast %parallel_loop3A_715 : i32 to index
      %parallel_loop3A_717 = arith.index_cast %parallel_loop3A_708 : i32 to index
      %parallel_loop3A_718 = tpu.vector_load %arg9[%parallel_loop3A_716, %parallel_loop3A_717] {strides = array<i32>} : memref<2x16000xf32, #tpu.memory_space<vmem>>, vector<1x16xf32>,
      %parallel_loop3A_719 = vector.shape_cast %parallel_loop3A_718 : vector<1x16xf32> to vector<16xf32>
      %parallel_loop3A_720 = arith.mulf %parallel_loop3A_719, %get3A_11 : vector<16xf32>
      %parallel_loop3A_721 = arith.addf %parallel_loop3A_714, %parallel_loop3A_720 : vector<16xf32>
      %parallel_loop3A_722 = arith.constant 0 : i32
      %parallel_loop3A_723 = arith.index_cast %parallel_loop3A_722 : i32 to index
      %parallel_loop3A_724 = arith.index_cast %parallel_loop3A_708 : i32 to index
      %parallel_loop3A_725 = tpu.vector_load %arg10[%parallel_loop3A_723, %parallel_loop3A_724] {strides = array<i32>} : memref<2x16000xf32, #tpu.memory_space<vmem>>, vector<1x16xf32>,
      %parallel_loop3A_726 = vector.shape_cast %parallel_loop3A_725 : vector<1x16xf32> to vector<16xf32>
      %parallel_loop3A_727 = arith.mulf %parallel_loop3A_726, %get3A_14 : vector<16xf32>
      %parallel_loop3A_728 = arith.addf %parallel_loop3A_721, %parallel_loop3A_727 : vector<16xf32>
      %parallel_loop3A_729 = arith.constant 0 : i32
      %parallel_loop3A_730 = arith.index_cast %parallel_loop3A_729 : i32 to index
      %parallel_loop3A_731 = arith.index_cast %parallel_loop3A_708 : i32 to index
      %parallel_loop3A_732 = tpu.vector_load %arg11[%parallel_loop3A_730, %parallel_loop3A_731] {strides = array<i32>} : memref<2x16000xf32, #tpu.memory_space<vmem>>, vector<1x16xf32>,
      %parallel_loop3A_733 = vector.shape_cast %parallel_loop3A_732 : vector<1x16xf32> to vector<16xf32>
      %parallel_loop3A_734 = vector.shape_cast %parallel_loop3A_728 : vector<16xf32> to vector<1x16xf32>
      tpu.vector_store %arg11[%parallel_loop3A_730, %parallel_loop3A_731], %parallel_loop3A_734 {strides = array<i32>} : memref<2x16000xf32, #tpu.memory_space<vmem>>, vector<1x16xf32>,
    } {sc.loop_unroll_factor = 8 : i64, sc.parallel_access}
    %add3A_106 = arith.constant 0 : i32
    %add3A_107 = arith.addi %mul3A_6, %add3A_106 : i32
    %dma_start3A_108 = arith.constant 0 : i32
    %dma_start3A_109 = arith.constant 0 : i32
    %dma_start3A_110 = tpu.memref_slice %arg11[%dma_start3A_108, %dma_start3A_109] : memref<2x16000xf32, #tpu.memory_space<vmem>> -> memref<1x16000xf32, #tpu.memory_space<vmem>>
    %dma_start3A_111 = tpu.memref_squeeze %dma_start3A_110 : memref<1x16000xf32, #tpu.memory_space<vmem>> -> memref<16000xf32, #tpu.memory_space<vmem>>
    %dma_start3A_112 = tpu.memref_slice %arg6[%add3A_107] : memref<4096000xf32, #tpu.memory_space<hbm>> -> memref<16000xf32, #tpu.memory_space<hbm>>
    %dma_start3A_113 = tpu.memref_slice %arg6[%add3A_107] : memref<4096000xf32, #tpu.memory_space<hbm>> -> memref<16000xf32, #tpu.memory_space<hbm>>
    %dma_start3A_114 = arith.constant 0 : i32
    %dma_start3A_115 = tpu.memref_slice %arg11[%dma_start3A_108, %dma_start3A_114] : memref<2x16000xf32, #tpu.memory_space<vmem>> -> memref<1x16000xf32, #tpu.memory_space<vmem>>
    %dma_start3A_116 = tpu.memref_squeeze %dma_start3A_115 : memref<1x16000xf32, #tpu.memory_space<vmem>> -> memref<16000xf32, #tpu.memory_space<vmem>>
    tpu.enqueue_dma source(%dma_start3A_116 : memref<16000xf32, #tpu.memory_space<vmem>>) target(%dma_start3A_113 : memref<16000xf32, #tpu.memory_space<hbm>>) target_semaphore(%arg14 : memref<!tpu.dma_semaphore, #tpu.memory_space<semaphore_mem>>)
    %add3A_117 = arith.constant 32000 : i32
    %add3A_118 = arith.addi %add3A_4, %add3A_117 : i32
    %dma_start3A_119 = arith.constant 0 : i32
    %dma_start3A_120 = arith.constant 0 : i32
    %dma_start3A_121 = tpu.memref_slice %arg8[%dma_start3A_119, %dma_start3A_120] : memref<2x16000xf32, #tpu.memory_space<vmem>> -> memref<1x16000xf32, #tpu.memory_space<vmem>>
    %dma_start3A_122 = tpu.memref_squeeze %dma_start3A_121 : memref<1x16000xf32, #tpu.memory_space<vmem>> -> memref<16000xf32, #tpu.memory_space<vmem>>
    %dma_start3A_123 = tpu.memref_slice %arg2[%add3A_118] : memref<12800000xf32, #tpu.memory_space<hbm>> -> memref<16000xf32, #tpu.memory_space<hbm>>
    %dma_start3A_124 = arith.constant 0 : i32
    %dma_start3A_125 = tpu.memref_slice %arg8[%dma_start3A_119, %dma_start3A_124] : memref<2x16000xf32, #tpu.memory_space<vmem>> -> memref<1x16000xf32, #tpu.memory_space<vmem>>
    %dma_start3A_126 = tpu.memref_squeeze %dma_start3A_125 : memref<1x16000xf32, #tpu.memory_space<vmem>> -> memref<16000xf32, #tpu.memory_space<vmem>>
    %dma_start3A_127 = tpu.memref_slice %arg2[%add3A_118] : memref<12800000xf32, #tpu.memory_space<hbm>> -> memref<16000xf32, #tpu.memory_space<hbm>>
    tpu.enqueue_dma source(%dma_start3A_127 : memref<16000xf32, #tpu.memory_space<hbm>>) target(%dma_start3A_126 : memref<16000xf32, #tpu.memory_space<vmem>>) target_semaphore(%arg12 : memref<!tpu.dma_semaphore, #tpu.memory_space<semaphore_mem>>)
    %dma_start3A_128 = arith.constant 0 : i32
    %dma_start3A_129 = arith.constant 0 : i32
    %dma_start3A_130 = tpu.memref_slice %arg9[%dma_start3A_128, %dma_start3A_129] : memref<2x16000xf32, #tpu.memory_space<vmem>> -> memref<1x16000xf32, #tpu.memory_space<vmem>>
    %dma_start3A_131 = tpu.memref_squeeze %dma_start3A_130 : memref<1x16000xf32, #tpu.memory_space<vmem>> -> memref<16000xf32, #tpu.memory_space<vmem>>
    %dma_start3A_132 = tpu.memref_slice %arg3[%add3A_118] : memref<12800000xf32, #tpu.memory_space<hbm>> -> memref<16000xf32, #tpu.memory_space<hbm>>
    %dma_start3A_133 = arith.constant 0 : i32
    %dma_start3A_134 = tpu.memref_slice %arg9[%dma_start3A_128, %dma_start3A_133] : memref<2x16000xf32, #tpu.memory_space<vmem>> -> memref<1x16000xf32, #tpu.memory_space<vmem>>
    %dma_start3A_135 = tpu.memref_squeeze %dma_start3A_134 : memref<1x16000xf32, #tpu.memory_space<vmem>> -> memref<16000xf32, #tpu.memory_space<vmem>>
    %dma_start3A_136 = tpu.memref_slice %arg3[%add3A_118] : memref<12800000xf32, #tpu.memory_space<hbm>> -> memref<16000xf32, #tpu.memory_space<hbm>>
    tpu.enqueue_dma source(%dma_start3A_136 : memref<16000xf32, #tpu.memory_space<hbm>>) target(%dma_start3A_135 : memref<16000xf32, #tpu.memory_space<vmem>>) target_semaphore(%arg12 : memref<!tpu.dma_semaphore, #tpu.memory_space<semaphore_mem>>)
    %dma_start3A_137 = arith.constant 0 : i32
    %dma_start3A_138 = arith.constant 0 : i32
    %dma_start3A_139 = tpu.memref_slice %arg10[%dma_start3A_137, %dma_start3A_138] : memref<2x16000xf32, #tpu.memory_space<vmem>> -> memref<1x16000xf32, #tpu.memory_space<vmem>>
    %dma_start3A_140 = tpu.memref_squeeze %dma_start3A_139 : memref<1x16000xf32, #tpu.memory_space<vmem>> -> memref<16000xf32, #tpu.memory_space<vmem>>
    %dma_start3A_141 = tpu.memref_slice %arg4[%add3A_118] : memref<12800000xf32, #tpu.memory_space<hbm>> -> memref<16000xf32, #tpu.memory_space<hbm>>
    %dma_start3A_142 = arith.constant 0 : i32
    %dma_start3A_143 = tpu.memref_slice %arg10[%dma_start3A_137, %dma_start3A_142] : memref<2x16000xf32, #tpu.memory_space<vmem>> -> memref<1x16000xf32, #tpu.memory_space<vmem>>
    %dma_start3A_144 = tpu.memref_squeeze %dma_start3A_143 : memref<1x16000xf32, #tpu.memory_space<vmem>> -> memref<16000xf32, #tpu.memory_space<vmem>>
    %dma_start3A_145 = tpu.memref_slice %arg4[%add3A_118] : memref<12800000xf32, #tpu.memory_space<hbm>> -> memref<16000xf32, #tpu.memory_space<hbm>>
    tpu.enqueue_dma source(%dma_start3A_145 : memref<16000xf32, #tpu.memory_space<hbm>>) target(%dma_start3A_144 : memref<16000xf32, #tpu.memory_space<vmem>>) target_semaphore(%arg12 : memref<!tpu.dma_semaphore, #tpu.memory_space<semaphore_mem>>)
    %dma_wait3A_146 = arith.constant 1 : i32
    %dma_wait3A_147 = arith.constant 0 : i32
    %dma_wait3A_148 = tpu.memref_slice %arg8[%dma_wait3A_146, %dma_wait3A_147] : memref<2x16000xf32, #tpu.memory_space<vmem>> -> memref<1x16000xf32, #tpu.memory_space<vmem>>
    %dma_wait3A_149 = tpu.memref_squeeze %dma_wait3A_148 : memref<1x16000xf32, #tpu.memory_space<vmem>> -> memref<16000xf32, #tpu.memory_space<vmem>>
    %dma_wait3A_150 = arith.constant 0 : i32
    %dma_wait3A_151 = tpu.memref_slice %arg2[%dma_wait3A_150] : memref<12800000xf32, #tpu.memory_space<hbm>> -> memref<16000xf32, #tpu.memory_space<hbm>>
    %dma_wait3A_152 = arith.constant 0 : i32
    %dma_wait3A_153 = tpu.memref_slice %arg8[%dma_wait3A_146, %dma_wait3A_152] : memref<2x16000xf32, #tpu.memory_space<vmem>> -> memref<1x16000xf32, #tpu.memory_space<vmem>>
    %dma_wait3A_154 = tpu.memref_squeeze %dma_wait3A_153 : memref<1x16000xf32, #tpu.memory_space<vmem>> -> memref<16000xf32, #tpu.memory_space<vmem>>
    %dma_wait3A_155 = arith.constant 0 : i32
    %dma_wait3A_156 = tpu.memref_slice %arg2[%dma_wait3A_155] : memref<12800000xf32, #tpu.memory_space<hbm>> -> memref<16000xf32, #tpu.memory_space<hbm>>
    tpu.wait_dma2 semaphore(%arg13 : memref<!tpu.dma_semaphore, #tpu.memory_space<semaphore_mem>>) src(%dma_wait3A_156 : memref<16000xf32, #tpu.memory_space<hbm>>) dst(%dma_wait3A_154 : memref<16000xf32, #tpu.memory_space<vmem>>)
    %dma_wait3A_157 = arith.constant 1 : i32
    %dma_wait3A_158 = arith.constant 0 : i32
    %dma_wait3A_159 = tpu.memref_slice %arg9[%dma_wait3A_157, %dma_wait3A_158] : memref<2x16000xf32, #tpu.memory_space<vmem>> -> memref<1x16000xf32, #tpu.memory_space<vmem>>
    %dma_wait3A_160 = tpu.memref_squeeze %dma_wait3A_159 : memref<1x16000xf32, #tpu.memory_space<vmem>> -> memref<16000xf32, #tpu.memory_space<vmem>>
    %dma_wait3A_161 = arith.constant 0 : i32
    %dma_wait3A_162 = tpu.memref_slice %arg3[%dma_wait3A_161] : memref<12800000xf32, #tpu.memory_space<hbm>> -> memref<16000xf32, #tpu.memory_space<hbm>>
    %dma_wait3A_163 = arith.constant 0 : i32
    %dma_wait3A_164 = tpu.memref_slice %arg9[%dma_wait3A_157, %dma_wait3A_163] : memref<2x16000xf32, #tpu.memory_space<vmem>> -> memref<1x16000xf32, #tpu.memory_space<vmem>>
    %dma_wait3A_165 = tpu.memref_squeeze %dma_wait3A_164 : memref<1x16000xf32, #tpu.memory_space<vmem>> -> memref<16000xf32, #tpu.memory_space<vmem>>
    %dma_wait3A_166 = arith.constant 0 : i32
    %dma_wait3A_167 = tpu.memref_slice %arg3[%dma_wait3A_166] : memref<12800000xf32, #tpu.memory_space<hbm>> -> memref<16000xf32, #tpu.memory_space<hbm>>
    tpu.wait_dma2 semaphore(%arg13 : memref<!tpu.dma_semaphore, #tpu.memory_space<semaphore_mem>>) src(%dma_wait3A_167 : memref<16000xf32, #tpu.memory_space<hbm>>) dst(%dma_wait3A_165 : memref<16000xf32, #tpu.memory_space<vmem>>)
    %dma_wait3A_168 = arith.constant 1 : i32
    %dma_wait3A_169 = arith.constant 0 : i32
    %dma_wait3A_170 = tpu.memref_slice %arg10[%dma_wait3A_168, %dma_wait3A_169] : memref<2x16000xf32, #tpu.memory_space<vmem>> -> memref<1x16000xf32, #tpu.memory_space<vmem>>
    %dma_wait3A_171 = tpu.memref_squeeze %dma_wait3A_170 : memref<1x16000xf32, #tpu.memory_space<vmem>> -> memref<16000xf32, #tpu.memory_space<vmem>>
    %dma_wait3A_172 = arith.constant 0 : i32
    %dma_wait3A_173 = tpu.memref_slice %arg4[%dma_wait3A_172] : memref<12800000xf32, #tpu.memory_space<hbm>> -> memref<16000xf32, #tpu.memory_space<hbm>>
    %dma_wait3A_174 = arith.constant 0 : i32
    %dma_wait3A_175 = tpu.memref_slice %arg10[%dma_wait3A_168, %dma_wait3A_174] : memref<2x16000xf32, #tpu.memory_space<vmem>> -> memref<1x16000xf32, #tpu.memory_space<vmem>>
    %dma_wait3A_176 = tpu.memref_squeeze %dma_wait3A_175 : memref<1x16000xf32, #tpu.memory_space<vmem>> -> memref<16000xf32, #tpu.memory_space<vmem>>
    %dma_wait3A_177 = arith.constant 0 : i32
    %dma_wait3A_178 = tpu.memref_slice %arg4[%dma_wait3A_177] : memref<12800000xf32, #tpu.memory_space<hbm>> -> memref<16000xf32, #tpu.memory_space<hbm>>
    tpu.wait_dma2 semaphore(%arg13 : memref<!tpu.dma_semaphore, #tpu.memory_space<semaphore_mem>>) src(%dma_wait3A_178 : memref<16000xf32, #tpu.memory_space<hbm>>) dst(%dma_wait3A_176 : memref<16000xf32, #tpu.memory_space<vmem>>)
    %parallel_loop3A_179 = arith.constant 0 : i32
    %parallel_loop3A_180 = arith.constant 16000 : i32
    %parallel_loop3A_181 = arith.constant 16 : i32
    scf.for %parallel_loop3A_708 = %parallel_loop3A_179 to %parallel_loop3A_180 step %parallel_loop3A_181  : i32 {
      %parallel_loop3A_709 = arith.constant 1 : i32
      %parallel_loop3A_710 = arith.index_cast %parallel_loop3A_709 : i32 to index
      %parallel_loop3A_711 = arith.index_cast %parallel_loop3A_708 : i32 to index
      %parallel_loop3A_712 = tpu.vector_load %arg8[%parallel_loop3A_710, %parallel_loop3A_711] {strides = array<i32>} : memref<2x16000xf32, #tpu.memory_space<vmem>>, vector<1x16xf32>,
      %parallel_loop3A_713 = vector.shape_cast %parallel_loop3A_712 : vector<1x16xf32> to vector<16xf32>
      %parallel_loop3A_714 = arith.mulf %parallel_loop3A_713, %get3A_8 : vector<16xf32>
      %parallel_loop3A_715 = arith.constant 1 : i32
      %parallel_loop3A_716 = arith.index_cast %parallel_loop3A_715 : i32 to index
      %parallel_loop3A_717 = arith.index_cast %parallel_loop3A_708 : i32 to index
      %parallel_loop3A_718 = tpu.vector_load %arg9[%parallel_loop3A_716, %parallel_loop3A_717] {strides = array<i32>} : memref<2x16000xf32, #tpu.memory_space<vmem>>, vector<1x16xf32>,
      %parallel_loop3A_719 = vector.shape_cast %parallel_loop3A_718 : vector<1x16xf32> to vector<16xf32>
      %parallel_loop3A_720 = arith.mulf %parallel_loop3A_719, %get3A_11 : vector<16xf32>
      %parallel_loop3A_721 = arith.addf %parallel_loop3A_714, %parallel_loop3A_720 : vector<16xf32>
      %parallel_loop3A_722 = arith.constant 1 : i32
      %parallel_loop3A_723 = arith.index_cast %parallel_loop3A_722 : i32 to index
      %parallel_loop3A_724 = arith.index_cast %parallel_loop3A_708 : i32 to index
      %parallel_loop3A_725 = tpu.vector_load %arg10[%parallel_loop3A_723, %parallel_loop3A_724] {strides = array<i32>} : memref<2x16000xf32, #tpu.memory_space<vmem>>, vector<1x16xf32>,
      %parallel_loop3A_726 = vector.shape_cast %parallel_loop3A_725 : vector<1x16xf32> to vector<16xf32>
      %parallel_loop3A_727 = arith.mulf %parallel_loop3A_726, %get3A_14 : vector<16xf32>
      %parallel_loop3A_728 = arith.addf %parallel_loop3A_721, %parallel_loop3A_727 : vector<16xf32>
      %parallel_loop3A_729 = arith.constant 1 : i32
      %parallel_loop3A_730 = arith.index_cast %parallel_loop3A_729 : i32 to index
      %parallel_loop3A_731 = arith.index_cast %parallel_loop3A_708 : i32 to index
      %parallel_loop3A_732 = tpu.vector_load %arg11[%parallel_loop3A_730, %parallel_loop3A_731] {strides = array<i32>} : memref<2x16000xf32, #tpu.memory_space<vmem>>, vector<1x16xf32>,
      %parallel_loop3A_733 = vector.shape_cast %parallel_loop3A_732 : vector<1x16xf32> to vector<16xf32>
      %parallel_loop3A_734 = vector.shape_cast %parallel_loop3A_728 : vector<16xf32> to vector<1x16xf32>
      tpu.vector_store %arg11[%parallel_loop3A_730, %parallel_loop3A_731], %parallel_loop3A_734 {strides = array<i32>} : memref<2x16000xf32, #tpu.memory_space<vmem>>, vector<1x16xf32>,
    } {sc.loop_unroll_factor = 8 : i64, sc.parallel_access}
    %add3A_182 = arith.constant 16000 : i32
    %add3A_183 = arith.addi %mul3A_6, %add3A_182 : i32
    %dma_start3A_184 = arith.constant 1 : i32
    %dma_start3A_185 = arith.constant 0 : i32
    %dma_start3A_186 = tpu.memref_slice %arg11[%dma_start3A_184, %dma_start3A_185] : memref<2x16000xf32, #tpu.memory_space<vmem>> -> memref<1x16000xf32, #tpu.memory_space<vmem>>
    %dma_start3A_187 = tpu.memref_squeeze %dma_start3A_186 : memref<1x16000xf32, #tpu.memory_space<vmem>> -> memref<16000xf32, #tpu.memory_space<vmem>>
    %dma_start3A_188 = tpu.memref_slice %arg6[%add3A_183] : memref<4096000xf32, #tpu.memory_space<hbm>> -> memref<16000xf32, #tpu.memory_space<hbm>>
    %dma_start3A_189 = tpu.memref_slice %arg6[%add3A_183] : memref<4096000xf32, #tpu.memory_space<hbm>> -> memref<16000xf32, #tpu.memory_space<hbm>>
    %dma_start3A_190 = arith.constant 0 : i32
    %dma_start3A_191 = tpu.memref_slice %arg11[%dma_start3A_184, %dma_start3A_190] : memref<2x16000xf32, #tpu.memory_space<vmem>> -> memref<1x16000xf32, #tpu.memory_space<vmem>>
    %dma_start3A_192 = tpu.memref_squeeze %dma_start3A_191 : memref<1x16000xf32, #tpu.memory_space<vmem>> -> memref<16000xf32, #tpu.memory_space<vmem>>
    tpu.enqueue_dma source(%dma_start3A_192 : memref<16000xf32, #tpu.memory_space<vmem>>) target(%dma_start3A_189 : memref<16000xf32, #tpu.memory_space<hbm>>) target_semaphore(%arg15 : memref<!tpu.dma_semaphore, #tpu.memory_space<semaphore_mem>>)
    %add3A_193 = arith.constant 48000 : i32
    %add3A_194 = arith.addi %add3A_4, %add3A_193 : i32
    %dma_start3A_195 = arith.constant 1 : i32
    %dma_start3A_196 = arith.constant 0 : i32
    %dma_start3A_197 = tpu.memref_slice %arg8[%dma_start3A_195, %dma_start3A_196] : memref<2x16000xf32, #tpu.memory_space<vmem>> -> memref<1x16000xf32, #tpu.memory_space<vmem>>
    %dma_start3A_198 = tpu.memref_squeeze %dma_start3A_197 : memref<1x16000xf32, #tpu.memory_space<vmem>> -> memref<16000xf32, #tpu.memory_space<vmem>>
    %dma_start3A_199 = tpu.memref_slice %arg2[%add3A_194] : memref<12800000xf32, #tpu.memory_space<hbm>> -> memref<16000xf32, #tpu.memory_space<hbm>>
    %dma_start3A_200 = arith.constant 0 : i32
    %dma_start3A_201 = tpu.memref_slice %arg8[%dma_start3A_195, %dma_start3A_200] : memref<2x16000xf32, #tpu.memory_space<vmem>> -> memref<1x16000xf32, #tpu.memory_space<vmem>>
    %dma_start3A_202 = tpu.memref_squeeze %dma_start3A_201 : memref<1x16000xf32, #tpu.memory_space<vmem>> -> memref<16000xf32, #tpu.memory_space<vmem>>
    %dma_start3A_203 = tpu.memref_slice %arg2[%add3A_194] : memref<12800000xf32, #tpu.memory_space<hbm>> -> memref<16000xf32, #tpu.memory_space<hbm>>
    tpu.enqueue_dma source(%dma_start3A_203 : memref<16000xf32, #tpu.memory_space<hbm>>) target(%dma_start3A_202 : memref<16000xf32, #tpu.memory_space<vmem>>) target_semaphore(%arg13 : memref<!tpu.dma_semaphore, #tpu.memory_space<semaphore_mem>>)
    %dma_start3A_204 = arith.constant 1 : i32
    %dma_start3A_205 = arith.constant 0 : i32
    %dma_start3A_206 = tpu.memref_slice %arg9[%dma_start3A_204, %dma_start3A_205] : memref<2x16000xf32, #tpu.memory_space<vmem>> -> memref<1x16000xf32, #tpu.memory_space<vmem>>
    %dma_start3A_207 = tpu.memref_squeeze %dma_start3A_206 : memref<1x16000xf32, #tpu.memory_space<vmem>> -> memref<16000xf32, #tpu.memory_space<vmem>>
    %dma_start3A_208 = tpu.memref_slice %arg3[%add3A_194] : memref<12800000xf32, #tpu.memory_space<hbm>> -> memref<16000xf32, #tpu.memory_space<hbm>>
    %dma_start3A_209 = arith.constant 0 : i32
    %dma_start3A_210 = tpu.memref_slice %arg9[%dma_start3A_204, %dma_start3A_209] : memref<2x16000xf32, #tpu.memory_space<vmem>> -> memref<1x16000xf32, #tpu.memory_space<vmem>>
    %dma_start3A_211 = tpu.memref_squeeze %dma_start3A_210 : memref<1x16000xf32, #tpu.memory_space<vmem>> -> memref<16000xf32, #tpu.memory_space<vmem>>
    %dma_start3A_212 = tpu.memref_slice %arg3[%add3A_194] : memref<12800000xf32, #tpu.memory_space<hbm>> -> memref<16000xf32, #tpu.memory_space<hbm>>
    tpu.enqueue_dma source(%dma_start3A_212 : memref<16000xf32, #tpu.memory_space<hbm>>) target(%dma_start3A_211 : memref<16000xf32, #tpu.memory_space<vmem>>) target_semaphore(%arg13 : memref<!tpu.dma_semaphore, #tpu.memory_space<semaphore_mem>>)
    %dma_start3A_213 = arith.constant 1 : i32
    %dma_start3A_214 = arith.constant 0 : i32
    %dma_start3A_215 = tpu.memref_slice %arg10[%dma_start3A_213, %dma_start3A_214] : memref<2x16000xf32, #tpu.memory_space<vmem>> -> memref<1x16000xf32, #tpu.memory_space<vmem>>
    %dma_start3A_216 = tpu.memref_squeeze %dma_start3A_215 : memref<1x16000xf32, #tpu.memory_space<vmem>> -> memref<16000xf32, #tpu.memory_space<vmem>>
    %dma_start3A_217 = tpu.memref_slice %arg4[%add3A_194] : memref<12800000xf32, #tpu.memory_space<hbm>> -> memref<16000xf32, #tpu.memory_space<hbm>>
    %dma_start3A_218 = arith.constant 0 : i32
    %dma_start3A_219 = tpu.memref_slice %arg10[%dma_start3A_213, %dma_start3A_218] : memref<2x16000xf32, #tpu.memory_space<vmem>> -> memref<1x16000xf32, #tpu.memory_space<vmem>>
    %dma_start3A_220 = tpu.memref_squeeze %dma_start3A_219 : memref<1x16000xf32, #tpu.memory_space<vmem>> -> memref<16000xf32, #tpu.memory_space<vmem>>
    %dma_start3A_221 = tpu.memref_slice %arg4[%add3A_194] : memref<12800000xf32, #tpu.memory_space<hbm>> -> memref<16000xf32, #tpu.memory_space<hbm>>
    tpu.enqueue_dma source(%dma_start3A_221 : memref<16000xf32, #tpu.memory_space<hbm>>) target(%dma_start3A_220 : memref<16000xf32, #tpu.memory_space<vmem>>) target_semaphore(%arg13 : memref<!tpu.dma_semaphore, #tpu.memory_space<semaphore_mem>>)
    %dma_wait3A_222 = arith.constant 0 : i32
    %dma_wait3A_223 = arith.constant 0 : i32
    %dma_wait3A_224 = tpu.memref_slice %arg8[%dma_wait3A_222, %dma_wait3A_223] : memref<2x16000xf32, #tpu.memory_space<vmem>> -> memref<1x16000xf32, #tpu.memory_space<vmem>>
    %dma_wait3A_225 = tpu.memref_squeeze %dma_wait3A_224 : memref<1x16000xf32, #tpu.memory_space<vmem>> -> memref<16000xf32, #tpu.memory_space<vmem>>
    %dma_wait3A_226 = arith.constant 0 : i32
    %dma_wait3A_227 = tpu.memref_slice %arg2[%dma_wait3A_226] : memref<12800000xf32, #tpu.memory_space<hbm>> -> memref<16000xf32, #tpu.memory_space<hbm>>
    %dma_wait3A_228 = arith.constant 0 : i32
    %dma_wait3A_229 = tpu.memref_slice %arg8[%dma_wait3A_222, %dma_wait3A_228] : memref<2x16000xf32, #tpu.memory_space<vmem>> -> memref<1x16000xf32, #tpu.memory_space<vmem>>
    %dma_wait3A_230 = tpu.memref_squeeze %dma_wait3A_229 : memref<1x16000xf32, #tpu.memory_space<vmem>> -> memref<16000xf32, #tpu.memory_space<vmem>>
    %dma_wait3A_231 = arith.constant 0 : i32
    %dma_wait3A_232 = tpu.memref_slice %arg2[%dma_wait3A_231] : memref<12800000xf32, #tpu.memory_space<hbm>> -> memref<16000xf32, #tpu.memory_space<hbm>>
    tpu.wait_dma2 semaphore(%arg12 : memref<!tpu.dma_semaphore, #tpu.memory_space<semaphore_mem>>) src(%dma_wait3A_232 : memref<16000xf32, #tpu.memory_space<hbm>>) dst(%dma_wait3A_230 : memref<16000xf32, #tpu.memory_space<vmem>>)
    %dma_wait3A_233 = arith.constant 0 : i32
    %dma_wait3A_234 = arith.constant 0 : i32
    %dma_wait3A_235 = tpu.memref_slice %arg9[%dma_wait3A_233, %dma_wait3A_234] : memref<2x16000xf32, #tpu.memory_space<vmem>> -> memref<1x16000xf32, #tpu.memory_space<vmem>>
    %dma_wait3A_236 = tpu.memref_squeeze %dma_wait3A_235 : memref<1x16000xf32, #tpu.memory_space<vmem>> -> memref<16000xf32, #tpu.memory_space<vmem>>
    %dma_wait3A_237 = arith.constant 0 : i32
    %dma_wait3A_238 = tpu.memref_slice %arg3[%dma_wait3A_237] : memref<12800000xf32, #tpu.memory_space<hbm>> -> memref<16000xf32, #tpu.memory_space<hbm>>
    %dma_wait3A_239 = arith.constant 0 : i32
    %dma_wait3A_240 = tpu.memref_slice %arg9[%dma_wait3A_233, %dma_wait3A_239] : memref<2x16000xf32, #tpu.memory_space<vmem>> -> memref<1x16000xf32, #tpu.memory_space<vmem>>
    %dma_wait3A_241 = tpu.memref_squeeze %dma_wait3A_240 : memref<1x16000xf32, #tpu.memory_space<vmem>> -> memref<16000xf32, #tpu.memory_space<vmem>>
    %dma_wait3A_242 = arith.constant 0 : i32
    %dma_wait3A_243 = tpu.memref_slice %arg3[%dma_wait3A_242] : memref<12800000xf32, #tpu.memory_space<hbm>> -> memref<16000xf32, #tpu.memory_space<hbm>>
    tpu.wait_dma2 semaphore(%arg12 : memref<!tpu.dma_semaphore, #tpu.memory_space<semaphore_mem>>) src(%dma_wait3A_243 : memref<16000xf32, #tpu.memory_space<hbm>>) dst(%dma_wait3A_241 : memref<16000xf32, #tpu.memory_space<vmem>>)
    %dma_wait3A_244 = arith.constant 0 : i32
    %dma_wait3A_245 = arith.constant 0 : i32
    %dma_wait3A_246 = tpu.memref_slice %arg10[%dma_wait3A_244, %dma_wait3A_245] : memref<2x16000xf32, #tpu.memory_space<vmem>> -> memref<1x16000xf32, #tpu.memory_space<vmem>>
    %dma_wait3A_247 = tpu.memref_squeeze %dma_wait3A_246 : memref<1x16000xf32, #tpu.memory_space<vmem>> -> memref<16000xf32, #tpu.memory_space<vmem>>
    %dma_wait3A_248 = arith.constant 0 : i32
    %dma_wait3A_249 = tpu.memref_slice %arg4[%dma_wait3A_248] : memref<12800000xf32, #tpu.memory_space<hbm>> -> memref<16000xf32, #tpu.memory_space<hbm>>
    %dma_wait3A_250 = arith.constant 0 : i32
    %dma_wait3A_251 = tpu.memref_slice %arg10[%dma_wait3A_244, %dma_wait3A_250] : memref<2x16000xf32, #tpu.memory_space<vmem>> -> memref<1x16000xf32, #tpu.memory_space<vmem>>
    %dma_wait3A_252 = tpu.memref_squeeze %dma_wait3A_251 : memref<1x16000xf32, #tpu.memory_space<vmem>> -> memref<16000xf32, #tpu.memory_space<vmem>>
    %dma_wait3A_253 = arith.constant 0 : i32
    %dma_wait3A_254 = tpu.memref_slice %arg4[%dma_wait3A_253] : memref<12800000xf32, #tpu.memory_space<hbm>> -> memref<16000xf32, #tpu.memory_space<hbm>>
    tpu.wait_dma2 semaphore(%arg12 : memref<!tpu.dma_semaphore, #tpu.memory_space<semaphore_mem>>) src(%dma_wait3A_254 : memref<16000xf32, #tpu.memory_space<hbm>>) dst(%dma_wait3A_252 : memref<16000xf32, #tpu.memory_space<vmem>>)
    %dma_wait3A_255 = arith.constant 0 : i32
    %dma_wait3A_256 = arith.constant 0 : i32
    %dma_wait3A_257 = tpu.memref_slice %arg11[%dma_wait3A_255, %dma_wait3A_256] : memref<2x16000xf32, #tpu.memory_space<vmem>> -> memref<1x16000xf32, #tpu.memory_space<vmem>>
    %dma_wait3A_258 = tpu.memref_squeeze %dma_wait3A_257 : memref<1x16000xf32, #tpu.memory_space<vmem>> -> memref<16000xf32, #tpu.memory_space<vmem>>
    %dma_wait3A_259 = arith.constant 0 : i32
    %dma_wait3A_260 = tpu.memref_slice %arg6[%dma_wait3A_259] : memref<4096000xf32, #tpu.memory_space<hbm>> -> memref<16000xf32, #tpu.memory_space<hbm>>
    %dma_wait3A_261 = arith.constant 0 : i32
    %dma_wait3A_262 = tpu.memref_slice %arg6[%dma_wait3A_261] : memref<4096000xf32, #tpu.memory_space<hbm>> -> memref<16000xf32, #tpu.memory_space<hbm>>
    %dma_wait3A_263 = arith.constant 0 : i32
    %dma_wait3A_264 = tpu.memref_slice %arg11[%dma_wait3A_255, %dma_wait3A_263] : memref<2x16000xf32, #tpu.memory_space<vmem>> -> memref<1x16000xf32, #tpu.memory_space<vmem>>
    %dma_wait3A_265 = tpu.memref_squeeze %dma_wait3A_264 : memref<1x16000xf32, #tpu.memory_space<vmem>> -> memref<16000xf32, #tpu.memory_space<vmem>>
    tpu.wait_dma2 semaphore(%arg14 : memref<!tpu.dma_semaphore, #tpu.memory_space<semaphore_mem>>) src(%dma_wait3A_265 : memref<16000xf32, #tpu.memory_space<vmem>>) dst(%dma_wait3A_262 : memref<16000xf32, #tpu.memory_space<hbm>>)
    %parallel_loop3A_266 = arith.constant 0 : i32
    %parallel_loop3A_267 = arith.constant 16000 : i32
    %parallel_loop3A_268 = arith.constant 16 : i32
    scf.for %parallel_loop3A_708 = %parallel_loop3A_266 to %parallel_loop3A_267 step %parallel_loop3A_268  : i32 {
      %parallel_loop3A_709 = arith.constant 0 : i32
      %parallel_loop3A_710 = arith.index_cast %parallel_loop3A_709 : i32 to index
      %parallel_loop3A_711 = arith.index_cast %parallel_loop3A_708 : i32 to index
      %parallel_loop3A_712 = tpu.vector_load %arg8[%parallel_loop3A_710, %parallel_loop3A_711] {strides = array<i32>} : memref<2x16000xf32, #tpu.memory_space<vmem>>, vector<1x16xf32>,
      %parallel_loop3A_713 = vector.shape_cast %parallel_loop3A_712 : vector<1x16xf32> to vector<16xf32>
      %parallel_loop3A_714 = arith.mulf %parallel_loop3A_713, %get3A_8 : vector<16xf32>
      %parallel_loop3A_715 = arith.constant 0 : i32
      %parallel_loop3A_716 = arith.index_cast %parallel_loop3A_715 : i32 to index
      %parallel_loop3A_717 = arith.index_cast %parallel_loop3A_708 : i32 to index
      %parallel_loop3A_718 = tpu.vector_load %arg9[%parallel_loop3A_716, %parallel_loop3A_717] {strides = array<i32>} : memref<2x16000xf32, #tpu.memory_space<vmem>>, vector<1x16xf32>,
      %parallel_loop3A_719 = vector.shape_cast %parallel_loop3A_718 : vector<1x16xf32> to vector<16xf32>
      %parallel_loop3A_720 = arith.mulf %parallel_loop3A_719, %get3A_11 : vector<16xf32>
      %parallel_loop3A_721 = arith.addf %parallel_loop3A_714, %parallel_loop3A_720 : vector<16xf32>
      %parallel_loop3A_722 = arith.constant 0 : i32
      %parallel_loop3A_723 = arith.index_cast %parallel_loop3A_722 : i32 to index
      %parallel_loop3A_724 = arith.index_cast %parallel_loop3A_708 : i32 to index
      %parallel_loop3A_725 = tpu.vector_load %arg10[%parallel_loop3A_723, %parallel_loop3A_724] {strides = array<i32>} : memref<2x16000xf32, #tpu.memory_space<vmem>>, vector<1x16xf32>,
      %parallel_loop3A_726 = vector.shape_cast %parallel_loop3A_725 : vector<1x16xf32> to vector<16xf32>
      %parallel_loop3A_727 = arith.mulf %parallel_loop3A_726, %get3A_14 : vector<16xf32>
      %parallel_loop3A_728 = arith.addf %parallel_loop3A_721, %parallel_loop3A_727 : vector<16xf32>
      %parallel_loop3A_729 = arith.constant 0 : i32
      %parallel_loop3A_730 = arith.index_cast %parallel_loop3A_729 : i32 to index
      %parallel_loop3A_731 = arith.index_cast %parallel_loop3A_708 : i32 to index
      %parallel_loop3A_732 = tpu.vector_load %arg11[%parallel_loop3A_730, %parallel_loop3A_731] {strides = array<i32>} : memref<2x16000xf32, #tpu.memory_space<vmem>>, vector<1x16xf32>,
      %parallel_loop3A_733 = vector.shape_cast %parallel_loop3A_732 : vector<1x16xf32> to vector<16xf32>
      %parallel_loop3A_734 = vector.shape_cast %parallel_loop3A_728 : vector<16xf32> to vector<1x16xf32>
      tpu.vector_store %arg11[%parallel_loop3A_730, %parallel_loop3A_731], %parallel_loop3A_734 {strides = array<i32>} : memref<2x16000xf32, #tpu.memory_space<vmem>>, vector<1x16xf32>,
    } {sc.loop_unroll_factor = 8 : i64, sc.parallel_access}
    %add3A_269 = arith.constant 32000 : i32
    %add3A_270 = arith.addi %mul3A_6, %add3A_269 : i32
    %dma_start3A_271 = arith.constant 0 : i32
    %dma_start3A_272 = arith.constant 0 : i32
    %dma_start3A_273 = tpu.memref_slice %arg11[%dma_start3A_271, %dma_start3A_272] : memref<2x16000xf32, #tpu.memory_space<vmem>> -> memref<1x16000xf32, #tpu.memory_space<vmem>>
    %dma_start3A_274 = tpu.memref_squeeze %dma_start3A_273 : memref<1x16000xf32, #tpu.memory_space<vmem>> -> memref<16000xf32, #tpu.memory_space<vmem>>
    %dma_start3A_275 = tpu.memref_slice %arg6[%add3A_270] : memref<4096000xf32, #tpu.memory_space<hbm>> -> memref<16000xf32, #tpu.memory_space<hbm>>
    %dma_start3A_276 = tpu.memref_slice %arg6[%add3A_270] : memref<4096000xf32, #tpu.memory_space<hbm>> -> memref<16000xf32, #tpu.memory_space<hbm>>
    %dma_start3A_277 = arith.constant 0 : i32
    %dma_start3A_278 = tpu.memref_slice %arg11[%dma_start3A_271, %dma_start3A_277] : memref<2x16000xf32, #tpu.memory_space<vmem>> -> memref<1x16000xf32, #tpu.memory_space<vmem>>
    %dma_start3A_279 = tpu.memref_squeeze %dma_start3A_278 : memref<1x16000xf32, #tpu.memory_space<vmem>> -> memref<16000xf32, #tpu.memory_space<vmem>>
    tpu.enqueue_dma source(%dma_start3A_279 : memref<16000xf32, #tpu.memory_space<vmem>>) target(%dma_start3A_276 : memref<16000xf32, #tpu.memory_space<hbm>>) target_semaphore(%arg14 : memref<!tpu.dma_semaphore, #tpu.memory_space<semaphore_mem>>)
    %add3A_280 = arith.constant 64000 : i32
    %add3A_281 = arith.addi %add3A_4, %add3A_280 : i32
    %dma_start3A_282 = arith.constant 0 : i32
    %dma_start3A_283 = arith.constant 0 : i32
    %dma_start3A_284 = tpu.memref_slice %arg8[%dma_start3A_282, %dma_start3A_283] : memref<2x16000xf32, #tpu.memory_space<vmem>> -> memref<1x16000xf32, #tpu.memory_space<vmem>>
    %dma_start3A_285 = tpu.memref_squeeze %dma_start3A_284 : memref<1x16000xf32, #tpu.memory_space<vmem>> -> memref<16000xf32, #tpu.memory_space<vmem>>
    %dma_start3A_286 = tpu.memref_slice %arg2[%add3A_281] : memref<12800000xf32, #tpu.memory_space<hbm>> -> memref<16000xf32, #tpu.memory_space<hbm>>
    %dma_start3A_287 = arith.constant 0 : i32
    %dma_start3A_288 = tpu.memref_slice %arg8[%dma_start3A_282, %dma_start3A_287] : memref<2x16000xf32, #tpu.memory_space<vmem>> -> memref<1x16000xf32, #tpu.memory_space<vmem>>
    %dma_start3A_289 = tpu.memref_squeeze %dma_start3A_288 : memref<1x16000xf32, #tpu.memory_space<vmem>> -> memref<16000xf32, #tpu.memory_space<vmem>>
    %dma_start3A_290 = tpu.memref_slice %arg2[%add3A_281] : memref<12800000xf32, #tpu.memory_space<hbm>> -> memref<16000xf32, #tpu.memory_space<hbm>>
    tpu.enqueue_dma source(%dma_start3A_290 : memref<16000xf32, #tpu.memory_space<hbm>>) target(%dma_start3A_289 : memref<16000xf32, #tpu.memory_space<vmem>>) target_semaphore(%arg12 : memref<!tpu.dma_semaphore, #tpu.memory_space<semaphore_mem>>)
    %dma_start3A_291 = arith.constant 0 : i32
    %dma_start3A_292 = arith.constant 0 : i32
    %dma_start3A_293 = tpu.memref_slice %arg9[%dma_start3A_291, %dma_start3A_292] : memref<2x16000xf32, #tpu.memory_space<vmem>> -> memref<1x16000xf32, #tpu.memory_space<vmem>>
    %dma_start3A_294 = tpu.memref_squeeze %dma_start3A_293 : memref<1x16000xf32, #tpu.memory_space<vmem>> -> memref<16000xf32, #tpu.memory_space<vmem>>
    %dma_start3A_295 = tpu.memref_slice %arg3[%add3A_281] : memref<12800000xf32, #tpu.memory_space<hbm>> -> memref<16000xf32, #tpu.memory_space<hbm>>
    %dma_start3A_296 = arith.constant 0 : i32
    %dma_start3A_297 = tpu.memref_slice %arg9[%dma_start3A_291, %dma_start3A_296] : memref<2x16000xf32, #tpu.memory_space<vmem>> -> memref<1x16000xf32, #tpu.memory_space<vmem>>
    %dma_start3A_298 = tpu.memref_squeeze %dma_start3A_297 : memref<1x16000xf32, #tpu.memory_space<vmem>> -> memref<16000xf32, #tpu.memory_space<vmem>>
    %dma_start3A_299 = tpu.memref_slice %arg3[%add3A_281] : memref<12800000xf32, #tpu.memory_space<hbm>> -> memref<16000xf32, #tpu.memory_space<hbm>>
    tpu.enqueue_dma source(%dma_start3A_299 : memref<16000xf32, #tpu.memory_space<hbm>>) target(%dma_start3A_298 : memref<16000xf32, #tpu.memory_space<vmem>>) target_semaphore(%arg12 : memref<!tpu.dma_semaphore, #tpu.memory_space<semaphore_mem>>)
    %dma_start3A_300 = arith.constant 0 : i32
    %dma_start3A_301 = arith.constant 0 : i32
    %dma_start3A_302 = tpu.memref_slice %arg10[%dma_start3A_300, %dma_start3A_301] : memref<2x16000xf32, #tpu.memory_space<vmem>> -> memref<1x16000xf32, #tpu.memory_space<vmem>>
    %dma_start3A_303 = tpu.memref_squeeze %dma_start3A_302 : memref<1x16000xf32, #tpu.memory_space<vmem>> -> memref<16000xf32, #tpu.memory_space<vmem>>
    %dma_start3A_304 = tpu.memref_slice %arg4[%add3A_281] : memref<12800000xf32, #tpu.memory_space<hbm>> -> memref<16000xf32, #tpu.memory_space<hbm>>
    %dma_start3A_305 = arith.constant 0 : i32
    %dma_start3A_306 = tpu.memref_slice %arg10[%dma_start3A_300, %dma_start3A_305] : memref<2x16000xf32, #tpu.memory_space<vmem>> -> memref<1x16000xf32, #tpu.memory_space<vmem>>
    %dma_start3A_307 = tpu.memref_squeeze %dma_start3A_306 : memref<1x16000xf32, #tpu.memory_space<vmem>> -> memref<16000xf32, #tpu.memory_space<vmem>>
    %dma_start3A_308 = tpu.memref_slice %arg4[%add3A_281] : memref<12800000xf32, #tpu.memory_space<hbm>> -> memref<16000xf32, #tpu.memory_space<hbm>>
    tpu.enqueue_dma source(%dma_start3A_308 : memref<16000xf32, #tpu.memory_space<hbm>>) target(%dma_start3A_307 : memref<16000xf32, #tpu.memory_space<vmem>>) target_semaphore(%arg12 : memref<!tpu.dma_semaphore, #tpu.memory_space<semaphore_mem>>)
    %dma_wait3A_309 = arith.constant 1 : i32
    %dma_wait3A_310 = arith.constant 0 : i32
    %dma_wait3A_311 = tpu.memref_slice %arg8[%dma_wait3A_309, %dma_wait3A_310] : memref<2x16000xf32, #tpu.memory_space<vmem>> -> memref<1x16000xf32, #tpu.memory_space<vmem>>
    %dma_wait3A_312 = tpu.memref_squeeze %dma_wait3A_311 : memref<1x16000xf32, #tpu.memory_space<vmem>> -> memref<16000xf32, #tpu.memory_space<vmem>>
    %dma_wait3A_313 = arith.constant 0 : i32
    %dma_wait3A_314 = tpu.memref_slice %arg2[%dma_wait3A_313] : memref<12800000xf32, #tpu.memory_space<hbm>> -> memref<16000xf32, #tpu.memory_space<hbm>>
    %dma_wait3A_315 = arith.constant 0 : i32
    %dma_wait3A_316 = tpu.memref_slice %arg8[%dma_wait3A_309, %dma_wait3A_315] : memref<2x16000xf32, #tpu.memory_space<vmem>> -> memref<1x16000xf32, #tpu.memory_space<vmem>>
    %dma_wait3A_317 = tpu.memref_squeeze %dma_wait3A_316 : memref<1x16000xf32, #tpu.memory_space<vmem>> -> memref<16000xf32, #tpu.memory_space<vmem>>
    %dma_wait3A_318 = arith.constant 0 : i32
    %dma_wait3A_319 = tpu.memref_slice %arg2[%dma_wait3A_318] : memref<12800000xf32, #tpu.memory_space<hbm>> -> memref<16000xf32, #tpu.memory_space<hbm>>
    tpu.wait_dma2 semaphore(%arg13 : memref<!tpu.dma_semaphore, #tpu.memory_space<semaphore_mem>>) src(%dma_wait3A_319 : memref<16000xf32, #tpu.memory_space<hbm>>) dst(%dma_wait3A_317 : memref<16000xf32, #tpu.memory_space<vmem>>)
    %dma_wait3A_320 = arith.constant 1 : i32
    %dma_wait3A_321 = arith.constant 0 : i32
    %dma_wait3A_322 = tpu.memref_slice %arg9[%dma_wait3A_320, %dma_wait3A_321] : memref<2x16000xf32, #tpu.memory_space<vmem>> -> memref<1x16000xf32, #tpu.memory_space<vmem>>
    %dma_wait3A_323 = tpu.memref_squeeze %dma_wait3A_322 : memref<1x16000xf32, #tpu.memory_space<vmem>> -> memref<16000xf32, #tpu.memory_space<vmem>>
    %dma_wait3A_324 = arith.constant 0 : i32
    %dma_wait3A_325 = tpu.memref_slice %arg3[%dma_wait3A_324] : memref<12800000xf32, #tpu.memory_space<hbm>> -> memref<16000xf32, #tpu.memory_space<hbm>>
    %dma_wait3A_326 = arith.constant 0 : i32
    %dma_wait3A_327 = tpu.memref_slice %arg9[%dma_wait3A_320, %dma_wait3A_326] : memref<2x16000xf32, #tpu.memory_space<vmem>> -> memref<1x16000xf32, #tpu.memory_space<vmem>>
    %dma_wait3A_328 = tpu.memref_squeeze %dma_wait3A_327 : memref<1x16000xf32, #tpu.memory_space<vmem>> -> memref<16000xf32, #tpu.memory_space<vmem>>
    %dma_wait3A_329 = arith.constant 0 : i32
    %dma_wait3A_330 = tpu.memref_slice %arg3[%dma_wait3A_329] : memref<12800000xf32, #tpu.memory_space<hbm>> -> memref<16000xf32, #tpu.memory_space<hbm>>
    tpu.wait_dma2 semaphore(%arg13 : memref<!tpu.dma_semaphore, #tpu.memory_space<semaphore_mem>>) src(%dma_wait3A_330 : memref<16000xf32, #tpu.memory_space<hbm>>) dst(%dma_wait3A_328 : memref<16000xf32, #tpu.memory_space<vmem>>)
    %dma_wait3A_331 = arith.constant 1 : i32
    %dma_wait3A_332 = arith.constant 0 : i32
    %dma_wait3A_333 = tpu.memref_slice %arg10[%dma_wait3A_331, %dma_wait3A_332] : memref<2x16000xf32, #tpu.memory_space<vmem>> -> memref<1x16000xf32, #tpu.memory_space<vmem>>
    %dma_wait3A_334 = tpu.memref_squeeze %dma_wait3A_333 : memref<1x16000xf32, #tpu.memory_space<vmem>> -> memref<16000xf32, #tpu.memory_space<vmem>>
    %dma_wait3A_335 = arith.constant 0 : i32
    %dma_wait3A_336 = tpu.memref_slice %arg4[%dma_wait3A_335] : memref<12800000xf32, #tpu.memory_space<hbm>> -> memref<16000xf32, #tpu.memory_space<hbm>>
    %dma_wait3A_337 = arith.constant 0 : i32
    %dma_wait3A_338 = tpu.memref_slice %arg10[%dma_wait3A_331, %dma_wait3A_337] : memref<2x16000xf32, #tpu.memory_space<vmem>> -> memref<1x16000xf32, #tpu.memory_space<vmem>>
    %dma_wait3A_339 = tpu.memref_squeeze %dma_wait3A_338 : memref<1x16000xf32, #tpu.memory_space<vmem>> -> memref<16000xf32, #tpu.memory_space<vmem>>
    %dma_wait3A_340 = arith.constant 0 : i32
    %dma_wait3A_341 = tpu.memref_slice %arg4[%dma_wait3A_340] : memref<12800000xf32, #tpu.memory_space<hbm>> -> memref<16000xf32, #tpu.memory_space<hbm>>
    tpu.wait_dma2 semaphore(%arg13 : memref<!tpu.dma_semaphore, #tpu.memory_space<semaphore_mem>>) src(%dma_wait3A_341 : memref<16000xf32, #tpu.memory_space<hbm>>) dst(%dma_wait3A_339 : memref<16000xf32, #tpu.memory_space<vmem>>)
    %dma_wait3A_342 = arith.constant 1 : i32
    %dma_wait3A_343 = arith.constant 0 : i32
    %dma_wait3A_344 = tpu.memref_slice %arg11[%dma_wait3A_342, %dma_wait3A_343] : memref<2x16000xf32, #tpu.memory_space<vmem>> -> memref<1x16000xf32, #tpu.memory_space<vmem>>
    %dma_wait3A_345 = tpu.memref_squeeze %dma_wait3A_344 : memref<1x16000xf32, #tpu.memory_space<vmem>> -> memref<16000xf32, #tpu.memory_space<vmem>>
    %dma_wait3A_346 = arith.constant 0 : i32
    %dma_wait3A_347 = tpu.memref_slice %arg6[%dma_wait3A_346] : memref<4096000xf32, #tpu.memory_space<hbm>> -> memref<16000xf32, #tpu.memory_space<hbm>>
    %dma_wait3A_348 = arith.constant 0 : i32
    %dma_wait3A_349 = tpu.memref_slice %arg6[%dma_wait3A_348] : memref<4096000xf32, #tpu.memory_space<hbm>> -> memref<16000xf32, #tpu.memory_space<hbm>>
    %dma_wait3A_350 = arith.constant 0 : i32
    %dma_wait3A_351 = tpu.memref_slice %arg11[%dma_wait3A_342, %dma_wait3A_350] : memref<2x16000xf32, #tpu.memory_space<vmem>> -> memref<1x16000xf32, #tpu.memory_space<vmem>>
    %dma_wait3A_352 = tpu.memref_squeeze %dma_wait3A_351 : memref<1x16000xf32, #tpu.memory_space<vmem>> -> memref<16000xf32, #tpu.memory_space<vmem>>
    tpu.wait_dma2 semaphore(%arg15 : memref<!tpu.dma_semaphore, #tpu.memory_space<semaphore_mem>>) src(%dma_wait3A_352 : memref<16000xf32, #tpu.memory_space<vmem>>) dst(%dma_wait3A_349 : memref<16000xf32, #tpu.memory_space<hbm>>)
    %parallel_loop3A_353 = arith.constant 0 : i32
    %parallel_loop3A_354 = arith.constant 16000 : i32
    %parallel_loop3A_355 = arith.constant 16 : i32
    scf.for %parallel_loop3A_708 = %parallel_loop3A_353 to %parallel_loop3A_354 step %parallel_loop3A_355  : i32 {
      %parallel_loop3A_709 = arith.constant 1 : i32
      %parallel_loop3A_710 = arith.index_cast %parallel_loop3A_709 : i32 to index
      %parallel_loop3A_711 = arith.index_cast %parallel_loop3A_708 : i32 to index
      %parallel_loop3A_712 = tpu.vector_load %arg8[%parallel_loop3A_710, %parallel_loop3A_711] {strides = array<i32>} : memref<2x16000xf32, #tpu.memory_space<vmem>>, vector<1x16xf32>,
      %parallel_loop3A_713 = vector.shape_cast %parallel_loop3A_712 : vector<1x16xf32> to vector<16xf32>
      %parallel_loop3A_714 = arith.mulf %parallel_loop3A_713, %get3A_8 : vector<16xf32>
      %parallel_loop3A_715 = arith.constant 1 : i32
      %parallel_loop3A_716 = arith.index_cast %parallel_loop3A_715 : i32 to index
      %parallel_loop3A_717 = arith.index_cast %parallel_loop3A_708 : i32 to index
      %parallel_loop3A_718 = tpu.vector_load %arg9[%parallel_loop3A_716, %parallel_loop3A_717] {strides = array<i32>} : memref<2x16000xf32, #tpu.memory_space<vmem>>, vector<1x16xf32>,
      %parallel_loop3A_719 = vector.shape_cast %parallel_loop3A_718 : vector<1x16xf32> to vector<16xf32>
      %parallel_loop3A_720 = arith.mulf %parallel_loop3A_719, %get3A_11 : vector<16xf32>
      %parallel_loop3A_721 = arith.addf %parallel_loop3A_714, %parallel_loop3A_720 : vector<16xf32>
      %parallel_loop3A_722 = arith.constant 1 : i32
      %parallel_loop3A_723 = arith.index_cast %parallel_loop3A_722 : i32 to index
      %parallel_loop3A_724 = arith.index_cast %parallel_loop3A_708 : i32 to index
      %parallel_loop3A_725 = tpu.vector_load %arg10[%parallel_loop3A_723, %parallel_loop3A_724] {strides = array<i32>} : memref<2x16000xf32, #tpu.memory_space<vmem>>, vector<1x16xf32>,
      %parallel_loop3A_726 = vector.shape_cast %parallel_loop3A_725 : vector<1x16xf32> to vector<16xf32>
      %parallel_loop3A_727 = arith.mulf %parallel_loop3A_726, %get3A_14 : vector<16xf32>
      %parallel_loop3A_728 = arith.addf %parallel_loop3A_721, %parallel_loop3A_727 : vector<16xf32>
      %parallel_loop3A_729 = arith.constant 1 : i32
      %parallel_loop3A_730 = arith.index_cast %parallel_loop3A_729 : i32 to index
      %parallel_loop3A_731 = arith.index_cast %parallel_loop3A_708 : i32 to index
      %parallel_loop3A_732 = tpu.vector_load %arg11[%parallel_loop3A_730, %parallel_loop3A_731] {strides = array<i32>} : memref<2x16000xf32, #tpu.memory_space<vmem>>, vector<1x16xf32>,
      %parallel_loop3A_733 = vector.shape_cast %parallel_loop3A_732 : vector<1x16xf32> to vector<16xf32>
      %parallel_loop3A_734 = vector.shape_cast %parallel_loop3A_728 : vector<16xf32> to vector<1x16xf32>
      tpu.vector_store %arg11[%parallel_loop3A_730, %parallel_loop3A_731], %parallel_loop3A_734 {strides = array<i32>} : memref<2x16000xf32, #tpu.memory_space<vmem>>, vector<1x16xf32>,
    } {sc.loop_unroll_factor = 8 : i64, sc.parallel_access}
    %add3A_356 = arith.constant 48000 : i32
    %add3A_357 = arith.addi %mul3A_6, %add3A_356 : i32
    %dma_start3A_358 = arith.constant 1 : i32
    %dma_start3A_359 = arith.constant 0 : i32
    %dma_start3A_360 = tpu.memref_slice %arg11[%dma_start3A_358, %dma_start3A_359] : memref<2x16000xf32, #tpu.memory_space<vmem>> -> memref<1x16000xf32, #tpu.memory_space<vmem>>
    %dma_start3A_361 = tpu.memref_squeeze %dma_start3A_360 : memref<1x16000xf32, #tpu.memory_space<vmem>> -> memref<16000xf32, #tpu.memory_space<vmem>>
    %dma_start3A_362 = tpu.memref_slice %arg6[%add3A_357] : memref<4096000xf32, #tpu.memory_space<hbm>> -> memref<16000xf32, #tpu.memory_space<hbm>>
    %dma_start3A_363 = tpu.memref_slice %arg6[%add3A_357] : memref<4096000xf32, #tpu.memory_space<hbm>> -> memref<16000xf32, #tpu.memory_space<hbm>>
    %dma_start3A_364 = arith.constant 0 : i32
    %dma_start3A_365 = tpu.memref_slice %arg11[%dma_start3A_358, %dma_start3A_364] : memref<2x16000xf32, #tpu.memory_space<vmem>> -> memref<1x16000xf32, #tpu.memory_space<vmem>>
    %dma_start3A_366 = tpu.memref_squeeze %dma_start3A_365 : memref<1x16000xf32, #tpu.memory_space<vmem>> -> memref<16000xf32, #tpu.memory_space<vmem>>
    tpu.enqueue_dma source(%dma_start3A_366 : memref<16000xf32, #tpu.memory_space<vmem>>) target(%dma_start3A_363 : memref<16000xf32, #tpu.memory_space<hbm>>) target_semaphore(%arg15 : memref<!tpu.dma_semaphore, #tpu.memory_space<semaphore_mem>>)
    %add3A_367 = arith.constant 80000 : i32
    %add3A_368 = arith.addi %add3A_4, %add3A_367 : i32
    %dma_start3A_369 = arith.constant 1 : i32
    %dma_start3A_370 = arith.constant 0 : i32
    %dma_start3A_371 = tpu.memref_slice %arg8[%dma_start3A_369, %dma_start3A_370] : memref<2x16000xf32, #tpu.memory_space<vmem>> -> memref<1x16000xf32, #tpu.memory_space<vmem>>
    %dma_start3A_372 = tpu.memref_squeeze %dma_start3A_371 : memref<1x16000xf32, #tpu.memory_space<vmem>> -> memref<16000xf32, #tpu.memory_space<vmem>>
    %dma_start3A_373 = tpu.memref_slice %arg2[%add3A_368] : memref<12800000xf32, #tpu.memory_space<hbm>> -> memref<16000xf32, #tpu.memory_space<hbm>>
    %dma_start3A_374 = arith.constant 0 : i32
    %dma_start3A_375 = tpu.memref_slice %arg8[%dma_start3A_369, %dma_start3A_374] : memref<2x16000xf32, #tpu.memory_space<vmem>> -> memref<1x16000xf32, #tpu.memory_space<vmem>>
    %dma_start3A_376 = tpu.memref_squeeze %dma_start3A_375 : memref<1x16000xf32, #tpu.memory_space<vmem>> -> memref<16000xf32, #tpu.memory_space<vmem>>
    %dma_start3A_377 = tpu.memref_slice %arg2[%add3A_368] : memref<12800000xf32, #tpu.memory_space<hbm>> -> memref<16000xf32, #tpu.memory_space<hbm>>
    tpu.enqueue_dma source(%dma_start3A_377 : memref<16000xf32, #tpu.memory_space<hbm>>) target(%dma_start3A_376 : memref<16000xf32, #tpu.memory_space<vmem>>) target_semaphore(%arg13 : memref<!tpu.dma_semaphore, #tpu.memory_space<semaphore_mem>>)
    %dma_start3A_378 = arith.constant 1 : i32
    %dma_start3A_379 = arith.constant 0 : i32
    %dma_start3A_380 = tpu.memref_slice %arg9[%dma_start3A_378, %dma_start3A_379] : memref<2x16000xf32, #tpu.memory_space<vmem>> -> memref<1x16000xf32, #tpu.memory_space<vmem>>
    %dma_start3A_381 = tpu.memref_squeeze %dma_start3A_380 : memref<1x16000xf32, #tpu.memory_space<vmem>> -> memref<16000xf32, #tpu.memory_space<vmem>>
    %dma_start3A_382 = tpu.memref_slice %arg3[%add3A_368] : memref<12800000xf32, #tpu.memory_space<hbm>> -> memref<16000xf32, #tpu.memory_space<hbm>>
    %dma_start3A_383 = arith.constant 0 : i32
    %dma_start3A_384 = tpu.memref_slice %arg9[%dma_start3A_378, %dma_start3A_383] : memref<2x16000xf32, #tpu.memory_space<vmem>> -> memref<1x16000xf32, #tpu.memory_space<vmem>>
    %dma_start3A_385 = tpu.memref_squeeze %dma_start3A_384 : memref<1x16000xf32, #tpu.memory_space<vmem>> -> memref<16000xf32, #tpu.memory_space<vmem>>
    %dma_start3A_386 = tpu.memref_slice %arg3[%add3A_368] : memref<12800000xf32, #tpu.memory_space<hbm>> -> memref<16000xf32, #tpu.memory_space<hbm>>
    tpu.enqueue_dma source(%dma_start3A_386 : memref<16000xf32, #tpu.memory_space<hbm>>) target(%dma_start3A_385 : memref<16000xf32, #tpu.memory_space<vmem>>) target_semaphore(%arg13 : memref<!tpu.dma_semaphore, #tpu.memory_space<semaphore_mem>>)
    %dma_start3A_387 = arith.constant 1 : i32
    %dma_start3A_388 = arith.constant 0 : i32
    %dma_start3A_389 = tpu.memref_slice %arg10[%dma_start3A_387, %dma_start3A_388] : memref<2x16000xf32, #tpu.memory_space<vmem>> -> memref<1x16000xf32, #tpu.memory_space<vmem>>
    %dma_start3A_390 = tpu.memref_squeeze %dma_start3A_389 : memref<1x16000xf32, #tpu.memory_space<vmem>> -> memref<16000xf32, #tpu.memory_space<vmem>>
    %dma_start3A_391 = tpu.memref_slice %arg4[%add3A_368] : memref<12800000xf32, #tpu.memory_space<hbm>> -> memref<16000xf32, #tpu.memory_space<hbm>>
    %dma_start3A_392 = arith.constant 0 : i32
    %dma_start3A_393 = tpu.memref_slice %arg10[%dma_start3A_387, %dma_start3A_392] : memref<2x16000xf32, #tpu.memory_space<vmem>> -> memref<1x16000xf32, #tpu.memory_space<vmem>>
    %dma_start3A_394 = tpu.memref_squeeze %dma_start3A_393 : memref<1x16000xf32, #tpu.memory_space<vmem>> -> memref<16000xf32, #tpu.memory_space<vmem>>
    %dma_start3A_395 = tpu.memref_slice %arg4[%add3A_368] : memref<12800000xf32, #tpu.memory_space<hbm>> -> memref<16000xf32, #tpu.memory_space<hbm>>
    tpu.enqueue_dma source(%dma_start3A_395 : memref<16000xf32, #tpu.memory_space<hbm>>) target(%dma_start3A_394 : memref<16000xf32, #tpu.memory_space<vmem>>) target_semaphore(%arg13 : memref<!tpu.dma_semaphore, #tpu.memory_space<semaphore_mem>>)
    %dma_wait3A_396 = arith.constant 0 : i32
    %dma_wait3A_397 = arith.constant 0 : i32
    %dma_wait3A_398 = tpu.memref_slice %arg8[%dma_wait3A_396, %dma_wait3A_397] : memref<2x16000xf32, #tpu.memory_space<vmem>> -> memref<1x16000xf32, #tpu.memory_space<vmem>>
    %dma_wait3A_399 = tpu.memref_squeeze %dma_wait3A_398 : memref<1x16000xf32, #tpu.memory_space<vmem>> -> memref<16000xf32, #tpu.memory_space<vmem>>
    %dma_wait3A_400 = arith.constant 0 : i32
    %dma_wait3A_401 = tpu.memref_slice %arg2[%dma_wait3A_400] : memref<12800000xf32, #tpu.memory_space<hbm>> -> memref<16000xf32, #tpu.memory_space<hbm>>
    %dma_wait3A_402 = arith.constant 0 : i32
    %dma_wait3A_403 = tpu.memref_slice %arg8[%dma_wait3A_396, %dma_wait3A_402] : memref<2x16000xf32, #tpu.memory_space<vmem>> -> memref<1x16000xf32, #tpu.memory_space<vmem>>
    %dma_wait3A_404 = tpu.memref_squeeze %dma_wait3A_403 : memref<1x16000xf32, #tpu.memory_space<vmem>> -> memref<16000xf32, #tpu.memory_space<vmem>>
    %dma_wait3A_405 = arith.constant 0 : i32
    %dma_wait3A_406 = tpu.memref_slice %arg2[%dma_wait3A_405] : memref<12800000xf32, #tpu.memory_space<hbm>> -> memref<16000xf32, #tpu.memory_space<hbm>>
    tpu.wait_dma2 semaphore(%arg12 : memref<!tpu.dma_semaphore, #tpu.memory_space<semaphore_mem>>) src(%dma_wait3A_406 : memref<16000xf32, #tpu.memory_space<hbm>>) dst(%dma_wait3A_404 : memref<16000xf32, #tpu.memory_space<vmem>>)
    %dma_wait3A_407 = arith.constant 0 : i32
    %dma_wait3A_408 = arith.constant 0 : i32
    %dma_wait3A_409 = tpu.memref_slice %arg9[%dma_wait3A_407, %dma_wait3A_408] : memref<2x16000xf32, #tpu.memory_space<vmem>> -> memref<1x16000xf32, #tpu.memory_space<vmem>>
    %dma_wait3A_410 = tpu.memref_squeeze %dma_wait3A_409 : memref<1x16000xf32, #tpu.memory_space<vmem>> -> memref<16000xf32, #tpu.memory_space<vmem>>
    %dma_wait3A_411 = arith.constant 0 : i32
    %dma_wait3A_412 = tpu.memref_slice %arg3[%dma_wait3A_411] : memref<12800000xf32, #tpu.memory_space<hbm>> -> memref<16000xf32, #tpu.memory_space<hbm>>
    %dma_wait3A_413 = arith.constant 0 : i32
    %dma_wait3A_414 = tpu.memref_slice %arg9[%dma_wait3A_407, %dma_wait3A_413] : memref<2x16000xf32, #tpu.memory_space<vmem>> -> memref<1x16000xf32, #tpu.memory_space<vmem>>
    %dma_wait3A_415 = tpu.memref_squeeze %dma_wait3A_414 : memref<1x16000xf32, #tpu.memory_space<vmem>> -> memref<16000xf32, #tpu.memory_space<vmem>>
    %dma_wait3A_416 = arith.constant 0 : i32
    %dma_wait3A_417 = tpu.memref_slice %arg3[%dma_wait3A_416] : memref<12800000xf32, #tpu.memory_space<hbm>> -> memref<16000xf32, #tpu.memory_space<hbm>>
    tpu.wait_dma2 semaphore(%arg12 : memref<!tpu.dma_semaphore, #tpu.memory_space<semaphore_mem>>) src(%dma_wait3A_417 : memref<16000xf32, #tpu.memory_space<hbm>>) dst(%dma_wait3A_415 : memref<16000xf32, #tpu.memory_space<vmem>>)
    %dma_wait3A_418 = arith.constant 0 : i32
    %dma_wait3A_419 = arith.constant 0 : i32
    %dma_wait3A_420 = tpu.memref_slice %arg10[%dma_wait3A_418, %dma_wait3A_419] : memref<2x16000xf32, #tpu.memory_space<vmem>> -> memref<1x16000xf32, #tpu.memory_space<vmem>>
    %dma_wait3A_421 = tpu.memref_squeeze %dma_wait3A_420 : memref<1x16000xf32, #tpu.memory_space<vmem>> -> memref<16000xf32, #tpu.memory_space<vmem>>
    %dma_wait3A_422 = arith.constant 0 : i32
    %dma_wait3A_423 = tpu.memref_slice %arg4[%dma_wait3A_422] : memref<12800000xf32, #tpu.memory_space<hbm>> -> memref<16000xf32, #tpu.memory_space<hbm>>
    %dma_wait3A_424 = arith.constant 0 : i32
    %dma_wait3A_425 = tpu.memref_slice %arg10[%dma_wait3A_418, %dma_wait3A_424] : memref<2x16000xf32, #tpu.memory_space<vmem>> -> memref<1x16000xf32, #tpu.memory_space<vmem>>
    %dma_wait3A_426 = tpu.memref_squeeze %dma_wait3A_425 : memref<1x16000xf32, #tpu.memory_space<vmem>> -> memref<16000xf32, #tpu.memory_space<vmem>>
    %dma_wait3A_427 = arith.constant 0 : i32
    %dma_wait3A_428 = tpu.memref_slice %arg4[%dma_wait3A_427] : memref<12800000xf32, #tpu.memory_space<hbm>> -> memref<16000xf32, #tpu.memory_space<hbm>>
    tpu.wait_dma2 semaphore(%arg12 : memref<!tpu.dma_semaphore, #tpu.memory_space<semaphore_mem>>) src(%dma_wait3A_428 : memref<16000xf32, #tpu.memory_space<hbm>>) dst(%dma_wait3A_426 : memref<16000xf32, #tpu.memory_space<vmem>>)
    %dma_wait3A_429 = arith.constant 0 : i32
    %dma_wait3A_430 = arith.constant 0 : i32
    %dma_wait3A_431 = tpu.memref_slice %arg11[%dma_wait3A_429, %dma_wait3A_430] : memref<2x16000xf32, #tpu.memory_space<vmem>> -> memref<1x16000xf32, #tpu.memory_space<vmem>>
    %dma_wait3A_432 = tpu.memref_squeeze %dma_wait3A_431 : memref<1x16000xf32, #tpu.memory_space<vmem>> -> memref<16000xf32, #tpu.memory_space<vmem>>
    %dma_wait3A_433 = arith.constant 0 : i32
    %dma_wait3A_434 = tpu.memref_slice %arg6[%dma_wait3A_433] : memref<4096000xf32, #tpu.memory_space<hbm>> -> memref<16000xf32, #tpu.memory_space<hbm>>
    %dma_wait3A_435 = arith.constant 0 : i32
    %dma_wait3A_436 = tpu.memref_slice %arg6[%dma_wait3A_435] : memref<4096000xf32, #tpu.memory_space<hbm>> -> memref<16000xf32, #tpu.memory_space<hbm>>
    %dma_wait3A_437 = arith.constant 0 : i32
    %dma_wait3A_438 = tpu.memref_slice %arg11[%dma_wait3A_429, %dma_wait3A_437] : memref<2x16000xf32, #tpu.memory_space<vmem>> -> memref<1x16000xf32, #tpu.memory_space<vmem>>
    %dma_wait3A_439 = tpu.memref_squeeze %dma_wait3A_438 : memref<1x16000xf32, #tpu.memory_space<vmem>> -> memref<16000xf32, #tpu.memory_space<vmem>>
    tpu.wait_dma2 semaphore(%arg14 : memref<!tpu.dma_semaphore, #tpu.memory_space<semaphore_mem>>) src(%dma_wait3A_439 : memref<16000xf32, #tpu.memory_space<vmem>>) dst(%dma_wait3A_436 : memref<16000xf32, #tpu.memory_space<hbm>>)
    %parallel_loop3A_440 = arith.constant 0 : i32
    %parallel_loop3A_441 = arith.constant 16000 : i32
    %parallel_loop3A_442 = arith.constant 16 : i32
    scf.for %parallel_loop3A_708 = %parallel_loop3A_440 to %parallel_loop3A_441 step %parallel_loop3A_442  : i32 {
      %parallel_loop3A_709 = arith.constant 0 : i32
      %parallel_loop3A_710 = arith.index_cast %parallel_loop3A_709 : i32 to index
      %parallel_loop3A_711 = arith.index_cast %parallel_loop3A_708 : i32 to index
      %parallel_loop3A_712 = tpu.vector_load %arg8[%parallel_loop3A_710, %parallel_loop3A_711] {strides = array<i32>} : memref<2x16000xf32, #tpu.memory_space<vmem>>, vector<1x16xf32>,
      %parallel_loop3A_713 = vector.shape_cast %parallel_loop3A_712 : vector<1x16xf32> to vector<16xf32>
      %parallel_loop3A_714 = arith.mulf %parallel_loop3A_713, %get3A_8 : vector<16xf32>
      %parallel_loop3A_715 = arith.constant 0 : i32
      %parallel_loop3A_716 = arith.index_cast %parallel_loop3A_715 : i32 to index
      %parallel_loop3A_717 = arith.index_cast %parallel_loop3A_708 : i32 to index
      %parallel_loop3A_718 = tpu.vector_load %arg9[%parallel_loop3A_716, %parallel_loop3A_717] {strides = array<i32>} : memref<2x16000xf32, #tpu.memory_space<vmem>>, vector<1x16xf32>,
      %parallel_loop3A_719 = vector.shape_cast %parallel_loop3A_718 : vector<1x16xf32> to vector<16xf32>
      %parallel_loop3A_720 = arith.mulf %parallel_loop3A_719, %get3A_11 : vector<16xf32>
      %parallel_loop3A_721 = arith.addf %parallel_loop3A_714, %parallel_loop3A_720 : vector<16xf32>
      %parallel_loop3A_722 = arith.constant 0 : i32
      %parallel_loop3A_723 = arith.index_cast %parallel_loop3A_722 : i32 to index
      %parallel_loop3A_724 = arith.index_cast %parallel_loop3A_708 : i32 to index
      %parallel_loop3A_725 = tpu.vector_load %arg10[%parallel_loop3A_723, %parallel_loop3A_724] {strides = array<i32>} : memref<2x16000xf32, #tpu.memory_space<vmem>>, vector<1x16xf32>,
      %parallel_loop3A_726 = vector.shape_cast %parallel_loop3A_725 : vector<1x16xf32> to vector<16xf32>
      %parallel_loop3A_727 = arith.mulf %parallel_loop3A_726, %get3A_14 : vector<16xf32>
      %parallel_loop3A_728 = arith.addf %parallel_loop3A_721, %parallel_loop3A_727 : vector<16xf32>
      %parallel_loop3A_729 = arith.constant 0 : i32
      %parallel_loop3A_730 = arith.index_cast %parallel_loop3A_729 : i32 to index
      %parallel_loop3A_731 = arith.index_cast %parallel_loop3A_708 : i32 to index
      %parallel_loop3A_732 = tpu.vector_load %arg11[%parallel_loop3A_730, %parallel_loop3A_731] {strides = array<i32>} : memref<2x16000xf32, #tpu.memory_space<vmem>>, vector<1x16xf32>,
      %parallel_loop3A_733 = vector.shape_cast %parallel_loop3A_732 : vector<1x16xf32> to vector<16xf32>
      %parallel_loop3A_734 = vector.shape_cast %parallel_loop3A_728 : vector<16xf32> to vector<1x16xf32>
      tpu.vector_store %arg11[%parallel_loop3A_730, %parallel_loop3A_731], %parallel_loop3A_734 {strides = array<i32>} : memref<2x16000xf32, #tpu.memory_space<vmem>>, vector<1x16xf32>,
    } {sc.loop_unroll_factor = 8 : i64, sc.parallel_access}
    %add3A_443 = arith.constant 64000 : i32
    %add3A_444 = arith.addi %mul3A_6, %add3A_443 : i32
    %dma_start3A_445 = arith.constant 0 : i32
    %dma_start3A_446 = arith.constant 0 : i32
    %dma_start3A_447 = tpu.memref_slice %arg11[%dma_start3A_445, %dma_start3A_446] : memref<2x16000xf32, #tpu.memory_space<vmem>> -> memref<1x16000xf32, #tpu.memory_space<vmem>>
    %dma_start3A_448 = tpu.memref_squeeze %dma_start3A_447 : memref<1x16000xf32, #tpu.memory_space<vmem>> -> memref<16000xf32, #tpu.memory_space<vmem>>
    %dma_start3A_449 = tpu.memref_slice %arg6[%add3A_444] : memref<4096000xf32, #tpu.memory_space<hbm>> -> memref<16000xf32, #tpu.memory_space<hbm>>
    %dma_start3A_450 = tpu.memref_slice %arg6[%add3A_444] : memref<4096000xf32, #tpu.memory_space<hbm>> -> memref<16000xf32, #tpu.memory_space<hbm>>
    %dma_start3A_451 = arith.constant 0 : i32
    %dma_start3A_452 = tpu.memref_slice %arg11[%dma_start3A_445, %dma_start3A_451] : memref<2x16000xf32, #tpu.memory_space<vmem>> -> memref<1x16000xf32, #tpu.memory_space<vmem>>
    %dma_start3A_453 = tpu.memref_squeeze %dma_start3A_452 : memref<1x16000xf32, #tpu.memory_space<vmem>> -> memref<16000xf32, #tpu.memory_space<vmem>>
    tpu.enqueue_dma source(%dma_start3A_453 : memref<16000xf32, #tpu.memory_space<vmem>>) target(%dma_start3A_450 : memref<16000xf32, #tpu.memory_space<hbm>>) target_semaphore(%arg14 : memref<!tpu.dma_semaphore, #tpu.memory_space<semaphore_mem>>)
    %add3A_454 = arith.constant 96000 : i32
    %add3A_455 = arith.addi %add3A_4, %add3A_454 : i32
    %dma_start3A_456 = arith.constant 0 : i32
    %dma_start3A_457 = arith.constant 0 : i32
    %dma_start3A_458 = tpu.memref_slice %arg8[%dma_start3A_456, %dma_start3A_457] : memref<2x16000xf32, #tpu.memory_space<vmem>> -> memref<1x16000xf32, #tpu.memory_space<vmem>>
    %dma_start3A_459 = tpu.memref_squeeze %dma_start3A_458 : memref<1x16000xf32, #tpu.memory_space<vmem>> -> memref<16000xf32, #tpu.memory_space<vmem>>
    %dma_start3A_460 = tpu.memref_slice %arg2[%add3A_455] : memref<12800000xf32, #tpu.memory_space<hbm>> -> memref<16000xf32, #tpu.memory_space<hbm>>
    %dma_start3A_461 = arith.constant 0 : i32
    %dma_start3A_462 = tpu.memref_slice %arg8[%dma_start3A_456, %dma_start3A_461] : memref<2x16000xf32, #tpu.memory_space<vmem>> -> memref<1x16000xf32, #tpu.memory_space<vmem>>
    %dma_start3A_463 = tpu.memref_squeeze %dma_start3A_462 : memref<1x16000xf32, #tpu.memory_space<vmem>> -> memref<16000xf32, #tpu.memory_space<vmem>>
    %dma_start3A_464 = tpu.memref_slice %arg2[%add3A_455] : memref<12800000xf32, #tpu.memory_space<hbm>> -> memref<16000xf32, #tpu.memory_space<hbm>>
    tpu.enqueue_dma source(%dma_start3A_464 : memref<16000xf32, #tpu.memory_space<hbm>>) target(%dma_start3A_463 : memref<16000xf32, #tpu.memory_space<vmem>>) target_semaphore(%arg12 : memref<!tpu.dma_semaphore, #tpu.memory_space<semaphore_mem>>)
    %dma_start3A_465 = arith.constant 0 : i32
    %dma_start3A_466 = arith.constant 0 : i32
    %dma_start3A_467 = tpu.memref_slice %arg9[%dma_start3A_465, %dma_start3A_466] : memref<2x16000xf32, #tpu.memory_space<vmem>> -> memref<1x16000xf32, #tpu.memory_space<vmem>>
    %dma_start3A_468 = tpu.memref_squeeze %dma_start3A_467 : memref<1x16000xf32, #tpu.memory_space<vmem>> -> memref<16000xf32, #tpu.memory_space<vmem>>
    %dma_start3A_469 = tpu.memref_slice %arg3[%add3A_455] : memref<12800000xf32, #tpu.memory_space<hbm>> -> memref<16000xf32, #tpu.memory_space<hbm>>
    %dma_start3A_470 = arith.constant 0 : i32
    %dma_start3A_471 = tpu.memref_slice %arg9[%dma_start3A_465, %dma_start3A_470] : memref<2x16000xf32, #tpu.memory_space<vmem>> -> memref<1x16000xf32, #tpu.memory_space<vmem>>
    %dma_start3A_472 = tpu.memref_squeeze %dma_start3A_471 : memref<1x16000xf32, #tpu.memory_space<vmem>> -> memref<16000xf32, #tpu.memory_space<vmem>>
    %dma_start3A_473 = tpu.memref_slice %arg3[%add3A_455] : memref<12800000xf32, #tpu.memory_space<hbm>> -> memref<16000xf32, #tpu.memory_space<hbm>>
    tpu.enqueue_dma source(%dma_start3A_473 : memref<16000xf32, #tpu.memory_space<hbm>>) target(%dma_start3A_472 : memref<16000xf32, #tpu.memory_space<vmem>>) target_semaphore(%arg12 : memref<!tpu.dma_semaphore, #tpu.memory_space<semaphore_mem>>)
    %dma_start3A_474 = arith.constant 0 : i32
    %dma_start3A_475 = arith.constant 0 : i32
    %dma_start3A_476 = tpu.memref_slice %arg10[%dma_start3A_474, %dma_start3A_475] : memref<2x16000xf32, #tpu.memory_space<vmem>> -> memref<1x16000xf32, #tpu.memory_space<vmem>>
    %dma_start3A_477 = tpu.memref_squeeze %dma_start3A_476 : memref<1x16000xf32, #tpu.memory_space<vmem>> -> memref<16000xf32, #tpu.memory_space<vmem>>
    %dma_start3A_478 = tpu.memref_slice %arg4[%add3A_455] : memref<12800000xf32, #tpu.memory_space<hbm>> -> memref<16000xf32, #tpu.memory_space<hbm>>
    %dma_start3A_479 = arith.constant 0 : i32
    %dma_start3A_480 = tpu.memref_slice %arg10[%dma_start3A_474, %dma_start3A_479] : memref<2x16000xf32, #tpu.memory_space<vmem>> -> memref<1x16000xf32, #tpu.memory_space<vmem>>
    %dma_start3A_481 = tpu.memref_squeeze %dma_start3A_480 : memref<1x16000xf32, #tpu.memory_space<vmem>> -> memref<16000xf32, #tpu.memory_space<vmem>>
    %dma_start3A_482 = tpu.memref_slice %arg4[%add3A_455] : memref<12800000xf32, #tpu.memory_space<hbm>> -> memref<16000xf32, #tpu.memory_space<hbm>>
    tpu.enqueue_dma source(%dma_start3A_482 : memref<16000xf32, #tpu.memory_space<hbm>>) target(%dma_start3A_481 : memref<16000xf32, #tpu.memory_space<vmem>>) target_semaphore(%arg12 : memref<!tpu.dma_semaphore, #tpu.memory_space<semaphore_mem>>)
    %dma_wait3A_483 = arith.constant 1 : i32
    %dma_wait3A_484 = arith.constant 0 : i32
    %dma_wait3A_485 = tpu.memref_slice %arg8[%dma_wait3A_483, %dma_wait3A_484] : memref<2x16000xf32, #tpu.memory_space<vmem>> -> memref<1x16000xf32, #tpu.memory_space<vmem>>
    %dma_wait3A_486 = tpu.memref_squeeze %dma_wait3A_485 : memref<1x16000xf32, #tpu.memory_space<vmem>> -> memref<16000xf32, #tpu.memory_space<vmem>>
    %dma_wait3A_487 = arith.constant 0 : i32
    %dma_wait3A_488 = tpu.memref_slice %arg2[%dma_wait3A_487] : memref<12800000xf32, #tpu.memory_space<hbm>> -> memref<16000xf32, #tpu.memory_space<hbm>>
    %dma_wait3A_489 = arith.constant 0 : i32
    %dma_wait3A_490 = tpu.memref_slice %arg8[%dma_wait3A_483, %dma_wait3A_489] : memref<2x16000xf32, #tpu.memory_space<vmem>> -> memref<1x16000xf32, #tpu.memory_space<vmem>>
    %dma_wait3A_491 = tpu.memref_squeeze %dma_wait3A_490 : memref<1x16000xf32, #tpu.memory_space<vmem>> -> memref<16000xf32, #tpu.memory_space<vmem>>
    %dma_wait3A_492 = arith.constant 0 : i32
    %dma_wait3A_493 = tpu.memref_slice %arg2[%dma_wait3A_492] : memref<12800000xf32, #tpu.memory_space<hbm>> -> memref<16000xf32, #tpu.memory_space<hbm>>
    tpu.wait_dma2 semaphore(%arg13 : memref<!tpu.dma_semaphore, #tpu.memory_space<semaphore_mem>>) src(%dma_wait3A_493 : memref<16000xf32, #tpu.memory_space<hbm>>) dst(%dma_wait3A_491 : memref<16000xf32, #tpu.memory_space<vmem>>)
    %dma_wait3A_494 = arith.constant 1 : i32
    %dma_wait3A_495 = arith.constant 0 : i32
    %dma_wait3A_496 = tpu.memref_slice %arg9[%dma_wait3A_494, %dma_wait3A_495] : memref<2x16000xf32, #tpu.memory_space<vmem>> -> memref<1x16000xf32, #tpu.memory_space<vmem>>
    %dma_wait3A_497 = tpu.memref_squeeze %dma_wait3A_496 : memref<1x16000xf32, #tpu.memory_space<vmem>> -> memref<16000xf32, #tpu.memory_space<vmem>>
    %dma_wait3A_498 = arith.constant 0 : i32
    %dma_wait3A_499 = tpu.memref_slice %arg3[%dma_wait3A_498] : memref<12800000xf32, #tpu.memory_space<hbm>> -> memref<16000xf32, #tpu.memory_space<hbm>>
    %dma_wait3A_500 = arith.constant 0 : i32
    %dma_wait3A_501 = tpu.memref_slice %arg9[%dma_wait3A_494, %dma_wait3A_500] : memref<2x16000xf32, #tpu.memory_space<vmem>> -> memref<1x16000xf32, #tpu.memory_space<vmem>>
    %dma_wait3A_502 = tpu.memref_squeeze %dma_wait3A_501 : memref<1x16000xf32, #tpu.memory_space<vmem>> -> memref<16000xf32, #tpu.memory_space<vmem>>
    %dma_wait3A_503 = arith.constant 0 : i32
    %dma_wait3A_504 = tpu.memref_slice %arg3[%dma_wait3A_503] : memref<12800000xf32, #tpu.memory_space<hbm>> -> memref<16000xf32, #tpu.memory_space<hbm>>
    tpu.wait_dma2 semaphore(%arg13 : memref<!tpu.dma_semaphore, #tpu.memory_space<semaphore_mem>>) src(%dma_wait3A_504 : memref<16000xf32, #tpu.memory_space<hbm>>) dst(%dma_wait3A_502 : memref<16000xf32, #tpu.memory_space<vmem>>)
    %dma_wait3A_505 = arith.constant 1 : i32
    %dma_wait3A_506 = arith.constant 0 : i32
    %dma_wait3A_507 = tpu.memref_slice %arg10[%dma_wait3A_505, %dma_wait3A_506] : memref<2x16000xf32, #tpu.memory_space<vmem>> -> memref<1x16000xf32, #tpu.memory_space<vmem>>
    %dma_wait3A_508 = tpu.memref_squeeze %dma_wait3A_507 : memref<1x16000xf32, #tpu.memory_space<vmem>> -> memref<16000xf32, #tpu.memory_space<vmem>>
    %dma_wait3A_509 = arith.constant 0 : i32
    %dma_wait3A_510 = tpu.memref_slice %arg4[%dma_wait3A_509] : memref<12800000xf32, #tpu.memory_space<hbm>> -> memref<16000xf32, #tpu.memory_space<hbm>>
    %dma_wait3A_511 = arith.constant 0 : i32
    %dma_wait3A_512 = tpu.memref_slice %arg10[%dma_wait3A_505, %dma_wait3A_511] : memref<2x16000xf32, #tpu.memory_space<vmem>> -> memref<1x16000xf32, #tpu.memory_space<vmem>>
    %dma_wait3A_513 = tpu.memref_squeeze %dma_wait3A_512 : memref<1x16000xf32, #tpu.memory_space<vmem>> -> memref<16000xf32, #tpu.memory_space<vmem>>
    %dma_wait3A_514 = arith.constant 0 : i32
    %dma_wait3A_515 = tpu.memref_slice %arg4[%dma_wait3A_514] : memref<12800000xf32, #tpu.memory_space<hbm>> -> memref<16000xf32, #tpu.memory_space<hbm>>
    tpu.wait_dma2 semaphore(%arg13 : memref<!tpu.dma_semaphore, #tpu.memory_space<semaphore_mem>>) src(%dma_wait3A_515 : memref<16000xf32, #tpu.memory_space<hbm>>) dst(%dma_wait3A_513 : memref<16000xf32, #tpu.memory_space<vmem>>)
    %dma_wait3A_516 = arith.constant 1 : i32
    %dma_wait3A_517 = arith.constant 0 : i32
    %dma_wait3A_518 = tpu.memref_slice %arg11[%dma_wait3A_516, %dma_wait3A_517] : memref<2x16000xf32, #tpu.memory_space<vmem>> -> memref<1x16000xf32, #tpu.memory_space<vmem>>
    %dma_wait3A_519 = tpu.memref_squeeze %dma_wait3A_518 : memref<1x16000xf32, #tpu.memory_space<vmem>> -> memref<16000xf32, #tpu.memory_space<vmem>>
    %dma_wait3A_520 = arith.constant 0 : i32
    %dma_wait3A_521 = tpu.memref_slice %arg6[%dma_wait3A_520] : memref<4096000xf32, #tpu.memory_space<hbm>> -> memref<16000xf32, #tpu.memory_space<hbm>>
    %dma_wait3A_522 = arith.constant 0 : i32
    %dma_wait3A_523 = tpu.memref_slice %arg6[%dma_wait3A_522] : memref<4096000xf32, #tpu.memory_space<hbm>> -> memref<16000xf32, #tpu.memory_space<hbm>>
    %dma_wait3A_524 = arith.constant 0 : i32
    %dma_wait3A_525 = tpu.memref_slice %arg11[%dma_wait3A_516, %dma_wait3A_524] : memref<2x16000xf32, #tpu.memory_space<vmem>> -> memref<1x16000xf32, #tpu.memory_space<vmem>>
    %dma_wait3A_526 = tpu.memref_squeeze %dma_wait3A_525 : memref<1x16000xf32, #tpu.memory_space<vmem>> -> memref<16000xf32, #tpu.memory_space<vmem>>
    tpu.wait_dma2 semaphore(%arg15 : memref<!tpu.dma_semaphore, #tpu.memory_space<semaphore_mem>>) src(%dma_wait3A_526 : memref<16000xf32, #tpu.memory_space<vmem>>) dst(%dma_wait3A_523 : memref<16000xf32, #tpu.memory_space<hbm>>)
    %parallel_loop3A_527 = arith.constant 0 : i32
    %parallel_loop3A_528 = arith.constant 16000 : i32
    %parallel_loop3A_529 = arith.constant 16 : i32
    scf.for %parallel_loop3A_708 = %parallel_loop3A_527 to %parallel_loop3A_528 step %parallel_loop3A_529  : i32 {
      %parallel_loop3A_709 = arith.constant 1 : i32
      %parallel_loop3A_710 = arith.index_cast %parallel_loop3A_709 : i32 to index
      %parallel_loop3A_711 = arith.index_cast %parallel_loop3A_708 : i32 to index
      %parallel_loop3A_712 = tpu.vector_load %arg8[%parallel_loop3A_710, %parallel_loop3A_711] {strides = array<i32>} : memref<2x16000xf32, #tpu.memory_space<vmem>>, vector<1x16xf32>,
      %parallel_loop3A_713 = vector.shape_cast %parallel_loop3A_712 : vector<1x16xf32> to vector<16xf32>
      %parallel_loop3A_714 = arith.mulf %parallel_loop3A_713, %get3A_8 : vector<16xf32>
      %parallel_loop3A_715 = arith.constant 1 : i32
      %parallel_loop3A_716 = arith.index_cast %parallel_loop3A_715 : i32 to index
      %parallel_loop3A_717 = arith.index_cast %parallel_loop3A_708 : i32 to index
      %parallel_loop3A_718 = tpu.vector_load %arg9[%parallel_loop3A_716, %parallel_loop3A_717] {strides = array<i32>} : memref<2x16000xf32, #tpu.memory_space<vmem>>, vector<1x16xf32>,
      %parallel_loop3A_719 = vector.shape_cast %parallel_loop3A_718 : vector<1x16xf32> to vector<16xf32>
      %parallel_loop3A_720 = arith.mulf %parallel_loop3A_719, %get3A_11 : vector<16xf32>
      %parallel_loop3A_721 = arith.addf %parallel_loop3A_714, %parallel_loop3A_720 : vector<16xf32>
      %parallel_loop3A_722 = arith.constant 1 : i32
      %parallel_loop3A_723 = arith.index_cast %parallel_loop3A_722 : i32 to index
      %parallel_loop3A_724 = arith.index_cast %parallel_loop3A_708 : i32 to index
      %parallel_loop3A_725 = tpu.vector_load %arg10[%parallel_loop3A_723, %parallel_loop3A_724] {strides = array<i32>} : memref<2x16000xf32, #tpu.memory_space<vmem>>, vector<1x16xf32>,
      %parallel_loop3A_726 = vector.shape_cast %parallel_loop3A_725 : vector<1x16xf32> to vector<16xf32>
      %parallel_loop3A_727 = arith.mulf %parallel_loop3A_726, %get3A_14 : vector<16xf32>
      %parallel_loop3A_728 = arith.addf %parallel_loop3A_721, %parallel_loop3A_727 : vector<16xf32>
      %parallel_loop3A_729 = arith.constant 1 : i32
      %parallel_loop3A_730 = arith.index_cast %parallel_loop3A_729 : i32 to index
      %parallel_loop3A_731 = arith.index_cast %parallel_loop3A_708 : i32 to index
      %parallel_loop3A_732 = tpu.vector_load %arg11[%parallel_loop3A_730, %parallel_loop3A_731] {strides = array<i32>} : memref<2x16000xf32, #tpu.memory_space<vmem>>, vector<1x16xf32>,
      %parallel_loop3A_733 = vector.shape_cast %parallel_loop3A_732 : vector<1x16xf32> to vector<16xf32>
      %parallel_loop3A_734 = vector.shape_cast %parallel_loop3A_728 : vector<16xf32> to vector<1x16xf32>
      tpu.vector_store %arg11[%parallel_loop3A_730, %parallel_loop3A_731], %parallel_loop3A_734 {strides = array<i32>} : memref<2x16000xf32, #tpu.memory_space<vmem>>, vector<1x16xf32>,
    } {sc.loop_unroll_factor = 8 : i64, sc.parallel_access}
    %add3A_530 = arith.constant 80000 : i32
    %add3A_531 = arith.addi %mul3A_6, %add3A_530 : i32
    %dma_start3A_532 = arith.constant 1 : i32
    %dma_start3A_533 = arith.constant 0 : i32
    %dma_start3A_534 = tpu.memref_slice %arg11[%dma_start3A_532, %dma_start3A_533] : memref<2x16000xf32, #tpu.memory_space<vmem>> -> memref<1x16000xf32, #tpu.memory_space<vmem>>
    %dma_start3A_535 = tpu.memref_squeeze %dma_start3A_534 : memref<1x16000xf32, #tpu.memory_space<vmem>> -> memref<16000xf32, #tpu.memory_space<vmem>>
    %dma_start3A_536 = tpu.memref_slice %arg6[%add3A_531] : memref<4096000xf32, #tpu.memory_space<hbm>> -> memref<16000xf32, #tpu.memory_space<hbm>>
    %dma_start3A_537 = tpu.memref_slice %arg6[%add3A_531] : memref<4096000xf32, #tpu.memory_space<hbm>> -> memref<16000xf32, #tpu.memory_space<hbm>>
    %dma_start3A_538 = arith.constant 0 : i32
    %dma_start3A_539 = tpu.memref_slice %arg11[%dma_start3A_532, %dma_start3A_538] : memref<2x16000xf32, #tpu.memory_space<vmem>> -> memref<1x16000xf32, #tpu.memory_space<vmem>>
    %dma_start3A_540 = tpu.memref_squeeze %dma_start3A_539 : memref<1x16000xf32, #tpu.memory_space<vmem>> -> memref<16000xf32, #tpu.memory_space<vmem>>
    tpu.enqueue_dma source(%dma_start3A_540 : memref<16000xf32, #tpu.memory_space<vmem>>) target(%dma_start3A_537 : memref<16000xf32, #tpu.memory_space<hbm>>) target_semaphore(%arg15 : memref<!tpu.dma_semaphore, #tpu.memory_space<semaphore_mem>>)
    %add3A_541 = arith.constant 112000 : i32
    %add3A_542 = arith.addi %add3A_4, %add3A_541 : i32
    %dma_start3A_543 = arith.constant 1 : i32
    %dma_start3A_544 = arith.constant 0 : i32
    %dma_start3A_545 = tpu.memref_slice %arg8[%dma_start3A_543, %dma_start3A_544] : memref<2x16000xf32, #tpu.memory_space<vmem>> -> memref<1x16000xf32, #tpu.memory_space<vmem>>
    %dma_start3A_546 = tpu.memref_squeeze %dma_start3A_545 : memref<1x16000xf32, #tpu.memory_space<vmem>> -> memref<16000xf32, #tpu.memory_space<vmem>>
    %dma_start3A_547 = tpu.memref_slice %arg2[%add3A_542] : memref<12800000xf32, #tpu.memory_space<hbm>> -> memref<16000xf32, #tpu.memory_space<hbm>>
    %dma_start3A_548 = arith.constant 0 : i32
    %dma_start3A_549 = tpu.memref_slice %arg8[%dma_start3A_543, %dma_start3A_548] : memref<2x16000xf32, #tpu.memory_space<vmem>> -> memref<1x16000xf32, #tpu.memory_space<vmem>>
    %dma_start3A_550 = tpu.memref_squeeze %dma_start3A_549 : memref<1x16000xf32, #tpu.memory_space<vmem>> -> memref<16000xf32, #tpu.memory_space<vmem>>
    %dma_start3A_551 = tpu.memref_slice %arg2[%add3A_542] : memref<12800000xf32, #tpu.memory_space<hbm>> -> memref<16000xf32, #tpu.memory_space<hbm>>
    tpu.enqueue_dma source(%dma_start3A_551 : memref<16000xf32, #tpu.memory_space<hbm>>) target(%dma_start3A_550 : memref<16000xf32, #tpu.memory_space<vmem>>) target_semaphore(%arg13 : memref<!tpu.dma_semaphore, #tpu.memory_space<semaphore_mem>>)
    %dma_start3A_552 = arith.constant 1 : i32
    %dma_start3A_553 = arith.constant 0 : i32
    %dma_start3A_554 = tpu.memref_slice %arg9[%dma_start3A_552, %dma_start3A_553] : memref<2x16000xf32, #tpu.memory_space<vmem>> -> memref<1x16000xf32, #tpu.memory_space<vmem>>
    %dma_start3A_555 = tpu.memref_squeeze %dma_start3A_554 : memref<1x16000xf32, #tpu.memory_space<vmem>> -> memref<16000xf32, #tpu.memory_space<vmem>>
    %dma_start3A_556 = tpu.memref_slice %arg3[%add3A_542] : memref<12800000xf32, #tpu.memory_space<hbm>> -> memref<16000xf32, #tpu.memory_space<hbm>>
    %dma_start3A_557 = arith.constant 0 : i32
    %dma_start3A_558 = tpu.memref_slice %arg9[%dma_start3A_552, %dma_start3A_557] : memref<2x16000xf32, #tpu.memory_space<vmem>> -> memref<1x16000xf32, #tpu.memory_space<vmem>>
    %dma_start3A_559 = tpu.memref_squeeze %dma_start3A_558 : memref<1x16000xf32, #tpu.memory_space<vmem>> -> memref<16000xf32, #tpu.memory_space<vmem>>
    %dma_start3A_560 = tpu.memref_slice %arg3[%add3A_542] : memref<12800000xf32, #tpu.memory_space<hbm>> -> memref<16000xf32, #tpu.memory_space<hbm>>
    tpu.enqueue_dma source(%dma_start3A_560 : memref<16000xf32, #tpu.memory_space<hbm>>) target(%dma_start3A_559 : memref<16000xf32, #tpu.memory_space<vmem>>) target_semaphore(%arg13 : memref<!tpu.dma_semaphore, #tpu.memory_space<semaphore_mem>>)
    %dma_start3A_561 = arith.constant 1 : i32
    %dma_start3A_562 = arith.constant 0 : i32
    %dma_start3A_563 = tpu.memref_slice %arg10[%dma_start3A_561, %dma_start3A_562] : memref<2x16000xf32, #tpu.memory_space<vmem>> -> memref<1x16000xf32, #tpu.memory_space<vmem>>
    %dma_start3A_564 = tpu.memref_squeeze %dma_start3A_563 : memref<1x16000xf32, #tpu.memory_space<vmem>> -> memref<16000xf32, #tpu.memory_space<vmem>>
    %dma_start3A_565 = tpu.memref_slice %arg4[%add3A_542] : memref<12800000xf32, #tpu.memory_space<hbm>> -> memref<16000xf32, #tpu.memory_space<hbm>>
    %dma_start3A_566 = arith.constant 0 : i32
    %dma_start3A_567 = tpu.memref_slice %arg10[%dma_start3A_561, %dma_start3A_566] : memref<2x16000xf32, #tpu.memory_space<vmem>> -> memref<1x16000xf32, #tpu.memory_space<vmem>>
    %dma_start3A_568 = tpu.memref_squeeze %dma_start3A_567 : memref<1x16000xf32, #tpu.memory_space<vmem>> -> memref<16000xf32, #tpu.memory_space<vmem>>
    %dma_start3A_569 = tpu.memref_slice %arg4[%add3A_542] : memref<12800000xf32, #tpu.memory_space<hbm>> -> memref<16000xf32, #tpu.memory_space<hbm>>
    tpu.enqueue_dma source(%dma_start3A_569 : memref<16000xf32, #tpu.memory_space<hbm>>) target(%dma_start3A_568 : memref<16000xf32, #tpu.memory_space<vmem>>) target_semaphore(%arg13 : memref<!tpu.dma_semaphore, #tpu.memory_space<semaphore_mem>>)
    %dma_wait3A_570 = arith.constant 0 : i32
    %dma_wait3A_571 = arith.constant 0 : i32
    %dma_wait3A_572 = tpu.memref_slice %arg8[%dma_wait3A_570, %dma_wait3A_571] : memref<2x16000xf32, #tpu.memory_space<vmem>> -> memref<1x16000xf32, #tpu.memory_space<vmem>>
    %dma_wait3A_573 = tpu.memref_squeeze %dma_wait3A_572 : memref<1x16000xf32, #tpu.memory_space<vmem>> -> memref<16000xf32, #tpu.memory_space<vmem>>
    %dma_wait3A_574 = arith.constant 0 : i32
    %dma_wait3A_575 = tpu.memref_slice %arg2[%dma_wait3A_574] : memref<12800000xf32, #tpu.memory_space<hbm>> -> memref<16000xf32, #tpu.memory_space<hbm>>
    %dma_wait3A_576 = arith.constant 0 : i32
    %dma_wait3A_577 = tpu.memref_slice %arg8[%dma_wait3A_570, %dma_wait3A_576] : memref<2x16000xf32, #tpu.memory_space<vmem>> -> memref<1x16000xf32, #tpu.memory_space<vmem>>
    %dma_wait3A_578 = tpu.memref_squeeze %dma_wait3A_577 : memref<1x16000xf32, #tpu.memory_space<vmem>> -> memref<16000xf32, #tpu.memory_space<vmem>>
    %dma_wait3A_579 = arith.constant 0 : i32
    %dma_wait3A_580 = tpu.memref_slice %arg2[%dma_wait3A_579] : memref<12800000xf32, #tpu.memory_space<hbm>> -> memref<16000xf32, #tpu.memory_space<hbm>>
    tpu.wait_dma2 semaphore(%arg12 : memref<!tpu.dma_semaphore, #tpu.memory_space<semaphore_mem>>) src(%dma_wait3A_580 : memref<16000xf32, #tpu.memory_space<hbm>>) dst(%dma_wait3A_578 : memref<16000xf32, #tpu.memory_space<vmem>>)
    %dma_wait3A_581 = arith.constant 0 : i32
    %dma_wait3A_582 = arith.constant 0 : i32
    %dma_wait3A_583 = tpu.memref_slice %arg9[%dma_wait3A_581, %dma_wait3A_582] : memref<2x16000xf32, #tpu.memory_space<vmem>> -> memref<1x16000xf32, #tpu.memory_space<vmem>>
    %dma_wait3A_584 = tpu.memref_squeeze %dma_wait3A_583 : memref<1x16000xf32, #tpu.memory_space<vmem>> -> memref<16000xf32, #tpu.memory_space<vmem>>
    %dma_wait3A_585 = arith.constant 0 : i32
    %dma_wait3A_586 = tpu.memref_slice %arg3[%dma_wait3A_585] : memref<12800000xf32, #tpu.memory_space<hbm>> -> memref<16000xf32, #tpu.memory_space<hbm>>
    %dma_wait3A_587 = arith.constant 0 : i32
    %dma_wait3A_588 = tpu.memref_slice %arg9[%dma_wait3A_581, %dma_wait3A_587] : memref<2x16000xf32, #tpu.memory_space<vmem>> -> memref<1x16000xf32, #tpu.memory_space<vmem>>
    %dma_wait3A_589 = tpu.memref_squeeze %dma_wait3A_588 : memref<1x16000xf32, #tpu.memory_space<vmem>> -> memref<16000xf32, #tpu.memory_space<vmem>>
    %dma_wait3A_590 = arith.constant 0 : i32
    %dma_wait3A_591 = tpu.memref_slice %arg3[%dma_wait3A_590] : memref<12800000xf32, #tpu.memory_space<hbm>> -> memref<16000xf32, #tpu.memory_space<hbm>>
    tpu.wait_dma2 semaphore(%arg12 : memref<!tpu.dma_semaphore, #tpu.memory_space<semaphore_mem>>) src(%dma_wait3A_591 : memref<16000xf32, #tpu.memory_space<hbm>>) dst(%dma_wait3A_589 : memref<16000xf32, #tpu.memory_space<vmem>>)
    %dma_wait3A_592 = arith.constant 0 : i32
    %dma_wait3A_593 = arith.constant 0 : i32
    %dma_wait3A_594 = tpu.memref_slice %arg10[%dma_wait3A_592, %dma_wait3A_593] : memref<2x16000xf32, #tpu.memory_space<vmem>> -> memref<1x16000xf32, #tpu.memory_space<vmem>>
    %dma_wait3A_595 = tpu.memref_squeeze %dma_wait3A_594 : memref<1x16000xf32, #tpu.memory_space<vmem>> -> memref<16000xf32, #tpu.memory_space<vmem>>
    %dma_wait3A_596 = arith.constant 0 : i32
    %dma_wait3A_597 = tpu.memref_slice %arg4[%dma_wait3A_596] : memref<12800000xf32, #tpu.memory_space<hbm>> -> memref<16000xf32, #tpu.memory_space<hbm>>
    %dma_wait3A_598 = arith.constant 0 : i32
    %dma_wait3A_599 = tpu.memref_slice %arg10[%dma_wait3A_592, %dma_wait3A_598] : memref<2x16000xf32, #tpu.memory_space<vmem>> -> memref<1x16000xf32, #tpu.memory_space<vmem>>
    %dma_wait3A_600 = tpu.memref_squeeze %dma_wait3A_599 : memref<1x16000xf32, #tpu.memory_space<vmem>> -> memref<16000xf32, #tpu.memory_space<vmem>>
    %dma_wait3A_601 = arith.constant 0 : i32
    %dma_wait3A_602 = tpu.memref_slice %arg4[%dma_wait3A_601] : memref<12800000xf32, #tpu.memory_space<hbm>> -> memref<16000xf32, #tpu.memory_space<hbm>>
    tpu.wait_dma2 semaphore(%arg12 : memref<!tpu.dma_semaphore, #tpu.memory_space<semaphore_mem>>) src(%dma_wait3A_602 : memref<16000xf32, #tpu.memory_space<hbm>>) dst(%dma_wait3A_600 : memref<16000xf32, #tpu.memory_space<vmem>>)
    %dma_wait3A_603 = arith.constant 0 : i32
    %dma_wait3A_604 = arith.constant 0 : i32
    %dma_wait3A_605 = tpu.memref_slice %arg11[%dma_wait3A_603, %dma_wait3A_604] : memref<2x16000xf32, #tpu.memory_space<vmem>> -> memref<1x16000xf32, #tpu.memory_space<vmem>>
    %dma_wait3A_606 = tpu.memref_squeeze %dma_wait3A_605 : memref<1x16000xf32, #tpu.memory_space<vmem>> -> memref<16000xf32, #tpu.memory_space<vmem>>
    %dma_wait3A_607 = arith.constant 0 : i32
    %dma_wait3A_608 = tpu.memref_slice %arg6[%dma_wait3A_607] : memref<4096000xf32, #tpu.memory_space<hbm>> -> memref<16000xf32, #tpu.memory_space<hbm>>
    %dma_wait3A_609 = arith.constant 0 : i32
    %dma_wait3A_610 = tpu.memref_slice %arg6[%dma_wait3A_609] : memref<4096000xf32, #tpu.memory_space<hbm>> -> memref<16000xf32, #tpu.memory_space<hbm>>
    %dma_wait3A_611 = arith.constant 0 : i32
    %dma_wait3A_612 = tpu.memref_slice %arg11[%dma_wait3A_603, %dma_wait3A_611] : memref<2x16000xf32, #tpu.memory_space<vmem>> -> memref<1x16000xf32, #tpu.memory_space<vmem>>
    %dma_wait3A_613 = tpu.memref_squeeze %dma_wait3A_612 : memref<1x16000xf32, #tpu.memory_space<vmem>> -> memref<16000xf32, #tpu.memory_space<vmem>>
    tpu.wait_dma2 semaphore(%arg14 : memref<!tpu.dma_semaphore, #tpu.memory_space<semaphore_mem>>) src(%dma_wait3A_613 : memref<16000xf32, #tpu.memory_space<vmem>>) dst(%dma_wait3A_610 : memref<16000xf32, #tpu.memory_space<hbm>>)
    %parallel_loop3A_614 = arith.constant 0 : i32
    %parallel_loop3A_615 = arith.constant 16000 : i32
    %parallel_loop3A_616 = arith.constant 16 : i32
    scf.for %parallel_loop3A_708 = %parallel_loop3A_614 to %parallel_loop3A_615 step %parallel_loop3A_616  : i32 {
      %parallel_loop3A_709 = arith.constant 0 : i32
      %parallel_loop3A_710 = arith.index_cast %parallel_loop3A_709 : i32 to index
      %parallel_loop3A_711 = arith.index_cast %parallel_loop3A_708 : i32 to index
      %parallel_loop3A_712 = tpu.vector_load %arg8[%parallel_loop3A_710, %parallel_loop3A_711] {strides = array<i32>} : memref<2x16000xf32, #tpu.memory_space<vmem>>, vector<1x16xf32>,
      %parallel_loop3A_713 = vector.shape_cast %parallel_loop3A_712 : vector<1x16xf32> to vector<16xf32>
      %parallel_loop3A_714 = arith.mulf %parallel_loop3A_713, %get3A_8 : vector<16xf32>
      %parallel_loop3A_715 = arith.constant 0 : i32
      %parallel_loop3A_716 = arith.index_cast %parallel_loop3A_715 : i32 to index
      %parallel_loop3A_717 = arith.index_cast %parallel_loop3A_708 : i32 to index
      %parallel_loop3A_718 = tpu.vector_load %arg9[%parallel_loop3A_716, %parallel_loop3A_717] {strides = array<i32>} : memref<2x16000xf32, #tpu.memory_space<vmem>>, vector<1x16xf32>,
      %parallel_loop3A_719 = vector.shape_cast %parallel_loop3A_718 : vector<1x16xf32> to vector<16xf32>
      %parallel_loop3A_720 = arith.mulf %parallel_loop3A_719, %get3A_11 : vector<16xf32>
      %parallel_loop3A_721 = arith.addf %parallel_loop3A_714, %parallel_loop3A_720 : vector<16xf32>
      %parallel_loop3A_722 = arith.constant 0 : i32
      %parallel_loop3A_723 = arith.index_cast %parallel_loop3A_722 : i32 to index
      %parallel_loop3A_724 = arith.index_cast %parallel_loop3A_708 : i32 to index
      %parallel_loop3A_725 = tpu.vector_load %arg10[%parallel_loop3A_723, %parallel_loop3A_724] {strides = array<i32>} : memref<2x16000xf32, #tpu.memory_space<vmem>>, vector<1x16xf32>,
      %parallel_loop3A_726 = vector.shape_cast %parallel_loop3A_725 : vector<1x16xf32> to vector<16xf32>
      %parallel_loop3A_727 = arith.mulf %parallel_loop3A_726, %get3A_14 : vector<16xf32>
      %parallel_loop3A_728 = arith.addf %parallel_loop3A_721, %parallel_loop3A_727 : vector<16xf32>
      %parallel_loop3A_729 = arith.constant 0 : i32
      %parallel_loop3A_730 = arith.index_cast %parallel_loop3A_729 : i32 to index
      %parallel_loop3A_731 = arith.index_cast %parallel_loop3A_708 : i32 to index
      %parallel_loop3A_732 = tpu.vector_load %arg11[%parallel_loop3A_730, %parallel_loop3A_731] {strides = array<i32>} : memref<2x16000xf32, #tpu.memory_space<vmem>>, vector<1x16xf32>,
      %parallel_loop3A_733 = vector.shape_cast %parallel_loop3A_732 : vector<1x16xf32> to vector<16xf32>
      %parallel_loop3A_734 = vector.shape_cast %parallel_loop3A_728 : vector<16xf32> to vector<1x16xf32>
      tpu.vector_store %arg11[%parallel_loop3A_730, %parallel_loop3A_731], %parallel_loop3A_734 {strides = array<i32>} : memref<2x16000xf32, #tpu.memory_space<vmem>>, vector<1x16xf32>,
    } {sc.loop_unroll_factor = 8 : i64, sc.parallel_access}
    %add3A_617 = arith.constant 96000 : i32
    %add3A_618 = arith.addi %mul3A_6, %add3A_617 : i32
    %dma_start3A_619 = arith.constant 0 : i32
    %dma_start3A_620 = arith.constant 0 : i32
    %dma_start3A_621 = tpu.memref_slice %arg11[%dma_start3A_619, %dma_start3A_620] : memref<2x16000xf32, #tpu.memory_space<vmem>> -> memref<1x16000xf32, #tpu.memory_space<vmem>>
    %dma_start3A_622 = tpu.memref_squeeze %dma_start3A_621 : memref<1x16000xf32, #tpu.memory_space<vmem>> -> memref<16000xf32, #tpu.memory_space<vmem>>
    %dma_start3A_623 = tpu.memref_slice %arg6[%add3A_618] : memref<4096000xf32, #tpu.memory_space<hbm>> -> memref<16000xf32, #tpu.memory_space<hbm>>
    %dma_start3A_624 = tpu.memref_slice %arg6[%add3A_618] : memref<4096000xf32, #tpu.memory_space<hbm>> -> memref<16000xf32, #tpu.memory_space<hbm>>
    %dma_start3A_625 = arith.constant 0 : i32
    %dma_start3A_626 = tpu.memref_slice %arg11[%dma_start3A_619, %dma_start3A_625] : memref<2x16000xf32, #tpu.memory_space<vmem>> -> memref<1x16000xf32, #tpu.memory_space<vmem>>
    %dma_start3A_627 = tpu.memref_squeeze %dma_start3A_626 : memref<1x16000xf32, #tpu.memory_space<vmem>> -> memref<16000xf32, #tpu.memory_space<vmem>>
    tpu.enqueue_dma source(%dma_start3A_627 : memref<16000xf32, #tpu.memory_space<vmem>>) target(%dma_start3A_624 : memref<16000xf32, #tpu.memory_space<hbm>>) target_semaphore(%arg14 : memref<!tpu.dma_semaphore, #tpu.memory_space<semaphore_mem>>)
    %dma_wait3A_628 = arith.constant 1 : i32
    %dma_wait3A_629 = arith.constant 0 : i32
    %dma_wait3A_630 = tpu.memref_slice %arg8[%dma_wait3A_628, %dma_wait3A_629] : memref<2x16000xf32, #tpu.memory_space<vmem>> -> memref<1x16000xf32, #tpu.memory_space<vmem>>
    %dma_wait3A_631 = tpu.memref_squeeze %dma_wait3A_630 : memref<1x16000xf32, #tpu.memory_space<vmem>> -> memref<16000xf32, #tpu.memory_space<vmem>>
    %dma_wait3A_632 = arith.constant 0 : i32
    %dma_wait3A_633 = tpu.memref_slice %arg2[%dma_wait3A_632] : memref<12800000xf32, #tpu.memory_space<hbm>> -> memref<16000xf32, #tpu.memory_space<hbm>>
    %dma_wait3A_634 = arith.constant 0 : i32
    %dma_wait3A_635 = tpu.memref_slice %arg8[%dma_wait3A_628, %dma_wait3A_634] : memref<2x16000xf32, #tpu.memory_space<vmem>> -> memref<1x16000xf32, #tpu.memory_space<vmem>>
    %dma_wait3A_636 = tpu.memref_squeeze %dma_wait3A_635 : memref<1x16000xf32, #tpu.memory_space<vmem>> -> memref<16000xf32, #tpu.memory_space<vmem>>
    %dma_wait3A_637 = arith.constant 0 : i32
    %dma_wait3A_638 = tpu.memref_slice %arg2[%dma_wait3A_637] : memref<12800000xf32, #tpu.memory_space<hbm>> -> memref<16000xf32, #tpu.memory_space<hbm>>
    tpu.wait_dma2 semaphore(%arg13 : memref<!tpu.dma_semaphore, #tpu.memory_space<semaphore_mem>>) src(%dma_wait3A_638 : memref<16000xf32, #tpu.memory_space<hbm>>) dst(%dma_wait3A_636 : memref<16000xf32, #tpu.memory_space<vmem>>)
    %dma_wait3A_639 = arith.constant 1 : i32
    %dma_wait3A_640 = arith.constant 0 : i32
    %dma_wait3A_641 = tpu.memref_slice %arg9[%dma_wait3A_639, %dma_wait3A_640] : memref<2x16000xf32, #tpu.memory_space<vmem>> -> memref<1x16000xf32, #tpu.memory_space<vmem>>
    %dma_wait3A_642 = tpu.memref_squeeze %dma_wait3A_641 : memref<1x16000xf32, #tpu.memory_space<vmem>> -> memref<16000xf32, #tpu.memory_space<vmem>>
    %dma_wait3A_643 = arith.constant 0 : i32
    %dma_wait3A_644 = tpu.memref_slice %arg3[%dma_wait3A_643] : memref<12800000xf32, #tpu.memory_space<hbm>> -> memref<16000xf32, #tpu.memory_space<hbm>>
    %dma_wait3A_645 = arith.constant 0 : i32
    %dma_wait3A_646 = tpu.memref_slice %arg9[%dma_wait3A_639, %dma_wait3A_645] : memref<2x16000xf32, #tpu.memory_space<vmem>> -> memref<1x16000xf32, #tpu.memory_space<vmem>>
    %dma_wait3A_647 = tpu.memref_squeeze %dma_wait3A_646 : memref<1x16000xf32, #tpu.memory_space<vmem>> -> memref<16000xf32, #tpu.memory_space<vmem>>
    %dma_wait3A_648 = arith.constant 0 : i32
    %dma_wait3A_649 = tpu.memref_slice %arg3[%dma_wait3A_648] : memref<12800000xf32, #tpu.memory_space<hbm>> -> memref<16000xf32, #tpu.memory_space<hbm>>
    tpu.wait_dma2 semaphore(%arg13 : memref<!tpu.dma_semaphore, #tpu.memory_space<semaphore_mem>>) src(%dma_wait3A_649 : memref<16000xf32, #tpu.memory_space<hbm>>) dst(%dma_wait3A_647 : memref<16000xf32, #tpu.memory_space<vmem>>)
    %dma_wait3A_650 = arith.constant 1 : i32
    %dma_wait3A_651 = arith.constant 0 : i32
    %dma_wait3A_652 = tpu.memref_slice %arg10[%dma_wait3A_650, %dma_wait3A_651] : memref<2x16000xf32, #tpu.memory_space<vmem>> -> memref<1x16000xf32, #tpu.memory_space<vmem>>
    %dma_wait3A_653 = tpu.memref_squeeze %dma_wait3A_652 : memref<1x16000xf32, #tpu.memory_space<vmem>> -> memref<16000xf32, #tpu.memory_space<vmem>>
    %dma_wait3A_654 = arith.constant 0 : i32
    %dma_wait3A_655 = tpu.memref_slice %arg4[%dma_wait3A_654] : memref<12800000xf32, #tpu.memory_space<hbm>> -> memref<16000xf32, #tpu.memory_space<hbm>>
    %dma_wait3A_656 = arith.constant 0 : i32
    %dma_wait3A_657 = tpu.memref_slice %arg10[%dma_wait3A_650, %dma_wait3A_656] : memref<2x16000xf32, #tpu.memory_space<vmem>> -> memref<1x16000xf32, #tpu.memory_space<vmem>>
    %dma_wait3A_658 = tpu.memref_squeeze %dma_wait3A_657 : memref<1x16000xf32, #tpu.memory_space<vmem>> -> memref<16000xf32, #tpu.memory_space<vmem>>
    %dma_wait3A_659 = arith.constant 0 : i32
    %dma_wait3A_660 = tpu.memref_slice %arg4[%dma_wait3A_659] : memref<12800000xf32, #tpu.memory_space<hbm>> -> memref<16000xf32, #tpu.memory_space<hbm>>
    tpu.wait_dma2 semaphore(%arg13 : memref<!tpu.dma_semaphore, #tpu.memory_space<semaphore_mem>>) src(%dma_wait3A_660 : memref<16000xf32, #tpu.memory_space<hbm>>) dst(%dma_wait3A_658 : memref<16000xf32, #tpu.memory_space<vmem>>)
    %dma_wait3A_661 = arith.constant 1 : i32
    %dma_wait3A_662 = arith.constant 0 : i32
    %dma_wait3A_663 = tpu.memref_slice %arg11[%dma_wait3A_661, %dma_wait3A_662] : memref<2x16000xf32, #tpu.memory_space<vmem>> -> memref<1x16000xf32, #tpu.memory_space<vmem>>
    %dma_wait3A_664 = tpu.memref_squeeze %dma_wait3A_663 : memref<1x16000xf32, #tpu.memory_space<vmem>> -> memref<16000xf32, #tpu.memory_space<vmem>>
    %dma_wait3A_665 = arith.constant 0 : i32
    %dma_wait3A_666 = tpu.memref_slice %arg6[%dma_wait3A_665] : memref<4096000xf32, #tpu.memory_space<hbm>> -> memref<16000xf32, #tpu.memory_space<hbm>>
    %dma_wait3A_667 = arith.constant 0 : i32
    %dma_wait3A_668 = tpu.memref_slice %arg6[%dma_wait3A_667] : memref<4096000xf32, #tpu.memory_space<hbm>> -> memref<16000xf32, #tpu.memory_space<hbm>>
    %dma_wait3A_669 = arith.constant 0 : i32
    %dma_wait3A_670 = tpu.memref_slice %arg11[%dma_wait3A_661, %dma_wait3A_669] : memref<2x16000xf32, #tpu.memory_space<vmem>> -> memref<1x16000xf32, #tpu.memory_space<vmem>>
    %dma_wait3A_671 = tpu.memref_squeeze %dma_wait3A_670 : memref<1x16000xf32, #tpu.memory_space<vmem>> -> memref<16000xf32, #tpu.memory_space<vmem>>
    tpu.wait_dma2 semaphore(%arg15 : memref<!tpu.dma_semaphore, #tpu.memory_space<semaphore_mem>>) src(%dma_wait3A_671 : memref<16000xf32, #tpu.memory_space<vmem>>) dst(%dma_wait3A_668 : memref<16000xf32, #tpu.memory_space<hbm>>)
    %parallel_loop3A_672 = arith.constant 0 : i32
    %parallel_loop3A_673 = arith.constant 16000 : i32
    %parallel_loop3A_674 = arith.constant 16 : i32
    scf.for %parallel_loop3A_708 = %parallel_loop3A_672 to %parallel_loop3A_673 step %parallel_loop3A_674  : i32 {
      %parallel_loop3A_709 = arith.constant 1 : i32
      %parallel_loop3A_710 = arith.index_cast %parallel_loop3A_709 : i32 to index
      %parallel_loop3A_711 = arith.index_cast %parallel_loop3A_708 : i32 to index
      %parallel_loop3A_712 = tpu.vector_load %arg8[%parallel_loop3A_710, %parallel_loop3A_711] {strides = array<i32>} : memref<2x16000xf32, #tpu.memory_space<vmem>>, vector<1x16xf32>,
      %parallel_loop3A_713 = vector.shape_cast %parallel_loop3A_712 : vector<1x16xf32> to vector<16xf32>
      %parallel_loop3A_714 = arith.mulf %parallel_loop3A_713, %get3A_8 : vector<16xf32>
      %parallel_loop3A_715 = arith.constant 1 : i32
      %parallel_loop3A_716 = arith.index_cast %parallel_loop3A_715 : i32 to index
      %parallel_loop3A_717 = arith.index_cast %parallel_loop3A_708 : i32 to index
      %parallel_loop3A_718 = tpu.vector_load %arg9[%parallel_loop3A_716, %parallel_loop3A_717] {strides = array<i32>} : memref<2x16000xf32, #tpu.memory_space<vmem>>, vector<1x16xf32>,
      %parallel_loop3A_719 = vector.shape_cast %parallel_loop3A_718 : vector<1x16xf32> to vector<16xf32>
      %parallel_loop3A_720 = arith.mulf %parallel_loop3A_719, %get3A_11 : vector<16xf32>
      %parallel_loop3A_721 = arith.addf %parallel_loop3A_714, %parallel_loop3A_720 : vector<16xf32>
      %parallel_loop3A_722 = arith.constant 1 : i32
      %parallel_loop3A_723 = arith.index_cast %parallel_loop3A_722 : i32 to index
      %parallel_loop3A_724 = arith.index_cast %parallel_loop3A_708 : i32 to index
      %parallel_loop3A_725 = tpu.vector_load %arg10[%parallel_loop3A_723, %parallel_loop3A_724] {strides = array<i32>} : memref<2x16000xf32, #tpu.memory_space<vmem>>, vector<1x16xf32>,
      %parallel_loop3A_726 = vector.shape_cast %parallel_loop3A_725 : vector<1x16xf32> to vector<16xf32>
      %parallel_loop3A_727 = arith.mulf %parallel_loop3A_726, %get3A_14 : vector<16xf32>
      %parallel_loop3A_728 = arith.addf %parallel_loop3A_721, %parallel_loop3A_727 : vector<16xf32>
      %parallel_loop3A_729 = arith.constant 1 : i32
      %parallel_loop3A_730 = arith.index_cast %parallel_loop3A_729 : i32 to index
      %parallel_loop3A_731 = arith.index_cast %parallel_loop3A_708 : i32 to index
      %parallel_loop3A_732 = tpu.vector_load %arg11[%parallel_loop3A_730, %parallel_loop3A_731] {strides = array<i32>} : memref<2x16000xf32, #tpu.memory_space<vmem>>, vector<1x16xf32>,
      %parallel_loop3A_733 = vector.shape_cast %parallel_loop3A_732 : vector<1x16xf32> to vector<16xf32>
      %parallel_loop3A_734 = vector.shape_cast %parallel_loop3A_728 : vector<16xf32> to vector<1x16xf32>
      tpu.vector_store %arg11[%parallel_loop3A_730, %parallel_loop3A_731], %parallel_loop3A_734 {strides = array<i32>} : memref<2x16000xf32, #tpu.memory_space<vmem>>, vector<1x16xf32>,
    } {sc.loop_unroll_factor = 8 : i64, sc.parallel_access}
    %add3A_675 = arith.constant 112000 : i32
    %add3A_676 = arith.addi %mul3A_6, %add3A_675 : i32
    %dma_start3A_677 = arith.constant 1 : i32
    %dma_start3A_678 = arith.constant 0 : i32
    %dma_start3A_679 = tpu.memref_slice %arg11[%dma_start3A_677, %dma_start3A_678] : memref<2x16000xf32, #tpu.memory_space<vmem>> -> memref<1x16000xf32, #tpu.memory_space<vmem>>
    %dma_start3A_680 = tpu.memref_squeeze %dma_start3A_679 : memref<1x16000xf32, #tpu.memory_space<vmem>> -> memref<16000xf32, #tpu.memory_space<vmem>>
    %dma_start3A_681 = tpu.memref_slice %arg6[%add3A_676] : memref<4096000xf32, #tpu.memory_space<hbm>> -> memref<16000xf32, #tpu.memory_space<hbm>>
    %dma_start3A_682 = tpu.memref_slice %arg6[%add3A_676] : memref<4096000xf32, #tpu.memory_space<hbm>> -> memref<16000xf32, #tpu.memory_space<hbm>>
    %dma_start3A_683 = arith.constant 0 : i32
    %dma_start3A_684 = tpu.memref_slice %arg11[%dma_start3A_677, %dma_start3A_683] : memref<2x16000xf32, #tpu.memory_space<vmem>> -> memref<1x16000xf32, #tpu.memory_space<vmem>>
    %dma_start3A_685 = tpu.memref_squeeze %dma_start3A_684 : memref<1x16000xf32, #tpu.memory_space<vmem>> -> memref<16000xf32, #tpu.memory_space<vmem>>
    tpu.enqueue_dma source(%dma_start3A_685 : memref<16000xf32, #tpu.memory_space<vmem>>) target(%dma_start3A_682 : memref<16000xf32, #tpu.memory_space<hbm>>) target_semaphore(%arg15 : memref<!tpu.dma_semaphore, #tpu.memory_space<semaphore_mem>>)
    %dma_wait3A_686 = arith.constant 1 : i32
    %dma_wait3A_687 = arith.constant 0 : i32
    %dma_wait3A_688 = tpu.memref_slice %arg11[%dma_wait3A_686, %dma_wait3A_687] : memref<2x16000xf32, #tpu.memory_space<vmem>> -> memref<1x16000xf32, #tpu.memory_space<vmem>>
    %dma_wait3A_689 = tpu.memref_squeeze %dma_wait3A_688 : memref<1x16000xf32, #tpu.memory_space<vmem>> -> memref<16000xf32, #tpu.memory_space<vmem>>
    %dma_wait3A_690 = arith.constant 0 : i32
    %dma_wait3A_691 = tpu.memref_slice %arg6[%dma_wait3A_690] : memref<4096000xf32, #tpu.memory_space<hbm>> -> memref<16000xf32, #tpu.memory_space<hbm>>
    %dma_wait3A_692 = arith.constant 0 : i32
    %dma_wait3A_693 = tpu.memref_slice %arg6[%dma_wait3A_692] : memref<4096000xf32, #tpu.memory_space<hbm>> -> memref<16000xf32, #tpu.memory_space<hbm>>
    %dma_wait3A_694 = arith.constant 0 : i32
    %dma_wait3A_695 = tpu.memref_slice %arg11[%dma_wait3A_686, %dma_wait3A_694] : memref<2x16000xf32, #tpu.memory_space<vmem>> -> memref<1x16000xf32, #tpu.memory_space<vmem>>
    %dma_wait3A_696 = tpu.memref_squeeze %dma_wait3A_695 : memref<1x16000xf32, #tpu.memory_space<vmem>> -> memref<16000xf32, #tpu.memory_space<vmem>>
    tpu.wait_dma2 semaphore(%arg15 : memref<!tpu.dma_semaphore, #tpu.memory_space<semaphore_mem>>) src(%dma_wait3A_696 : memref<16000xf32, #tpu.memory_space<vmem>>) dst(%dma_wait3A_693 : memref<16000xf32, #tpu.memory_space<hbm>>)
    %dma_wait3A_697 = arith.constant 0 : i32
    %dma_wait3A_698 = arith.constant 0 : i32
    %dma_wait3A_699 = tpu.memref_slice %arg11[%dma_wait3A_697, %dma_wait3A_698] : memref<2x16000xf32, #tpu.memory_space<vmem>> -> memref<1x16000xf32, #tpu.memory_space<vmem>>
    %dma_wait3A_700 = tpu.memref_squeeze %dma_wait3A_699 : memref<1x16000xf32, #tpu.memory_space<vmem>> -> memref<16000xf32, #tpu.memory_space<vmem>>
    %dma_wait3A_701 = arith.constant 0 : i32
    %dma_wait3A_702 = tpu.memref_slice %arg6[%dma_wait3A_701] : memref<4096000xf32, #tpu.memory_space<hbm>> -> memref<16000xf32, #tpu.memory_space<hbm>>
    %dma_wait3A_703 = arith.constant 0 : i32
    %dma_wait3A_704 = tpu.memref_slice %arg6[%dma_wait3A_703] : memref<4096000xf32, #tpu.memory_space<hbm>> -> memref<16000xf32, #tpu.memory_space<hbm>>
    %dma_wait3A_705 = arith.constant 0 : i32
    %dma_wait3A_706 = tpu.memref_slice %arg11[%dma_wait3A_697, %dma_wait3A_705] : memref<2x16000xf32, #tpu.memory_space<vmem>> -> memref<1x16000xf32, #tpu.memory_space<vmem>>
    %dma_wait3A_707 = tpu.memref_squeeze %dma_wait3A_706 : memref<1x16000xf32, #tpu.memory_space<vmem>> -> memref<16000xf32, #tpu.memory_space<vmem>>
    tpu.wait_dma2 semaphore(%arg14 : memref<!tpu.dma_semaphore, #tpu.memory_space<semaphore_mem>>) src(%dma_wait3A_707 : memref<16000xf32, #tpu.memory_space<vmem>>) dst(%dma_wait3A_704 : memref<16000xf32, #tpu.memory_space<hbm>>)
    return
  }
}

module attributes {stable_mosaic.version = 14 : i64} {
  func.func @_tc_body(%arg0: i32, %arg1: memref<1xf32, #tpu.memory_space<smem>>, %arg2: memref<1xf32, #tpu.memory_space<smem>>, %arg3: memref<1xf32, #tpu.memory_space<smem>>, %arg4: memref<4000x128xf32, #tpu.memory_space<vmem>>, %arg5: memref<4000x128xf32, #tpu.memory_space<vmem>>, %arg6: memref<4000x128xf32, #tpu.memory_space<vmem>>, %arg7: memref<4000x128xf32, #tpu.memory_space<vmem>>) attributes {dimension_semantics = [#tpu.dimension_semantics<arbitrary>], iteration_bounds = array<i64: 17>, scalar_prefetch = 0 : i64, scratch_operands = 0 : i64, tpu.core_type = #tpu.core_type<tc>, window_params = [{transform_indices = @transform_0, window_bounds = array<i64: 1>}, {transform_indices = @transform_1, window_bounds = array<i64: 1>}, {transform_indices = @transform_2, window_bounds = array<i64: 1>}, {transform_indices = @transform_3, window_bounds = array<i64: 4000, 128>}, {transform_indices = @transform_4, window_bounds = array<i64: 4000, 128>}, {transform_indices = @transform_5, window_bounds = array<i64: 4000, 128>}, {transform_indices = @transform_6, window_bounds = array<i64: 4000, 128>}]} {
    %get3A = arith.constant 0 : index
    %get3A_0 = arith.constant 0 : index
    %get3A_1 = vector.load %arg4[%get3A, %get3A_0] : memref<4000x128xf32, #tpu.memory_space<vmem>>, vector<4000x128xf32>
    %get3A_2 = arith.constant 0 : index
    %get3A_3 = memref.load %arg1[%get3A_2] : memref<1xf32, #tpu.memory_space<smem>>
    %mul3A = vector.broadcast %get3A_3 : f32 to vector<4000x128xf32>
    %mul3A_4 = arith.mulf %get3A_1, %mul3A : vector<4000x128xf32>
    %get3A_5 = arith.constant 0 : index
    %get3A_6 = arith.constant 0 : index
    %get3A_7 = vector.load %arg5[%get3A_5, %get3A_6] : memref<4000x128xf32, #tpu.memory_space<vmem>>, vector<4000x128xf32>
    %get3A_8 = arith.constant 0 : index
    %get3A_9 = memref.load %arg2[%get3A_8] : memref<1xf32, #tpu.memory_space<smem>>
    %mul3A_10 = vector.broadcast %get3A_9 : f32 to vector<4000x128xf32>
    %mul3A_11 = arith.mulf %get3A_7, %mul3A_10 : vector<4000x128xf32>
    %add3A = arith.addf %mul3A_4, %mul3A_11 : vector<4000x128xf32>
    %get3A_12 = arith.constant 0 : index
    %get3A_13 = arith.constant 0 : index
    %get3A_14 = vector.load %arg6[%get3A_12, %get3A_13] : memref<4000x128xf32, #tpu.memory_space<vmem>>, vector<4000x128xf32>
    %get3A_15 = arith.constant 0 : index
    %get3A_16 = memref.load %arg3[%get3A_15] : memref<1xf32, #tpu.memory_space<smem>>
    %mul3A_17 = vector.broadcast %get3A_16 : f32 to vector<4000x128xf32>
    %mul3A_18 = arith.mulf %get3A_14, %mul3A_17 : vector<4000x128xf32>
    %add3A_19 = arith.addf %add3A, %mul3A_18 : vector<4000x128xf32>
    %swap3A = arith.constant 0 : index
    %swap3A_20 = arith.constant 0 : index
    %swap3A_21 = vector.load %arg7[%swap3A, %swap3A_20] : memref<4000x128xf32, #tpu.memory_space<vmem>>, vector<4000x128xf32>
    tpu.vector_store %arg7[%swap3A, %swap3A_20], %add3A_19 {strides = array<i32>} : memref<4000x128xf32, #tpu.memory_space<vmem>>, vector<4000x128xf32>,
    return
  }
  func.func @transform_0(%arg0: i32) -> i32 {
    %c0_i32 = arith.constant 0 : i32
    %c0_i32_0 = arith.constant 0 : i32
    return %c0_i32 : i32
  }
  func.func @transform_1(%arg0: i32) -> i32 {
    %c0_i32 = arith.constant 0 : i32
    %c0_i32_0 = arith.constant 0 : i32
    return %c0_i32 : i32
  }
  func.func @transform_2(%arg0: i32) -> i32 {
    %c0_i32 = arith.constant 0 : i32
    %c0_i32_0 = arith.constant 0 : i32
    return %c0_i32 : i32
  }
  func.func @transform_3(%arg0: i32) -> (i32, i32) {
    %c0_i32 = arith.constant 0 : i32
    %c0_i32_0 = arith.constant 0 : i32
    return %arg0, %c0_i32 : i32, i32
  }
  func.func @transform_4(%arg0: i32) -> (i32, i32) {
    %c0_i32 = arith.constant 0 : i32
    %c0_i32_0 = arith.constant 0 : i32
    return %arg0, %c0_i32 : i32, i32
  }
  func.func @transform_5(%arg0: i32) -> (i32, i32) {
    %c0_i32 = arith.constant 0 : i32
    %c0_i32_0 = arith.constant 0 : i32
    return %arg0, %c0_i32 : i32, i32
  }
  func.func @transform_6(%arg0: i32) -> (i32, i32) {
    %c0_i32 = arith.constant 0 : i32
    %c0_i32_0 = arith.constant 0 : i32
    return %arg0, %c0_i32 : i32, i32
  }
}

module attributes {stable_mosaic.version = 14 : i64} {
  func.func @_merge_body(%arg0: i32, %arg1: memref<100000x128xf32, #tpu.memory_space<any>>, %arg2: memref<4000x128xf32, #tpu.memory_space<vmem>>, %arg3: memref<4000x128xf32, #tpu.memory_space<vmem>>) attributes {dimension_semantics = [#tpu.dimension_semantics<arbitrary>], iteration_bounds = array<i64: 8>, scalar_prefetch = 0 : i64, scratch_operands = 0 : i64, tpu.core_type = #tpu.core_type<tc>, window_params = [{}, {transform_indices = @transform_1, window_bounds = array<i64: 4000, 128>}, {transform_indices = @transform_2, window_bounds = array<i64: 4000, 128>}]} {
    %get3A = arith.constant 0 : index
    %get3A_0 = arith.constant 0 : index
    %get3A_1 = vector.load %arg2[%get3A, %get3A_0] : memref<4000x128xf32, #tpu.memory_space<vmem>>, vector<4000x128xf32>
    %swap3A = arith.constant 0 : index
    %swap3A_2 = arith.constant 0 : index
    %swap3A_3 = vector.load %arg3[%swap3A, %swap3A_2] : memref<4000x128xf32, #tpu.memory_space<vmem>>, vector<4000x128xf32>
    tpu.vector_store %arg3[%swap3A, %swap3A_2], %get3A_1 {strides = array<i32>} : memref<4000x128xf32, #tpu.memory_space<vmem>>, vector<4000x128xf32>,
    return
  }
  func.func @transform_1(%arg0: i32) -> (i32, i32) {
    %c0_i32 = arith.constant 0 : i32
    %c0_i32_0 = arith.constant 0 : i32
    return %arg0, %c0_i32 : i32, i32
  }
  func.func @transform_2(%arg0: i32) -> (i32, i32) {
    %add3A = arith.constant 17 : i32
    %add3A_0 = arith.addi %arg0, %add3A : i32
    %c0_i32 = arith.constant 0 : i32
    %c0_i32_1 = arith.constant 0 : i32
    return %add3A_0, %c0_i32 : i32, i32
  }
}

</mosaic_0001>

<sc_bundles>
// kernel: kernel.5.cloned.1.call-start
scs
__scs_entry_jumppad:
0x0: {  	(pc) =	sbr.rel $0x88, $3  }
0x1: {  	(tag) =	ssettag $0x0;
	lr =	simm.s32 $0x1  }
0x2: {  	[smem:$0x3F9B] =	sst lr;
	_ =	strace $0xD0000000  }
0x3: {  	_ = 	snop  }
0x4: {  	_ = 	snop  }
0x5: {  	_ = 	snop  }
0x6: {  	_ = 	snop  }
0x7: {  	_ = 	snop  }
__scs_overlays_trampoline_lowered:
0x8: {  	[smem:$0x3FAA] =	sst s0  }
0x9: {  	[smem:$0x3FAB] =	sst s1  }
0xa: {  	[smem:$0x3FAC] =	sst s2  }
0xb: {  	[smem:$0x3FAD] =	sst s3  }
0xc: {  	[smem:$0x3FAE] =	sst s4  }
0xd: {  	[smem:$0x3FAF] =	sst s5  }
0xe: {  	[smem:$0x3FB0] =	sst s6  }
0xf: {  	[smem:$0x3FB1] =	sst s7  }
0x10: {  	[smem:$0x3FB2] =	sst s8  }
0x11: {  	[smem:$0x3FB3] =	sst s9;
	s0 =	simm.s32 @!p0 $0x0  }
0x12: {  	s1 =	sld [smem:$0x3F99];
	s0 =	simm.s32 @p0 $0x1  }
0x13: {  	[smem:$0x3FB4] =	sst s0;
	s0 =	simm.s32 @!p1 $0x0  }
0x14: {  	s2 =	sld [smem:$0x3F98];
	s0 =	simm.s32 @p1 $0x1  }
0x15: {  	[smem:$0x3FB5] =	sst s0;
	s0 =	simm.s32 @!p2 $0x0  }
0x16: {  	s3 =	sld [smem:$0x3FDB];
	s0 =	simm.s32 @p2 $0x1  }
0x17: {  	s4 =	simm.s32 $0x1BF5;
	[smem:$0x3FB7] =	sst s0  }
0x18: {  	s0 =	sld [smem:$0x3F9A];
	_ =	swait.ge [sflag:s4], $0x0  }
0x19: {  	s7 =	sld [smem:$0x3F9B]  }
0x1a: {  	s8 =	sadd.s32 $0xFFFFE003, lr  }
0x1b: {  	s9 =	sadd.s32 $0xFFFFFEF7, lr;
	s5 =	simm.s32 $0xFFFFFFFF;
	p2 =	slt.u32 s8, $0xFFFFF086  }
0x1c: {  	p1 =	slt.u32 s9, $0xF7A;
	s5 =	simm.s32 @!p2 $0x0  }
0x1d: {  	s5 =	simm.s32 @p1 $0x1;
	p0 =	seq.s32 s7, s2  }
0x1e: {  	s7 =	smul.u32 @!p0 $0xF7A, s2;
	p2 =	seq.s32 @!p0 s5, $0x0  }
0x1f: {  	s9 =	smul.u32 $0xF7A, s1;
	s8 =	simm.s32 @!p0 $0x1BF5;
	p2 =	por !p2, p0  }
0x20: {  	[sflag:s8] =	ssyncset.s32 @!p0 $0xFFFFF086;
	s6 =	sadd.s32 @!p0 s3, s7;
	s7 =	simm.s32 @!p0 $0x108  }
0x21: {  	s3 =	sadd.s32 s3, s9;
	s6 =	sadd.s32 @!p0 $0x88, s6;
	s7 =	simm.s32 @p2 $0x1082  }
0x22: {  	[simem:s7], [sflag:s8] =	dma.local @!p0 [hbm:s6], $0xF7A  }
0x23: {  	s9 =	sor.u32 $0xD0000000, s2;
	s6 =	simm.s32 $0x108;
	_ =	swait.ge @!p0 [sflag:s8], $0x0  }
0x24: {  	s3 =	sadd.s32 $0x88, s3;
	s6 =	simm.s32 @!p1 $0x1082;
	[sflag:s4] =	ssyncset.s32 $0xFFFFF086  }
0x25: {  	[simem:s6], [sflag:s4] =	dma.local [hbm:s3], $0xF7A  }
0x26: {  	[smem:$0x3F9B] =	sst s1;
	(tag) =	ssettag s2;
	_ =	strace s9  }
0x27: {  	s1 =	sld [smem:$0x3FAB]  }
0x28: {  	s2 =	sld [smem:$0x3FAC]  }
0x29: {  	s4 =	sld [smem:$0x3FAE]  }
0x2a: {  	p0 =	seq.s32 s5, $0x0;
	s5 =	sld [smem:$0x3FAF]  }
0x2b: {  	s6 =	sld [smem:$0x3FB0]  }
0x2c: {  	s7 =	sld [smem:$0x3FB1]  }
0x2d: {  	s3 =	simm.s32 $0x108;
	s8 =	sld [smem:$0x3FB2]  }
0x2e: {  	s3 =	simm.s32 @!p0 $0x1082;
	s9 =	sld [smem:$0x3FB3]  }
0x2f: {  	lr =	sadd.s32 s0, s3;
	s0 =	sld [smem:$0x3FAA]  }
0x30: {  	s3 =	sld [smem:$0x3FAD]  }
0x31: {  	[smem:$0x3FB6] =	sst s10  }
0x32: {  	s10 =	sld [smem:$0x3FB4];
	_ =	sdelay $0x3  }
0x33: {  	p0 =	seq.s32 s10, $0x1;
	s10 =	sld [smem:$0x3FB6];
	_ =	sdelay $0x3  }
0x34: {  	[smem:$0x3FB6] =	sst s10  }
0x35: {  	s10 =	sld [smem:$0x3FB5];
	_ =	sdelay $0x3  }
0x36: {  	p1 =	seq.s32 s10, $0x1;
	s10 =	sld [smem:$0x3FB6];
	_ =	sdelay $0x3  }
0x37: {  	[smem:$0x3FB6] =	sst s10  }
0x38: {  	s10 =	sld [smem:$0x3FB7]  }
0x39: {  	_ = 	snop;
	(pc) =	sbr.ind lr, $3  }
0x3a: {  	_ = 	snop  }
0x3b: {  	_ = 	snop  }
0x3c: {  	p2 =	seq.s32 s10, $0x1;
	s10 =	sld [smem:$0x3FB6]  }
0x3d: {  	_ =	shalt  }
0x3e: {  	_ =	shalt  }
0x3f: {  	_ =	shalt  }
0x40: {  	_ =	shalt  }
0x41: {  	_ =	shalt  }
0x42: {  	_ =	shalt  }
0x43: {  	_ =	shalt  }
0x44: {  	_ =	shalt  }
0x45: {  	_ =	shalt  }
0x46: {  	_ =	shalt  }
0x47: {  	_ =	shalt  }
0x48: {  	_ =	shalt  }
0x49: {  	_ =	shalt  }
0x4a: {  	_ =	shalt  }
0x4b: {  	_ =	shalt  }
0x4c: {  	_ =	shalt  }
0x4d: {  	_ =	shalt  }
0x4e: {  	_ =	shalt  }
0x4f: {  	_ =	shalt  }
0x50: {  	_ =	shalt  }
0x51: {  	_ =	shalt  }
0x52: {  	_ =	shalt  }
0x53: {  	_ =	shalt  }
0x54: {  	_ =	shalt  }
0x55: {  	_ =	shalt  }
0x56: {  	_ =	shalt  }
0x57: {  	_ =	shalt  }
0x58: {  	_ =	shalt  }
0x59: {  	_ =	shalt  }
0x5a: {  	_ =	shalt  }
0x5b: {  	_ =	shalt  }
0x5c: {  	_ =	shalt  }
0x5d: {  	_ =	shalt  }
0x5e: {  	_ =	shalt  }
0x5f: {  	_ =	shalt  }
0x60: {  	_ =	shalt  }
0x61: {  	_ =	shalt  }
0x62: {  	_ =	shalt  }
0x63: {  	_ =	shalt  }
0x64: {  	_ =	shalt  }
0x65: {  	_ =	shalt  }
0x66: {  	_ =	shalt  }
0x67: {  	_ =	shalt  }
0x68: {  	_ =	shalt  }
0x69: {  	_ =	shalt  }
0x6a: {  	_ =	shalt  }
0x6b: {  	_ =	shalt  }
0x6c: {  	_ =	shalt  }
0x6d: {  	_ =	shalt  }
0x6e: {  	_ =	shalt  }
0x6f: {  	_ =	shalt  }
0x70: {  	_ =	shalt  }
0x71: {  	_ =	shalt  }
0x72: {  	_ =	shalt  }
0x73: {  	_ =	shalt  }
0x74: {  	_ =	shalt  }
0x75: {  	_ =	shalt  }
0x76: {  	_ =	shalt  }
0x77: {  	_ =	shalt  }
0x78: {  	_ =	shalt  }
0x79: {  	_ =	shalt  }
0x7a: {  	_ =	shalt  }
0x7b: {  	_ =	shalt  }
0x7c: {  	_ =	shalt  }
0x7d: {  	_ =	shalt  }
0x7e: {  	_ =	shalt  }
0x7f: {  	_ =	shalt  }
0x80: {  	_ =	shalt  }
0x81: {  	_ =	shalt  }
0x82: {  	_ =	shalt  }
0x83: {  	_ =	shalt  }
0x84: {  	_ =	shalt  }
0x85: {  	_ =	shalt  }
0x86: {  	_ =	shalt  }
0x87: {  	_ =	shalt  }
.Lfunc_end0:
.L_simem_size_0:
called_computation_lowered:
.L_overlay_start_0:
0x88: {  	s2 =	sld [smem:$0x3FD9]  }
0x89: {  	s3 =	sld [smem:$0x3FFE];
	_ =	sdelay $0x1  }
0x8a: {  	s1 =	srdreg.scid  }
0x8b: {  	s0 =	sand.u32 $0x1, s1  }
0x8c: {  	s17 =	sshll.u32 s0, $0xA;
	s2 =	sadd.s32 s3, s2  }
0x8d: {  	s2 =	sadd.s32 s2, s17  }
0x8e: {  	[smem:$0x3FC2] =	sst s2  }
0x8f: {  	_ = 	snop  }
0x90: {  	s2 =	sld [smem:$0x3FC9]  }
0x91: {  	s18 =	sld [smem:$0x3FC8]  }
0x92: {  	s4 =	sld [smem:$0x3FC7];
	(tm) =	ssettm $0x1  }
0x93: {  	s5 =	sld [smem:$0x3FFB];
	_ =	sdelay $0x3  }
0x94: {  	_ =	strace s5  }
0x95: {  	s5 =	sld [smem:$0x3FFC];
	_ =	sdelay $0x3  }
0x96: {  	_ =	strace s5  }
0x97: {  	s5 =	sld [smem:$0x3FFD];
	_ =	sdelay $0x3  }
0x98: {  	_ =	strace s5  }
0x99: {  	_ =	strace $0x8FFFFFFF  }
0x9a: {  	s19 =	sld [smem:$0x3FDB];
	_ =	sdelay $0x1  }
0x9b: {  	s6 =	simm.s32 $_scs_section_size  }
0x9c: {  	s7 =	simm.s32 $_size__tile_overlayer_lowered;
	s8 =	simm.s32 $_tile_overlayer_lowered  }
0x9d: {  	s22 =	simm.s32 $0x1BFF;
	s21 =	sshll.u32 s8, $0x1;
	s5 =	sadd.s32 s6, s19  }
0x9e: {  	s9 =	simm.s32 $0x0;
	s20 =	sshll.u32 s7, $0x1;
	s7 =	sadd.s32 s21, s5  }
0x9f: {  	[timem:s9], [sflag:s22] =	dma.local [hbm:s7], s20  }
0xa0: {  	_ =	swait.ge [sflag:s22], s20  }
0xa1: {  	s6 =	ssub.s32 $0x0, s20;
	[sflag:s22] =	ssyncset.done $0x0  }
0xa2: {  	[sflag:s22] =	ssyncadd.s32 s6;
	_ =	sdelay $0x1  }
0xa3: {  	s23 =	simm.s32 $0x1B8B  }
0xa4: {  	_ =	swait.ge [sflag:s23], $0x1  }
0xa5: {  	[sflag:s23] =	ssyncset.done $0x0  }
0xa6: {  	s25 =	simm.s32 $0x1B8E;
	s24 =	sld [smem:$0x3FFE];
	[sflag:s23] =	ssyncadd.s32 $0xFFFFFFFF  }
0xa7: {  	s26 =	simm.s32 $execute0_lowered;
	[smem:$0x3FD2] =	sst s25  }
0xa8: {  	s7 =	sshll.u32 s26, $0x1;
	_ =	strace $0x80000046;
	[dreg:$0x1] =	wrdreg $0xFFFFFFFF  }
0xa9: {  	s28 =	simm.s32 $_size_execute0_lowered;
	s5 =	sadd.s32 s5, s7;
	[dreg:$0x0] =	wrdreg $0x0  }
0xaa: {  	s7 =	sshll.u32 s28, $0x1;
	[dreg:$0x2] =	wrdreg s5  }
0xab: {  	[dreg:$0x3] =	wrdreg s7  }
0xac: {  	[dreg:$0x4] =	wrdreg $0xC0  }
0xad: {  	_ =	task [dreg:s9], $0x5FFFF  }
0xae: {  	[dreg:$0x1] =	wrdreg $0xFFFFFFFF  }
0xaf: {  	[dreg:$0x0] =	wrdreg $0x60  }
0xb0: {  	[dreg:$0x2] =	wrdreg s2  }
0xb1: {  	[dreg:$0x3] =	wrdreg s18  }
0xb2: {  	[dreg:$0x4] =	wrdreg s4  }
0xb3: {  	[dreg:$0x5] =	wrdreg s24  }
0xb4: {  	[dreg:$0x6] =	wrdreg $0x9  }
0xb5: {  	_ =	task.clear_ibuf [dreg:s9], $0x7FFFF;
	_ =	strace $0x90000046  }
0xb6: {  	s29 =	simm.s32 $0x9;
	_ =	strace $0x80000048  }
0xb7: {  	_ =	swait.ge [sflag:s29], $0x1  }
0xb8: {  	[sflag:s29] =	ssyncadd.s32 $0xFFFFFFFF  }
0xb9: {  	_ =	strace $0x90000048  }
0xba: {  	_ =	sfence  }
0xbb: {  	s30 =	sld [smem:$0x0];
	_ =	sdelay $0x2  }
0xbc: {  	s31 =	sshll.u32 s1, $0xD;
	s1 =	sshrl.u32 s1, $0x2  }
0xbd: {  	s3 =	sand.u32 $0x4000, s31;
	s1 =	sadd.s32 s1, s30  }
0xbe: {  	s0 =	sor.u32 s3, s0;
	s1 =	sshll.u32 s1, $0x11  }
0xbf: {  	s0 =	sor.u32 s1, s0  }
0xc0: {  	s0 =	sadd.s32 $0x8F2B, s0  }
0xc1: {  	[sflag:s0] =	ssyncadd.remote.s32 $0x1  }
0xc2: {  	_ =	sfence.sel $0xFFFF  }
0xc3: {  	[dreg:$0x0] =	wrdreg $0xFFFFFFFF;
	(pc) =	sbr.abs _section_cstart, $3  }
0xc4: {  	[dreg:$0x1] =	wrdreg $0xFFFFFFFF  }
0xc5: {  	_ =	task.clear_ibuf [dreg:s9], $0x2FFFF;
	_ =	strace $0x9FFFFFFF  }
0xc6: {  	(tm) =	ssettm $0x7FFFFFFF  }
0xc7: {  	_ =	shalt  }
tec
execute0_lowered:
.L_overlay_start_1:
0x0: {  	(tag) =	ssettag $0x1  }
0x1: {  	s0 =	srdreg.scid;
	s1 =	stileid.u32  }
0x2: {  	s0 =	sand.u32 $0x1, s0;
	s1 =	sshll.u32 s1, $0x1  }
0x3: {  	s2 =	rddreg [dreg:$0x0];
	s1 =	sor.u32 s0, s1  }
0x4: {  	s3 =	rddreg [dreg:$0x1];
	s4 =	smul.u32 $0x1F400, s1  }
0x5: {  	s5 =	rddreg [dreg:$0x2];
	s1 =	simm.s32 $0x0  }
0x6: {  	[smem:$0x7FF] =	sst s1;
	s4 =	sshrl.u32 s4, $0x3  }
0x7: {  	s0 =	ssub.s32 $0x2, s0;
	s16 =	sadd.s32 $0x109A00, s4;
	s17 =	sadd.s32 $0x10A1D0, s4  }
0x8: {  	s6 =	sshrl.u32 s0, $0x1;
	s19 =	sadd.s32 $0x10A9A0, s4;
	s22 =	sadd.s32 $0x10B170, s4  }
0x9: {  	s6 =	ssub.s32 s0, s6;
	s23 =	sadd.s32 $0x10B940, s4;
	s24 =	sadd.s32 $0x10C110, s4  }
0xa: {  	s25 =	sadd.s32 $0x10C8E0, s4;
	s26 =	sadd.s32 $0x10D0B0, s4;
	s8 =	sadd.s32 s2, s16  }
0xb: {  	s7 =	sadd.s32 s3, s16;
	s9 =	sadd.s32 s5, s16;
	s18 =	sadd.s32 s2, s17  }
0xc: {  	s10 =	sadd.s32 s3, s17;
	s20 =	sadd.s32 s2, s19;
	s21 =	sadd.s32 s3, s19  }
0xd: {  	s0 =	sadd.s32 s5, s19;
	s11 =	sadd.s32 s2, s22;
	[dreg:$0x6] =	wrdreg s7  }
0xe: {  	s12 =	sadd.s32 s3, s22;
	s13 =	sadd.s32 s5, s22;
	[dreg:$0x8] =	wrdreg s18  }
0xf: {  	s14 =	sadd.s32 s2, s23;
	s15 =	sadd.s32 s3, s23;
	[dreg:$0xb] =	wrdreg s20  }
0x10: {  	s16 =	sadd.s32 s5, s23;
	s19 =	sadd.s32 s5, s24;
	[dreg:$0xc] =	wrdreg s21  }
0x11: {  	s23 =	sadd.s32 s5, s25;
	s7 =	sadd.s32 s5, s17;
	[dreg:$0xd] =	wrdreg s0  }
0x12: {  	s17 =	sadd.s32 s2, s24;
	s18 =	sadd.s32 s3, s24;
	s20 =	sadd.s32 s2, s25  }
0x13: {  	s21 =	sadd.s32 s3, s25;
	s24 =	sadd.s32 s2, s26;
	s2 =	rddreg [dreg:$0x3]  }
0x14: {  	s25 =	sadd.s32 s3, s26;
	s26 =	sadd.s32 s5, s26;
	[dreg:$0xa] =	wrdreg s7  }
0x15: {  	s5 =	sadd.s32 s4, s2;
	s0 =	sadd.s32 $0xC00, s2;
	s7 =	smax.u32 s6, $0x1  }
0x16: {  	s6 =	simm.s32 $0x0;
	_ =	strace $0x80000047;
	[dreg:$0xe] =	wrdreg s0  }
0x17: {  	s29 =	sadd.s32 $0xE00, s5;
	s30 =	sadd.s32 $0x15D0, s5;
	[dreg:$0xf] =	wrdreg s7  }
0x18: {  	s31 =	sadd.s32 $0x1DA0, s5;
	s22 =	sadd.s32 $0x2570, s5;
	[dreg:$0x5] =	wrdreg s8  }
0x19: {  	s0 =	sadd.s32 $0x2D40, s5;
	s28 =	sadd.s32 $0x3510, s5;
	[dreg:$0x7] =	wrdreg s9  }
0x1a: {  	s2 =	sadd.s32 $0x3CE0, s5;
	s3 =	sadd.s32 $0x44B0, s5;
	[dreg:$0x9] =	wrdreg s10  }
.LBB2_1:
0x1b: {  	[dreg:$0x10] =	wrdreg s6  }
0x1c: {  	s4 =	rddreg [dreg:$0xe];
	s10 =	simm.s32 $0x5  }
0x1d: {  	[tilespmem:s1], [sflag:$0x5] =	stream.linear.gather [hbm4b:s4+s1], $0x80, $0x38;
	[tilespmem:$0x1F480] =	vst v63  }
0x1e: {  	_ =	swait.ge [sflag:s10], $0x80  }
0x1f: {  	[sflag:s10] =	ssyncset.done $0x0  }
0x20: {  	[sflag:s10] =	ssyncadd.s32 $0xFFFFFF80  }
0x21: {  	v0 =	vld [tilespmem:$0x20];
	_ =	sdelay $0x2  }
0x22: {  	s5 =	simm.s32 $0x10;
	v1 =	vld [tilespmem:$0x0]  }
0x23: {  	s7 =	sadd.s32 $0x0, s8;
	s6 =	simm.s32 $0x180;
	s4 =	simm.s32 $0x80;
	v2 =	vld [tilespmem:$0x10]  }
.LBB2_2:
0x24: {  	[tilespmem:s4], [sflag:$0x1] =	stream.linear.gather [hbm4b:s7+s1], $0x80, $0x38;
	[tilespmem:$0x1F480] =	vst v63  }
0x25: {  	s7 =	smov.u32 s5;
	s4 =	smov.u32 s6;
	p0 =	sne.s32 s5, $0x7C0  }
.Ltmp0:
0x26: {  	s5 =	sadd.s32 $0x10, s5;
	(pc) =	sbr.rel @p0 .LBB2_2-.Ltmp0, $2  }
0x27: {  	_ =	sdelay $0x2  }
0x28: {  	s6 =	sadd.s32 $0x100, s6;
	s7 =	sadd.s32 s7, s8  }
0x29: {  	[tilespmem:s4], [sflag:$0x1] =	stream.linear.gather [hbm4b:s7+s1], $0x80, $0x38;
	[tilespmem:$0x1F480] =	vst v63  }
0x2a: {  	s4 =	simm.s32 $0x7D80;
	s9 =	rddreg [dreg:$0x6]  }
0x2b: {  	s5 =	simm.s32 $0x10;
	s6 =	simm.s32 $0x7E80;
	s7 =	sadd.s32 $0x0, s9  }
.LBB2_4:
0x2c: {  	[tilespmem:s4], [sflag:$0x1] =	stream.linear.gather [hbm4b:s7+s1], $0x80, $0x38;
	[tilespmem:$0x1F480] =	vst v63  }
0x2d: {  	s7 =	smov.u32 s5;
	s4 =	smov.u32 s6;
	p0 =	sne.s32 s5, $0x7C0  }
.Ltmp1:
0x2e: {  	s5 =	sadd.s32 $0x10, s5;
	(pc) =	sbr.rel @p0 .LBB2_4-.Ltmp1, $2  }
0x2f: {  	_ =	sdelay $0x2  }
0x30: {  	s6 =	sadd.s32 $0x100, s6;
	s7 =	sadd.s32 s7, s9  }
0x31: {  	[tilespmem:s4], [sflag:$0x1] =	stream.linear.gather [hbm4b:s7+s1], $0x80, $0x38;
	[tilespmem:$0x1F480] =	vst v63  }
0x32: {  	s4 =	simm.s32 $0xFA80;
	s9 =	rddreg [dreg:$0x7]  }
0x33: {  	s5 =	simm.s32 $0x10;
	s6 =	simm.s32 $0xFB80;
	s7 =	sadd.s32 $0x0, s9  }
.LBB2_6:
0x34: {  	[tilespmem:s4], [sflag:$0x1] =	stream.linear.gather [hbm4b:s7+s1], $0x80, $0x38;
	[tilespmem:$0x1F480] =	vst v63  }
0x35: {  	s7 =	smov.u32 s5;
	s4 =	smov.u32 s6;
	p0 =	sne.s32 s5, $0x7C0  }
.Ltmp2:
0x36: {  	s5 =	sadd.s32 $0x10, s5;
	(pc) =	sbr.rel @p0 .LBB2_6-.Ltmp2, $2  }
0x37: {  	_ =	sdelay $0x2  }
0x38: {  	s6 =	sadd.s32 $0x100, s6;
	s7 =	sadd.s32 s7, s9  }
0x39: {  	[tilespmem:s4], [sflag:$0x1] =	stream.linear.gather [hbm4b:s7+s1], $0x80, $0x38;
	[tilespmem:$0x1F480] =	vst v63  }
0x3a: {  	s4 =	simm.s32 $0x100;
	s10 =	rddreg [dreg:$0x8]  }
0x3b: {  	s5 =	simm.s32 $0x10;
	s6 =	simm.s32 $0x200;
	s7 =	sadd.s32 $0x0, s10  }
.LBB2_8:
0x3c: {  	[tilespmem:s4], [sflag:$0x2] =	stream.linear.gather [hbm4b:s7+s1], $0x80, $0x38;
	[tilespmem:$0x1F480] =	vst v63  }
0x3d: {  	s7 =	smov.u32 s5;
	s4 =	smov.u32 s6;
	p0 =	sne.s32 s5, $0x7C0  }
.Ltmp3:
0x3e: {  	s5 =	sadd.s32 $0x10, s5;
	(pc) =	sbr.rel @p0 .LBB2_8-.Ltmp3, $2  }
0x3f: {  	_ =	sdelay $0x2  }
0x40: {  	s6 =	sadd.s32 $0x100, s6;
	s7 =	sadd.s32 s7, s10  }
0x41: {  	[tilespmem:s4], [sflag:$0x2] =	stream.linear.gather [hbm4b:s7+s1], $0x80, $0x38;
	[tilespmem:$0x1F480] =	vst v63  }
0x42: {  	s4 =	simm.s32 $0x7E00;
	s10 =	rddreg [dreg:$0x9]  }
0x43: {  	s5 =	simm.s32 $0x10;
	s6 =	simm.s32 $0x7F00;
	s7 =	sadd.s32 $0x0, s10  }
.LBB2_10:
0x44: {  	[tilespmem:s4], [sflag:$0x2] =	stream.linear.gather [hbm4b:s7+s1], $0x80, $0x38;
	[tilespmem:$0x1F480] =	vst v63  }
0x45: {  	s7 =	smov.u32 s5;
	s4 =	smov.u32 s6;
	p0 =	sne.s32 s5, $0x7C0  }
.Ltmp4:
0x46: {  	s5 =	sadd.s32 $0x10, s5;
	(pc) =	sbr.rel @p0 .LBB2_10-.Ltmp4, $2  }
0x47: {  	_ =	sdelay $0x2  }
0x48: {  	s6 =	sadd.s32 $0x100, s6;
	s7 =	sadd.s32 s7, s10  }
0x49: {  	[tilespmem:s4], [sflag:$0x2] =	stream.linear.gather [hbm4b:s7+s1], $0x80, $0x38;
	[tilespmem:$0x1F480] =	vst v63  }
0x4a: {  	s4 =	simm.s32 $0xFB00;
	s8 =	rddreg [dreg:$0xa]  }
0x4b: {  	s5 =	simm.s32 $0x10;
	s6 =	simm.s32 $0xFC00;
	s7 =	sadd.s32 $0x0, s8  }
.LBB2_12:
0x4c: {  	[tilespmem:s4], [sflag:$0x2] =	stream.linear.gather [hbm4b:s7+s1], $0x80, $0x38;
	[tilespmem:$0x1F480] =	vst v63  }
0x4d: {  	s7 =	smov.u32 s5;
	s4 =	smov.u32 s6;
	p0 =	sne.s32 s5, $0x7C0  }
.Ltmp5:
0x4e: {  	s5 =	sadd.s32 $0x10, s5;
	(pc) =	sbr.rel @p0 .LBB2_12-.Ltmp5, $2  }
0x4f: {  	_ =	sdelay $0x2  }
0x50: {  	s6 =	sadd.s32 $0x100, s6;
	s7 =	sadd.s32 s7, s8  }
0x51: {  	[tilespmem:s4], [sflag:$0x2] =	stream.linear.gather [hbm4b:s7+s1], $0x80, $0x38;
	[tilespmem:$0x1F480] =	vst v63  }
0x52: {  	s10 =	simm.s32 $0x1  }
0x53: {  	_ =	swait.ge [sflag:s10], $0x3E80  }
0x54: {  	[sflag:s10] =	ssyncset.done $0x0  }
0x55: {  	[sflag:s10] =	ssyncadd.s32 $0xFFFFC180  }
0x56: {  	_ =	swait.ge [sflag:s10], $0x3E80  }
0x57: {  	[sflag:s10] =	ssyncset.done $0x0  }
0x58: {  	[sflag:s10] =	ssyncadd.s32 $0xFFFFC180  }
0x59: {  	_ =	swait.ge [sflag:s10], $0x3E80  }
0x5a: {  	[sflag:s10] =	ssyncset.done $0x0  }
0x5b: {  	s6 =	simm.s32 $0xC0;
	[sflag:s10] =	ssyncadd.s32 $0xFFFFC180  }
0x5c: {  	s4 =	simm.s32 $0x7DC0;
	v3 =	vld [tilespmem:s6+$0x30]  }
0x5d: {  	v4 =	vld [tilespmem:s4+$0x30]  }
0x5e: {  	s5 =	simm.s32 $0xFAC0;
	v5 =	vld [tilespmem:s4+$0xFFFFFFC0]  }
0x5f: {  	v6 =	vld [tilespmem:s5+$0x30]  }
0x60: {  	v7 =	vld [tilespmem:s6+$0xFFFFFFD0]  }
0x61: {  	v8 =	vld [tilespmem:s4+$0xFFFFFFD0]  }
0x62: {  	v9 =	vld [tilespmem:s6+$0xFFFFFFE0]  }
0x63: {  	v10 =	vld [tilespmem:s4+$0xFFFFFFE0]  }
0x64: {  	v11 =	vld [tilespmem:s6+$0xFFFFFFF0]  }
0x65: {  	v12 =	vld [tilespmem:s4+$0xFFFFFFF0]  }
0x66: {  	v13 =	vld [tilespmem:s6+$0x0]  }
0x67: {  	v14 =	vld [tilespmem:s4+$0x0]  }
0x68: {  	v15 =	vld [tilespmem:s6+$0x10]  }
0x69: {  	v16 =	vld [tilespmem:s4+$0x10];
	v3 =	vmul.f32 v3, v1  }
0x6a: {  	v18 =	vld [tilespmem:s4+$0x20];
	v4 =	vmul.f32 v4, v2;
	v17 =	vmul.f32 v5, v2  }
0x6b: {  	v19 =	vld [tilespmem:s6+$0xFFFFFFC0];
	v6 =	vmul.f32 v6, v0;
	v7 =	vmul.f32 v7, v1  }
0x6c: {  	v5 =	vld [tilespmem:s6+$0x20];
	v13 =	vmul.f32 v13, v1;
	v3 =	vadd.f32 v4, v3;
	v4 =	vmul.f32 v8, v2  }
0x6d: {  	v20 =	vld [tilespmem:s5+$0xFFFFFFC0];
	v8 =	vmul.f32 v9, v1;
	v9 =	vmul.f32 v10, v2  }
0x6e: {  	v22 =	vld [tilespmem:s5+$0xFFFFFFD0];
	v10 =	vmul.f32 v11, v1;
	v21 =	vadd.f32 v6, v3;
	v6 =	vmul.f32 v12, v2  }
0x6f: {  	v3 =	vadd.f32 v4, v7;
	v7 =	vmul.f32 v14, v2;
	v14 =	vmul.f32 v15, v1;
	v12 =	vld [tilespmem:s5+$0xFFFFFFE0]  }
0x70: {  	v4 =	vadd.f32 v9, v8;
	v8 =	vmul.f32 v16, v2;
	v9 =	vld [tilespmem:s5+$0xFFFFFFF0];
	v16 =	vmul.f32 v18, v2  }
0x71: {  	v11 =	vld [tilespmem:s5+$0x0];
	v18 =	vmul.f32 v19, v1;
	v15 =	vmul.f32 v5, v1;
	v5 =	vadd.f32 v6, v10  }
0x72: {  	s6 =	simm.s32 $0x177C0;
	v6 =	vadd.f32 v7, v13;
	v7 =	vadd.f32 v8, v14;
	v14 =	vmul.f32 v20, v0;
	v10 =	vld [tilespmem:s5+$0x10]  }
0x73: {  	s7 =	simm.s32 $0x0;
	s8 =	simm.s32 $0x1C0;
	[tilespmem:s6+$0x30] =	vst v21;
	v13 =	vld [tilespmem:s5+$0x20];
	v8 =	vadd.f32 v16, v15;
	v15 =	vadd.f32 v17, v18;
	v16 =	vmul.f32 v22, v0  }
.LBB2_14:
0x74: {  	v17 =	vld [tilespmem:s8+$0x30];
	v12 =	vmul.f32 v12, v0;
	s4 =	sadd.s32 $0x100, s4  }
0x75: {  	s7 =	sadd.s32 $0x80, s7;
	v18 =	vld [tilespmem:s4+$0x30];
	v14 =	vadd.f32 v14, v15;
	v3 =	vadd.f32 v16, v3;
	v9 =	vmul.f32 v9, v0  }
0x76: {  	s5 =	sadd.s32 $0x100, s5;
	p0 =	slt.u32 s7, $0x3E00;
	v15 =	vld [tilespmem:s4+$0xFFFFFFC0];
	v4 =	vadd.f32 v12, v4;
	v11 =	vmul.f32 v11, v0  }
0x77: {  	v12 =	vld [tilespmem:s5+$0x30];
	[tilespmem:s6+$0xFFFFFFC0] =	vst v14;
	v5 =	vadd.f32 v9, v5;
	v9 =	vmul.f32 v10, v0  }
0x78: {  	v10 =	vld [tilespmem:s8+$0xFFFFFFD0];
	[tilespmem:s6+$0xFFFFFFD0] =	vst v3;
	v3 =	vadd.f32 v11, v6;
	v6 =	vmul.f32 v13, v0  }
0x79: {  	v11 =	vld [tilespmem:s4+$0xFFFFFFD0];
	[tilespmem:s6+$0xFFFFFFE0] =	vst v4;
	v4 =	vadd.f32 v9, v7  }
0x7a: {  	v9 =	vmul.f32 v17, v1;
	v7 =	vld [tilespmem:s8+$0xFFFFFFE0];
	v13 =	vmul.f32 v18, v2;
	[tilespmem:s6+$0xFFFFFFF0] =	vst v5;
	v5 =	vadd.f32 v6, v8  }
0x7b: {  	v15 =	vmul.f32 v15, v2;
	v6 =	vld [tilespmem:s4+$0xFFFFFFE0];
	[tilespmem:s6+$0x0] =	vst v3  }
0x7c: {  	v8 =	vld [tilespmem:s8+$0xFFFFFFF0];
	v3 =	vadd.f32 v13, v9;
	v9 =	vmul.f32 v12, v0;
	[tilespmem:s6+$0x10] =	vst v4  }
0x7d: {  	v4 =	vmul.f32 v10, v1;
	v10 =	vld [tilespmem:s4+$0xFFFFFFF0];
	[tilespmem:s6+$0x20] =	vst v5  }
0x7e: {  	v5 =	vmul.f32 v11, v2;
	v11 =	vld [tilespmem:s8+$0x0];
	v9 =	vadd.f32 v9, v3  }
0x7f: {  	s6 =	sadd.s32 $0x100, s6;
	v7 =	vmul.f32 v7, v1;
	v12 =	vld [tilespmem:s4+$0x0]  }
0x80: {  	v3 =	vadd.f32 v5, v4;
	v4 =	vmul.f32 v6, v2;
	v6 =	vld [tilespmem:s8+$0x10];
	[tilespmem:s6+$0x30] =	vst v9  }
0x81: {  	v5 =	vmul.f32 v8, v1;
	v8 =	vld [tilespmem:s4+$0x10]  }
0x82: {  	v4 =	vadd.f32 v4, v7;
	v7 =	vmul.f32 v10, v2;
	v9 =	vld [tilespmem:s8+$0x20]  }
0x83: {  	v10 =	vmul.f32 v11, v1;
	v11 =	vld [tilespmem:s4+$0x20]  }
0x84: {  	v13 =	vld [tilespmem:s8+$0xFFFFFFC0];
	v5 =	vadd.f32 v7, v5;
	v7 =	vmul.f32 v12, v2  }
0x85: {  	v14 =	vld [tilespmem:s5+$0xFFFFFFC0];
	v16 =	vmul.f32 v6, v1  }
0x86: {  	v17 =	vld [tilespmem:s5+$0xFFFFFFD0];
	v6 =	vadd.f32 v7, v10;
	v7 =	vmul.f32 v8, v2  }
.Ltmp6:
0x87: {  	v12 =	vld [tilespmem:s5+$0xFFFFFFE0];
	v8 =	vmul.f32 v9, v1;
	(pc) =	sbr.rel @p0 .LBB2_14-.Ltmp6, $4  }
0x88: {  	v9 =	vld [tilespmem:s5+$0xFFFFFFF0];
	v7 =	vadd.f32 v7, v16;
	v16 =	vmul.f32 v11, v2  }
0x89: {  	v13 =	vmul.f32 v13, v1;
	v11 =	vld [tilespmem:s5+$0x0]  }
0x8a: {  	v14 =	vmul.f32 v14, v0;
	v10 =	vld [tilespmem:s5+$0x10];
	v8 =	vadd.f32 v16, v8  }
0x8b: {  	s8 =	sadd.s32 $0x100, s8;
	v15 =	vadd.f32 v15, v13;
	v16 =	vmul.f32 v17, v0;
	v13 =	vld [tilespmem:s5+$0x20]  }
0x8c: {  	_ = 	snop  }
0x8d: {  	v12 =	vmul.f32 v12, v0;
	v14 =	vadd.f32 v14, v15  }
0x8e: {  	v3 =	vadd.f32 v16, v3;
	v9 =	vmul.f32 v9, v0  }
0x8f: {  	v4 =	vadd.f32 v12, v4;
	v11 =	vmul.f32 v11, v0;
	[tilespmem:s6+$0xFFFFFFC0] =	vst v14  }
0x90: {  	v5 =	vadd.f32 v9, v5;
	v60 =	vmul.f32 v10, v0;
	[tilespmem:s6+$0xFFFFFFD0] =	vst v3  }
0x91: {  	v3 =	vadd.f32 v11, v6;
	v61 =	vmul.f32 v13, v0;
	[tilespmem:s6+$0xFFFFFFE0] =	vst v4  }
0x92: {  	v62 =	vadd.f32 v60, v7;
	[tilespmem:s6+$0xFFFFFFF0] =	vst v5  }
0x93: {  	v63 =	vadd.f32 v61, v8;
	[tilespmem:s6+$0x0] =	vst v3  }
0x94: {  	s4 =	simm.s32 $0x17780;
	[tilespmem:s6+$0x10] =	vst v62  }
0x95: {  	s5 =	simm.s32 $0x10;
	s7 =	sadd.s32 $0x0, s29;
	[tilespmem:s6+$0x20] =	vst v63;
	s6 =	simm.s32 $0x17880  }
.LBB2_16:
0x96: {  	[hbm4b:s7+s1] =	stream.linear.scatter [tilespmem:s4], [sflag:$0x3], $0x80, $0x38;
	[tilespmem:$0x1F480] =	vst v63  }
0x97: {  	s7 =	smov.u32 s5;
	s4 =	smov.u32 s6;
	p0 =	sne.s32 s5, $0x7C0  }
.Ltmp7:
0x98: {  	s5 =	sadd.s32 $0x10, s5;
	(pc) =	sbr.rel @p0 .LBB2_16-.Ltmp7, $2  }
0x99: {  	_ =	sdelay $0x2  }
0x9a: {  	s6 =	sadd.s32 $0x100, s6;
	s7 =	sadd.s32 s7, s29  }
0x9b: {  	[hbm4b:s7+s1] =	stream.linear.scatter [tilespmem:s4], [sflag:$0x3], $0x80, $0x38;
	[tilespmem:$0x1F480] =	vst v63  }
0x9c: {  	s4 =	simm.s32 $0x80;
	s8 =	rddreg [dreg:$0xb]  }
0x9d: {  	s5 =	simm.s32 $0x10;
	s6 =	simm.s32 $0x180;
	s7 =	sadd.s32 $0x0, s8  }
.LBB2_18:
0x9e: {  	[tilespmem:s4], [sflag:$0x1] =	stream.linear.gather [hbm4b:s7+s1], $0x80, $0x38;
	[tilespmem:$0x1F480] =	vst v63  }
0x9f: {  	s7 =	smov.u32 s5;
	s4 =	smov.u32 s6;
	p0 =	sne.s32 s5, $0x7C0  }
.Ltmp8:
0xa0: {  	s5 =	sadd.s32 $0x10, s5;
	(pc) =	sbr.rel @p0 .LBB2_18-.Ltmp8, $2  }
0xa1: {  	_ =	sdelay $0x2  }
0xa2: {  	s6 =	sadd.s32 $0x100, s6;
	s7 =	sadd.s32 s7, s8  }
0xa3: {  	[tilespmem:s4], [sflag:$0x1] =	stream.linear.gather [hbm4b:s7+s1], $0x80, $0x38;
	[tilespmem:$0x1F480] =	vst v63  }
0xa4: {  	s4 =	simm.s32 $0x7D80;
	s8 =	rddreg [dreg:$0xc]  }
0xa5: {  	s5 =	simm.s32 $0x10;
	s6 =	simm.s32 $0x7E80;
	s7 =	sadd.s32 $0x0, s8  }
.LBB2_20:
0xa6: {  	[tilespmem:s4], [sflag:$0x1] =	stream.linear.gather [hbm4b:s7+s1], $0x80, $0x38;
	[tilespmem:$0x1F480] =	vst v63  }
0xa7: {  	s7 =	smov.u32 s5;
	s4 =	smov.u32 s6;
	p0 =	sne.s32 s5, $0x7C0  }
.Ltmp9:
0xa8: {  	s5 =	sadd.s32 $0x10, s5;
	(pc) =	sbr.rel @p0 .LBB2_20-.Ltmp9, $2  }
0xa9: {  	_ =	sdelay $0x2  }
0xaa: {  	s6 =	sadd.s32 $0x100, s6;
	s7 =	sadd.s32 s7, s8  }
0xab: {  	[tilespmem:s4], [sflag:$0x1] =	stream.linear.gather [hbm4b:s7+s1], $0x80, $0x38;
	[tilespmem:$0x1F480] =	vst v63  }
0xac: {  	s4 =	simm.s32 $0xFA80;
	s8 =	rddreg [dreg:$0xd]  }
0xad: {  	s5 =	simm.s32 $0x10;
	s6 =	simm.s32 $0xFB80;
	s7 =	sadd.s32 $0x0, s8  }
.LBB2_22:
0xae: {  	[tilespmem:s4], [sflag:$0x1] =	stream.linear.gather [hbm4b:s7+s1], $0x80, $0x38;
	[tilespmem:$0x1F480] =	vst v63  }
0xaf: {  	s7 =	smov.u32 s5;
	s4 =	smov.u32 s6;
	p0 =	sne.s32 s5, $0x7C0  }
.Ltmp10:
0xb0: {  	s5 =	sadd.s32 $0x10, s5;
	(pc) =	sbr.rel @p0 .LBB2_22-.Ltmp10, $2  }
0xb1: {  	_ =	sdelay $0x2  }
0xb2: {  	s6 =	sadd.s32 $0x100, s6;
	s7 =	sadd.s32 s7, s8  }
0xb3: {  	[tilespmem:s4], [sflag:$0x1] =	stream.linear.gather [hbm4b:s7+s1], $0x80, $0x38;
	[tilespmem:$0x1F480] =	vst v63  }
0xb4: {  	s10 =	simm.s32 $0x2  }
0xb5: {  	_ =	swait.ge [sflag:s10], $0x3E80  }
0xb6: {  	[sflag:s10] =	ssyncset.done $0x0  }
0xb7: {  	[sflag:s10] =	ssyncadd.s32 $0xFFFFC180  }
0xb8: {  	_ =	swait.ge [sflag:s10], $0x3E80  }
0xb9: {  	[sflag:s10] =	ssyncset.done $0x0  }
0xba: {  	[sflag:s10] =	ssyncadd.s32 $0xFFFFC180  }
0xbb: {  	_ =	swait.ge [sflag:s10], $0x3E80  }
0xbc: {  	[sflag:s10] =	ssyncset.done $0x0  }
0xbd: {  	s6 =	simm.s32 $0x170;
	[sflag:s10] =	ssyncadd.s32 $0xFFFFC180  }
0xbe: {  	s4 =	simm.s32 $0x7E70;
	v3 =	vld [tilespmem:s6+$0x0]  }
0xbf: {  	v4 =	vld [tilespmem:s4+$0x0]  }
0xc0: {  	s5 =	simm.s32 $0xFB70;
	v5 =	vld [tilespmem:s4+$0xFFFFFF90]  }
0xc1: {  	v6 =	vld [tilespmem:s5+$0x0]  }
0xc2: {  	v7 =	vld [tilespmem:s6+$0xFFFFFFA0]  }
0xc3: {  	v8 =	vld [tilespmem:s4+$0xFFFFFFA0]  }
0xc4: {  	v9 =	vld [tilespmem:s6+$0xFFFFFFB0]  }
0xc5: {  	v10 =	vld [tilespmem:s4+$0xFFFFFFB0]  }
0xc6: {  	v11 =	vld [tilespmem:s6+$0xFFFFFFC0]  }
0xc7: {  	v12 =	vld [tilespmem:s4+$0xFFFFFFC0]  }
0xc8: {  	v13 =	vld [tilespmem:s6+$0xFFFFFFD0]  }
0xc9: {  	v14 =	vld [tilespmem:s4+$0xFFFFFFD0]  }
0xca: {  	v15 =	vld [tilespmem:s6+$0xFFFFFFE0]  }
0xcb: {  	v16 =	vld [tilespmem:s4+$0xFFFFFFE0];
	v3 =	vmul.f32 v3, v1  }
0xcc: {  	v18 =	vld [tilespmem:s4+$0xFFFFFFF0];
	v4 =	vmul.f32 v4, v2;
	v17 =	vmul.f32 v5, v2  }
0xcd: {  	v19 =	vld [tilespmem:s6+$0xFFFFFF90];
	v6 =	vmul.f32 v6, v0;
	v7 =	vmul.f32 v7, v1  }
0xce: {  	v5 =	vld [tilespmem:s6+$0xFFFFFFF0];
	v13 =	vmul.f32 v13, v1;
	v3 =	vadd.f32 v4, v3;
	v4 =	vmul.f32 v8, v2  }
0xcf: {  	v20 =	vld [tilespmem:s5+$0xFFFFFF90];
	v8 =	vmul.f32 v9, v1;
	v9 =	vmul.f32 v10, v2  }
0xd0: {  	v22 =	vld [tilespmem:s5+$0xFFFFFFA0];
	v10 =	vmul.f32 v11, v1;
	v21 =	vadd.f32 v6, v3;
	v6 =	vmul.f32 v12, v2  }
0xd1: {  	v3 =	vadd.f32 v4, v7;
	v7 =	vmul.f32 v14, v2;
	v14 =	vmul.f32 v15, v1;
	v12 =	vld [tilespmem:s5+$0xFFFFFFB0]  }
0xd2: {  	v4 =	vadd.f32 v9, v8;
	v8 =	vmul.f32 v16, v2;
	v9 =	vld [tilespmem:s5+$0xFFFFFFC0];
	v16 =	vmul.f32 v18, v2  }
0xd3: {  	v11 =	vld [tilespmem:s5+$0xFFFFFFD0];
	v18 =	vmul.f32 v19, v1;
	v15 =	vmul.f32 v5, v1;
	v5 =	vadd.f32 v6, v10  }
0xd4: {  	s6 =	simm.s32 $0x17870;
	v6 =	vadd.f32 v7, v13;
	v7 =	vadd.f32 v8, v14;
	v14 =	vmul.f32 v20, v0;
	v10 =	vld [tilespmem:s5+$0xFFFFFFE0]  }
0xd5: {  	s7 =	simm.s32 $0x0;
	s8 =	simm.s32 $0x270;
	[tilespmem:s6+$0x0] =	vst v21;
	v13 =	vld [tilespmem:s5+$0xFFFFFFF0];
	v8 =	vadd.f32 v16, v15;
	v15 =	vadd.f32 v17, v18;
	v16 =	vmul.f32 v22, v0  }
.LBB2_24:
0xd6: {  	v17 =	vld [tilespmem:s8+$0x0];
	v12 =	vmul.f32 v12, v0;
	s4 =	sadd.s32 $0x100, s4  }
0xd7: {  	s7 =	sadd.s32 $0x80, s7;
	v18 =	vld [tilespmem:s4+$0x0];
	v14 =	vadd.f32 v14, v15;
	v3 =	vadd.f32 v16, v3;
	v9 =	vmul.f32 v9, v0  }
0xd8: {  	s5 =	sadd.s32 $0x100, s5;
	p0 =	slt.u32 s7, $0x3E00;
	v15 =	vld [tilespmem:s4+$0xFFFFFF90];
	v4 =	vadd.f32 v12, v4;
	v11 =	vmul.f32 v11, v0  }
0xd9: {  	v12 =	vld [tilespmem:s5+$0x0];
	[tilespmem:s6+$0xFFFFFF90] =	vst v14;
	v5 =	vadd.f32 v9, v5;
	v9 =	vmul.f32 v10, v0  }
0xda: {  	v10 =	vld [tilespmem:s8+$0xFFFFFFA0];
	[tilespmem:s6+$0xFFFFFFA0] =	vst v3;
	v3 =	vadd.f32 v11, v6;
	v6 =	vmul.f32 v13, v0  }
0xdb: {  	v11 =	vld [tilespmem:s4+$0xFFFFFFA0];
	[tilespmem:s6+$0xFFFFFFB0] =	vst v4;
	v4 =	vadd.f32 v9, v7  }
0xdc: {  	v9 =	vmul.f32 v17, v1;
	v7 =	vld [tilespmem:s8+$0xFFFFFFB0];
	v13 =	vmul.f32 v18, v2;
	[tilespmem:s6+$0xFFFFFFC0] =	vst v5;
	v5 =	vadd.f32 v6, v8  }
0xdd: {  	v15 =	vmul.f32 v15, v2;
	v6 =	vld [tilespmem:s4+$0xFFFFFFB0];
	[tilespmem:s6+$0xFFFFFFD0] =	vst v3  }
0xde: {  	v8 =	vld [tilespmem:s8+$0xFFFFFFC0];
	v3 =	vadd.f32 v13, v9;
	v9 =	vmul.f32 v12, v0;
	[tilespmem:s6+$0xFFFFFFE0] =	vst v4  }
0xdf: {  	v4 =	vmul.f32 v10, v1;
	v10 =	vld [tilespmem:s4+$0xFFFFFFC0];
	[tilespmem:s6+$0xFFFFFFF0] =	vst v5  }
0xe0: {  	v5 =	vmul.f32 v11, v2;
	v11 =	vld [tilespmem:s8+$0xFFFFFFD0];
	v9 =	vadd.f32 v9, v3  }
0xe1: {  	s6 =	sadd.s32 $0x100, s6;
	v7 =	vmul.f32 v7, v1;
	v12 =	vld [tilespmem:s4+$0xFFFFFFD0]  }
0xe2: {  	v3 =	vadd.f32 v5, v4;
	v4 =	vmul.f32 v6, v2;
	v6 =	vld [tilespmem:s8+$0xFFFFFFE0];
	[tilespmem:s6+$0x0] =	vst v9  }
0xe3: {  	v5 =	vmul.f32 v8, v1;
	v8 =	vld [tilespmem:s4+$0xFFFFFFE0]  }
0xe4: {  	v4 =	vadd.f32 v4, v7;
	v7 =	vmul.f32 v10, v2;
	v9 =	vld [tilespmem:s8+$0xFFFFFFF0]  }
0xe5: {  	v10 =	vmul.f32 v11, v1;
	v11 =	vld [tilespmem:s4+$0xFFFFFFF0]  }
0xe6: {  	v13 =	vld [tilespmem:s8+$0xFFFFFF90];
	v5 =	vadd.f32 v7, v5;
	v7 =	vmul.f32 v12, v2  }
0xe7: {  	v14 =	vld [tilespmem:s5+$0xFFFFFF90];
	v16 =	vmul.f32 v6, v1  }
0xe8: {  	v17 =	vld [tilespmem:s5+$0xFFFFFFA0];
	v6 =	vadd.f32 v7, v10;
	v7 =	vmul.f32 v8, v2  }
.Ltmp11:
0xe9: {  	v12 =	vld [tilespmem:s5+$0xFFFFFFB0];
	v8 =	vmul.f32 v9, v1;
	(pc) =	sbr.rel @p0 .LBB2_24-.Ltmp11, $4  }
0xea: {  	v9 =	vld [tilespmem:s5+$0xFFFFFFC0];
	v7 =	vadd.f32 v7, v16;
	v16 =	vmul.f32 v11, v2  }
0xeb: {  	v13 =	vmul.f32 v13, v1;
	v11 =	vld [tilespmem:s5+$0xFFFFFFD0]  }
0xec: {  	v14 =	vmul.f32 v14, v0;
	v10 =	vld [tilespmem:s5+$0xFFFFFFE0];
	v8 =	vadd.f32 v16, v8  }
0xed: {  	s8 =	sadd.s32 $0x100, s8;
	v15 =	vadd.f32 v15, v13;
	v16 =	vmul.f32 v17, v0;
	v13 =	vld [tilespmem:s5+$0xFFFFFFF0]  }
0xee: {  	_ = 	snop  }
0xef: {  	v12 =	vmul.f32 v12, v0;
	v14 =	vadd.f32 v14, v15  }
0xf0: {  	v3 =	vadd.f32 v16, v3;
	v9 =	vmul.f32 v9, v0  }
0xf1: {  	v4 =	vadd.f32 v12, v4;
	v11 =	vmul.f32 v11, v0;
	[tilespmem:s6+$0xFFFFFF90] =	vst v14  }
0xf2: {  	v5 =	vadd.f32 v9, v5;
	v60 =	vmul.f32 v10, v0;
	[tilespmem:s6+$0xFFFFFFA0] =	vst v3  }
0xf3: {  	v3 =	vadd.f32 v11, v6;
	v61 =	vmul.f32 v13, v0;
	[tilespmem:s6+$0xFFFFFFB0] =	vst v4  }
0xf4: {  	v62 =	vadd.f32 v60, v7;
	[tilespmem:s6+$0xFFFFFFC0] =	vst v5  }
0xf5: {  	v63 =	vadd.f32 v61, v8;
	[tilespmem:s6+$0xFFFFFFD0] =	vst v3  }
0xf6: {  	s4 =	simm.s32 $0x17800;
	[tilespmem:s6+$0xFFFFFFE0] =	vst v62  }
0xf7: {  	s5 =	simm.s32 $0x10;
	s7 =	sadd.s32 $0x0, s30;
	[tilespmem:s6+$0xFFFFFFF0] =	vst v63;
	s6 =	simm.s32 $0x17900  }
.LBB2_26:
0xf8: {  	[hbm4b:s7+s1] =	stream.linear.scatter [tilespmem:s4], [sflag:$0x4], $0x80, $0x38;
	[tilespmem:$0x1F480] =	vst v63  }
0xf9: {  	s7 =	smov.u32 s5;
	s4 =	smov.u32 s6;
	p0 =	sne.s32 s5, $0x7C0  }
.Ltmp12:
0xfa: {  	s5 =	sadd.s32 $0x10, s5;
	(pc) =	sbr.rel @p0 .LBB2_26-.Ltmp12, $2  }
0xfb: {  	_ =	sdelay $0x2  }
0xfc: {  	s6 =	sadd.s32 $0x100, s6;
	s7 =	sadd.s32 s7, s30  }
0xfd: {  	[hbm4b:s7+s1] =	stream.linear.scatter [tilespmem:s4], [sflag:$0x4], $0x80, $0x38;
	[tilespmem:$0x1F480] =	vst v63  }
0xfe: {  	s4 =	simm.s32 $0x100  }
0xff: {  	s5 =	simm.s32 $0x10;
	s7 =	sadd.s32 $0x0, s11;
	s6 =	simm.s32 $0x200  }
.LBB2_28:
0x100: {  	[tilespmem:s4], [sflag:$0x2] =	stream.linear.gather [hbm4b:s7+s1], $0x80, $0x38;
	[tilespmem:$0x1F480] =	vst v63  }
0x101: {  	s7 =	smov.u32 s5;
	s4 =	smov.u32 s6;
	p0 =	sne.s32 s5, $0x7C0  }
.Ltmp13:
0x102: {  	s5 =	sadd.s32 $0x10, s5;
	(pc) =	sbr.rel @p0 .LBB2_28-.Ltmp13, $2  }
0x103: {  	_ =	sdelay $0x2  }
0x104: {  	s6 =	sadd.s32 $0x100, s6;
	s7 =	sadd.s32 s7, s11  }
0x105: {  	[tilespmem:s4], [sflag:$0x2] =	stream.linear.gather [hbm4b:s7+s1], $0x80, $0x38;
	[tilespmem:$0x1F480] =	vst v63  }
0x106: {  	s4 =	simm.s32 $0x7E00  }
0x107: {  	s5 =	simm.s32 $0x10;
	s7 =	sadd.s32 $0x0, s12;
	s6 =	simm.s32 $0x7F00  }
.LBB2_30:
0x108: {  	[tilespmem:s4], [sflag:$0x2] =	stream.linear.gather [hbm4b:s7+s1], $0x80, $0x38;
	[tilespmem:$0x1F480] =	vst v63  }
0x109: {  	s7 =	smov.u32 s5;
	s4 =	smov.u32 s6;
	p0 =	sne.s32 s5, $0x7C0  }
.Ltmp14:
0x10a: {  	s5 =	sadd.s32 $0x10, s5;
	(pc) =	sbr.rel @p0 .LBB2_30-.Ltmp14, $2  }
0x10b: {  	_ =	sdelay $0x2  }
0x10c: {  	s6 =	sadd.s32 $0x100, s6;
	s7 =	sadd.s32 s7, s12  }
0x10d: {  	[tilespmem:s4], [sflag:$0x2] =	stream.linear.gather [hbm4b:s7+s1], $0x80, $0x38;
	[tilespmem:$0x1F480] =	vst v63  }
0x10e: {  	s4 =	simm.s32 $0xFB00  }
0x10f: {  	s5 =	simm.s32 $0x10;
	s7 =	sadd.s32 $0x0, s13;
	s6 =	simm.s32 $0xFC00  }
.LBB2_32:
0x110: {  	[tilespmem:s4], [sflag:$0x2] =	stream.linear.gather [hbm4b:s7+s1], $0x80, $0x38;
	[tilespmem:$0x1F480] =	vst v63  }
0x111: {  	s7 =	smov.u32 s5;
	s4 =	smov.u32 s6;
	p0 =	sne.s32 s5, $0x7C0  }
.Ltmp15:
0x112: {  	s5 =	sadd.s32 $0x10, s5;
	(pc) =	sbr.rel @p0 .LBB2_32-.Ltmp15, $2  }
0x113: {  	_ =	sdelay $0x2  }
0x114: {  	s6 =	sadd.s32 $0x100, s6;
	s7 =	sadd.s32 s7, s13  }
0x115: {  	[tilespmem:s4], [sflag:$0x2] =	stream.linear.gather [hbm4b:s7+s1], $0x80, $0x38;
	[tilespmem:$0x1F480] =	vst v63  }
0x116: {  	s9 =	simm.s32 $0x1  }
0x117: {  	_ =	swait.ge [sflag:s9], $0x3E80  }
0x118: {  	[sflag:s9] =	ssyncset.done $0x0  }
0x119: {  	[sflag:s9] =	ssyncadd.s32 $0xFFFFC180  }
0x11a: {  	_ =	swait.ge [sflag:s9], $0x3E80  }
0x11b: {  	[sflag:s9] =	ssyncset.done $0x0  }
0x11c: {  	[sflag:s9] =	ssyncadd.s32 $0xFFFFC180  }
0x11d: {  	_ =	swait.ge [sflag:s9], $0x3E80  }
0x11e: {  	[sflag:s9] =	ssyncset.done $0x0  }
0x11f: {  	s10 =	simm.s32 $0x3;
	[sflag:s9] =	ssyncadd.s32 $0xFFFFC180  }
0x120: {  	_ =	swait.ge [sflag:s10], $0x3E80  }
0x121: {  	[sflag:s10] =	ssyncset.done $0x0  }
0x122: {  	s6 =	simm.s32 $0xC0;
	[sflag:s10] =	ssyncadd.s32 $0xFFFFC180  }
0x123: {  	s4 =	simm.s32 $0x7DC0;
	v3 =	vld [tilespmem:s6+$0x30]  }
0x124: {  	v4 =	vld [tilespmem:s4+$0x30]  }
0x125: {  	s5 =	simm.s32 $0xFAC0;
	v5 =	vld [tilespmem:s4+$0xFFFFFFC0]  }
0x126: {  	v6 =	vld [tilespmem:s5+$0x30]  }
0x127: {  	v7 =	vld [tilespmem:s6+$0xFFFFFFD0]  }
0x128: {  	v8 =	vld [tilespmem:s4+$0xFFFFFFD0]  }
0x129: {  	v9 =	vld [tilespmem:s6+$0xFFFFFFE0]  }
0x12a: {  	v10 =	vld [tilespmem:s4+$0xFFFFFFE0]  }
0x12b: {  	v11 =	vld [tilespmem:s6+$0xFFFFFFF0]  }
0x12c: {  	v12 =	vld [tilespmem:s4+$0xFFFFFFF0]  }
0x12d: {  	v13 =	vld [tilespmem:s6+$0x0]  }
0x12e: {  	v14 =	vld [tilespmem:s4+$0x0]  }
0x12f: {  	v15 =	vld [tilespmem:s6+$0x10]  }
0x130: {  	v16 =	vld [tilespmem:s4+$0x10];
	v3 =	vmul.f32 v3, v1  }
0x131: {  	v18 =	vld [tilespmem:s4+$0x20];
	v4 =	vmul.f32 v4, v2;
	v17 =	vmul.f32 v5, v2  }
0x132: {  	v19 =	vld [tilespmem:s6+$0xFFFFFFC0];
	v6 =	vmul.f32 v6, v0;
	v7 =	vmul.f32 v7, v1  }
0x133: {  	v5 =	vld [tilespmem:s6+$0x20];
	v13 =	vmul.f32 v13, v1;
	v3 =	vadd.f32 v4, v3;
	v4 =	vmul.f32 v8, v2  }
0x134: {  	v20 =	vld [tilespmem:s5+$0xFFFFFFC0];
	v8 =	vmul.f32 v9, v1;
	v9 =	vmul.f32 v10, v2  }
0x135: {  	v22 =	vld [tilespmem:s5+$0xFFFFFFD0];
	v10 =	vmul.f32 v11, v1;
	v21 =	vadd.f32 v6, v3;
	v6 =	vmul.f32 v12, v2  }
0x136: {  	v3 =	vadd.f32 v4, v7;
	v7 =	vmul.f32 v14, v2;
	v14 =	vmul.f32 v15, v1;
	v12 =	vld [tilespmem:s5+$0xFFFFFFE0]  }
0x137: {  	v4 =	vadd.f32 v9, v8;
	v8 =	vmul.f32 v16, v2;
	v9 =	vld [tilespmem:s5+$0xFFFFFFF0];
	v16 =	vmul.f32 v18, v2  }
0x138: {  	v11 =	vld [tilespmem:s5+$0x0];
	v18 =	vmul.f32 v19, v1;
	v15 =	vmul.f32 v5, v1;
	v5 =	vadd.f32 v6, v10  }
0x139: {  	s6 =	simm.s32 $0x177C0;
	v6 =	vadd.f32 v7, v13;
	v7 =	vadd.f32 v8, v14;
	v14 =	vmul.f32 v20, v0;
	v10 =	vld [tilespmem:s5+$0x10]  }
0x13a: {  	s7 =	simm.s32 $0x0;
	s8 =	simm.s32 $0x1C0;
	[tilespmem:s6+$0x30] =	vst v21;
	v13 =	vld [tilespmem:s5+$0x20];
	v8 =	vadd.f32 v16, v15;
	v15 =	vadd.f32 v17, v18;
	v16 =	vmul.f32 v22, v0  }
.LBB2_34:
0x13b: {  	v17 =	vld [tilespmem:s8+$0x30];
	v12 =	vmul.f32 v12, v0;
	s4 =	sadd.s32 $0x100, s4  }
0x13c: {  	s7 =	sadd.s32 $0x80, s7;
	v18 =	vld [tilespmem:s4+$0x30];
	v14 =	vadd.f32 v14, v15;
	v3 =	vadd.f32 v16, v3;
	v9 =	vmul.f32 v9, v0  }
0x13d: {  	s5 =	sadd.s32 $0x100, s5;
	p0 =	slt.u32 s7, $0x3E00;
	v15 =	vld [tilespmem:s4+$0xFFFFFFC0];
	v4 =	vadd.f32 v12, v4;
	v11 =	vmul.f32 v11, v0  }
0x13e: {  	v12 =	vld [tilespmem:s5+$0x30];
	[tilespmem:s6+$0xFFFFFFC0] =	vst v14;
	v5 =	vadd.f32 v9, v5;
	v9 =	vmul.f32 v10, v0  }
0x13f: {  	v10 =	vld [tilespmem:s8+$0xFFFFFFD0];
	[tilespmem:s6+$0xFFFFFFD0] =	vst v3;
	v3 =	vadd.f32 v11, v6;
	v6 =	vmul.f32 v13, v0  }
0x140: {  	v11 =	vld [tilespmem:s4+$0xFFFFFFD0];
	[tilespmem:s6+$0xFFFFFFE0] =	vst v4;
	v4 =	vadd.f32 v9, v7  }
0x141: {  	v9 =	vmul.f32 v17, v1;
	v7 =	vld [tilespmem:s8+$0xFFFFFFE0];
	v13 =	vmul.f32 v18, v2;
	[tilespmem:s6+$0xFFFFFFF0] =	vst v5;
	v5 =	vadd.f32 v6, v8  }
0x142: {  	v15 =	vmul.f32 v15, v2;
	v6 =	vld [tilespmem:s4+$0xFFFFFFE0];
	[tilespmem:s6+$0x0] =	vst v3  }
0x143: {  	v8 =	vld [tilespmem:s8+$0xFFFFFFF0];
	v3 =	vadd.f32 v13, v9;
	v9 =	vmul.f32 v12, v0;
	[tilespmem:s6+$0x10] =	vst v4  }
0x144: {  	v4 =	vmul.f32 v10, v1;
	v10 =	vld [tilespmem:s4+$0xFFFFFFF0];
	[tilespmem:s6+$0x20] =	vst v5  }
0x145: {  	v5 =	vmul.f32 v11, v2;
	v11 =	vld [tilespmem:s8+$0x0];
	v9 =	vadd.f32 v9, v3  }
0x146: {  	s6 =	sadd.s32 $0x100, s6;
	v7 =	vmul.f32 v7, v1;
	v12 =	vld [tilespmem:s4+$0x0]  }
0x147: {  	v3 =	vadd.f32 v5, v4;
	v4 =	vmul.f32 v6, v2;
	v6 =	vld [tilespmem:s8+$0x10];
	[tilespmem:s6+$0x30] =	vst v9  }
0x148: {  	v5 =	vmul.f32 v8, v1;
	v8 =	vld [tilespmem:s4+$0x10]  }
0x149: {  	v4 =	vadd.f32 v4, v7;
	v7 =	vmul.f32 v10, v2;
	v9 =	vld [tilespmem:s8+$0x20]  }
0x14a: {  	v10 =	vmul.f32 v11, v1;
	v11 =	vld [tilespmem:s4+$0x20]  }
0x14b: {  	v13 =	vld [tilespmem:s8+$0xFFFFFFC0];
	v5 =	vadd.f32 v7, v5;
	v7 =	vmul.f32 v12, v2  }
0x14c: {  	v14 =	vld [tilespmem:s5+$0xFFFFFFC0];
	v16 =	vmul.f32 v6, v1  }
0x14d: {  	v17 =	vld [tilespmem:s5+$0xFFFFFFD0];
	v6 =	vadd.f32 v7, v10;
	v7 =	vmul.f32 v8, v2  }
.Ltmp16:
0x14e: {  	v12 =	vld [tilespmem:s5+$0xFFFFFFE0];
	v8 =	vmul.f32 v9, v1;
	(pc) =	sbr.rel @p0 .LBB2_34-.Ltmp16, $4  }
0x14f: {  	v9 =	vld [tilespmem:s5+$0xFFFFFFF0];
	v7 =	vadd.f32 v7, v16;
	v16 =	vmul.f32 v11, v2  }
0x150: {  	v13 =	vmul.f32 v13, v1;
	v11 =	vld [tilespmem:s5+$0x0]  }
0x151: {  	v14 =	vmul.f32 v14, v0;
	v10 =	vld [tilespmem:s5+$0x10];
	v8 =	vadd.f32 v16, v8  }
0x152: {  	s8 =	sadd.s32 $0x100, s8;
	v15 =	vadd.f32 v15, v13;
	v16 =	vmul.f32 v17, v0;
	v13 =	vld [tilespmem:s5+$0x20]  }
0x153: {  	_ = 	snop  }
0x154: {  	v12 =	vmul.f32 v12, v0;
	v14 =	vadd.f32 v14, v15  }
0x155: {  	v3 =	vadd.f32 v16, v3;
	v9 =	vmul.f32 v9, v0  }
0x156: {  	v4 =	vadd.f32 v12, v4;
	v11 =	vmul.f32 v11, v0;
	[tilespmem:s6+$0xFFFFFFC0] =	vst v14  }
0x157: {  	v5 =	vadd.f32 v9, v5;
	v60 =	vmul.f32 v10, v0;
	[tilespmem:s6+$0xFFFFFFD0] =	vst v3  }
0x158: {  	v3 =	vadd.f32 v11, v6;
	v61 =	vmul.f32 v13, v0;
	[tilespmem:s6+$0xFFFFFFE0] =	vst v4  }
0x159: {  	v62 =	vadd.f32 v60, v7;
	[tilespmem:s6+$0xFFFFFFF0] =	vst v5  }
0x15a: {  	v63 =	vadd.f32 v61, v8;
	[tilespmem:s6+$0x0] =	vst v3  }
0x15b: {  	s4 =	simm.s32 $0x17780;
	[tilespmem:s6+$0x10] =	vst v62  }
0x15c: {  	s5 =	simm.s32 $0x10;
	s7 =	sadd.s32 $0x0, s31;
	[tilespmem:s6+$0x20] =	vst v63;
	s6 =	simm.s32 $0x17880  }
.LBB2_36:
0x15d: {  	[hbm4b:s7+s1] =	stream.linear.scatter [tilespmem:s4], [sflag:$0x3], $0x80, $0x38;
	[tilespmem:$0x1F480] =	vst v63  }
0x15e: {  	s7 =	smov.u32 s5;
	s4 =	smov.u32 s6;
	p0 =	sne.s32 s5, $0x7C0  }
.Ltmp17:
0x15f: {  	s5 =	sadd.s32 $0x10, s5;
	(pc) =	sbr.rel @p0 .LBB2_36-.Ltmp17, $2  }
0x160: {  	_ =	sdelay $0x2  }
0x161: {  	s6 =	sadd.s32 $0x100, s6;
	s7 =	sadd.s32 s7, s31  }
0x162: {  	[hbm4b:s7+s1] =	stream.linear.scatter [tilespmem:s4], [sflag:$0x3], $0x80, $0x38;
	[tilespmem:$0x1F480] =	vst v63  }
0x163: {  	s4 =	simm.s32 $0x80  }
0x164: {  	s5 =	simm.s32 $0x10;
	s7 =	sadd.s32 $0x0, s14;
	s6 =	simm.s32 $0x180  }
.LBB2_38:
0x165: {  	[tilespmem:s4], [sflag:$0x1] =	stream.linear.gather [hbm4b:s7+s1], $0x80, $0x38;
	[tilespmem:$0x1F480] =	vst v63  }
0x166: {  	s7 =	smov.u32 s5;
	s4 =	smov.u32 s6;
	p0 =	sne.s32 s5, $0x7C0  }
.Ltmp18:
0x167: {  	s5 =	sadd.s32 $0x10, s5;
	(pc) =	sbr.rel @p0 .LBB2_38-.Ltmp18, $2  }
0x168: {  	_ =	sdelay $0x2  }
0x169: {  	s6 =	sadd.s32 $0x100, s6;
	s7 =	sadd.s32 s7, s14  }
0x16a: {  	[tilespmem:s4], [sflag:$0x1] =	stream.linear.gather [hbm4b:s7+s1], $0x80, $0x38;
	[tilespmem:$0x1F480] =	vst v63  }
0x16b: {  	s4 =	simm.s32 $0x7D80  }
0x16c: {  	s5 =	simm.s32 $0x10;
	s7 =	sadd.s32 $0x0, s15;
	s6 =	simm.s32 $0x7E80  }
.LBB2_40:
0x16d: {  	[tilespmem:s4], [sflag:$0x1] =	stream.linear.gather [hbm4b:s7+s1], $0x80, $0x38;
	[tilespmem:$0x1F480] =	vst v63  }
0x16e: {  	s7 =	smov.u32 s5;
	s4 =	smov.u32 s6;
	p0 =	sne.s32 s5, $0x7C0  }
.Ltmp19:
0x16f: {  	s5 =	sadd.s32 $0x10, s5;
	(pc) =	sbr.rel @p0 .LBB2_40-.Ltmp19, $2  }
0x170: {  	_ =	sdelay $0x2  }
0x171: {  	s6 =	sadd.s32 $0x100, s6;
	s7 =	sadd.s32 s7, s15  }
0x172: {  	[tilespmem:s4], [sflag:$0x1] =	stream.linear.gather [hbm4b:s7+s1], $0x80, $0x38;
	[tilespmem:$0x1F480] =	vst v63  }
0x173: {  	s4 =	simm.s32 $0xFA80  }
0x174: {  	s5 =	simm.s32 $0x10;
	s7 =	sadd.s32 $0x0, s16;
	s6 =	simm.s32 $0xFB80  }
.LBB2_42:
0x175: {  	[tilespmem:s4], [sflag:$0x1] =	stream.linear.gather [hbm4b:s7+s1], $0x80, $0x38;
	[tilespmem:$0x1F480] =	vst v63  }
0x176: {  	s7 =	smov.u32 s5;
	s4 =	smov.u32 s6;
	p0 =	sne.s32 s5, $0x7C0  }
.Ltmp20:
0x177: {  	s5 =	sadd.s32 $0x10, s5;
	(pc) =	sbr.rel @p0 .LBB2_42-.Ltmp20, $2  }
0x178: {  	_ =	sdelay $0x2  }
0x179: {  	s6 =	sadd.s32 $0x100, s6;
	s7 =	sadd.s32 s7, s16  }
0x17a: {  	[tilespmem:s4], [sflag:$0x1] =	stream.linear.gather [hbm4b:s7+s1], $0x80, $0x38;
	[tilespmem:$0x1F480] =	vst v63  }
0x17b: {  	s9 =	simm.s32 $0x2  }
0x17c: {  	_ =	swait.ge [sflag:s9], $0x3E80  }
0x17d: {  	[sflag:s9] =	ssyncset.done $0x0  }
0x17e: {  	[sflag:s9] =	ssyncadd.s32 $0xFFFFC180  }
0x17f: {  	_ =	swait.ge [sflag:s9], $0x3E80  }
0x180: {  	[sflag:s9] =	ssyncset.done $0x0  }
0x181: {  	[sflag:s9] =	ssyncadd.s32 $0xFFFFC180  }
0x182: {  	_ =	swait.ge [sflag:s9], $0x3E80  }
0x183: {  	[sflag:s9] =	ssyncset.done $0x0  }
0x184: {  	s10 =	simm.s32 $0x4;
	[sflag:s9] =	ssyncadd.s32 $0xFFFFC180  }
0x185: {  	_ =	swait.ge [sflag:s10], $0x3E80  }
0x186: {  	[sflag:s10] =	ssyncset.done $0x0  }
0x187: {  	s6 =	simm.s32 $0x170;
	[sflag:s10] =	ssyncadd.s32 $0xFFFFC180  }
0x188: {  	s4 =	simm.s32 $0x7E70;
	v3 =	vld [tilespmem:s6+$0x0]  }
0x189: {  	v4 =	vld [tilespmem:s4+$0x0]  }
0x18a: {  	s5 =	simm.s32 $0xFB70;
	v5 =	vld [tilespmem:s4+$0xFFFFFF90]  }
0x18b: {  	v6 =	vld [tilespmem:s5+$0x0]  }
0x18c: {  	v7 =	vld [tilespmem:s6+$0xFFFFFFA0]  }
0x18d: {  	v8 =	vld [tilespmem:s4+$0xFFFFFFA0]  }
0x18e: {  	v9 =	vld [tilespmem:s6+$0xFFFFFFB0]  }
0x18f: {  	v10 =	vld [tilespmem:s4+$0xFFFFFFB0]  }
0x190: {  	v11 =	vld [tilespmem:s6+$0xFFFFFFC0]  }
0x191: {  	v12 =	vld [tilespmem:s4+$0xFFFFFFC0]  }
0x192: {  	v13 =	vld [tilespmem:s6+$0xFFFFFFD0]  }
0x193: {  	v14 =	vld [tilespmem:s4+$0xFFFFFFD0]  }
0x194: {  	v15 =	vld [tilespmem:s6+$0xFFFFFFE0]  }
0x195: {  	v16 =	vld [tilespmem:s4+$0xFFFFFFE0];
	v3 =	vmul.f32 v3, v1  }
0x196: {  	v18 =	vld [tilespmem:s4+$0xFFFFFFF0];
	v4 =	vmul.f32 v4, v2;
	v17 =	vmul.f32 v5, v2  }
0x197: {  	v19 =	vld [tilespmem:s6+$0xFFFFFF90];
	v6 =	vmul.f32 v6, v0;
	v7 =	vmul.f32 v7, v1  }
0x198: {  	v5 =	vld [tilespmem:s6+$0xFFFFFFF0];
	v13 =	vmul.f32 v13, v1;
	v3 =	vadd.f32 v4, v3;
	v4 =	vmul.f32 v8, v2  }
0x199: {  	v20 =	vld [tilespmem:s5+$0xFFFFFF90];
	v8 =	vmul.f32 v9, v1;
	v9 =	vmul.f32 v10, v2  }
0x19a: {  	v22 =	vld [tilespmem:s5+$0xFFFFFFA0];
	v10 =	vmul.f32 v11, v1;
	v21 =	vadd.f32 v6, v3;
	v6 =	vmul.f32 v12, v2  }
0x19b: {  	v3 =	vadd.f32 v4, v7;
	v7 =	vmul.f32 v14, v2;
	v14 =	vmul.f32 v15, v1;
	v12 =	vld [tilespmem:s5+$0xFFFFFFB0]  }
0x19c: {  	v4 =	vadd.f32 v9, v8;
	v8 =	vmul.f32 v16, v2;
	v9 =	vld [tilespmem:s5+$0xFFFFFFC0];
	v16 =	vmul.f32 v18, v2  }
0x19d: {  	v11 =	vld [tilespmem:s5+$0xFFFFFFD0];
	v18 =	vmul.f32 v19, v1;
	v15 =	vmul.f32 v5, v1;
	v5 =	vadd.f32 v6, v10  }
0x19e: {  	s6 =	simm.s32 $0x17870;
	v6 =	vadd.f32 v7, v13;
	v7 =	vadd.f32 v8, v14;
	v14 =	vmul.f32 v20, v0;
	v10 =	vld [tilespmem:s5+$0xFFFFFFE0]  }
0x19f: {  	s7 =	simm.s32 $0x0;
	s8 =	simm.s32 $0x270;
	[tilespmem:s6+$0x0] =	vst v21;
	v13 =	vld [tilespmem:s5+$0xFFFFFFF0];
	v8 =	vadd.f32 v16, v15;
	v15 =	vadd.f32 v17, v18;
	v16 =	vmul.f32 v22, v0  }
.LBB2_44:
0x1a0: {  	v17 =	vld [tilespmem:s8+$0x0];
	v12 =	vmul.f32 v12, v0;
	s4 =	sadd.s32 $0x100, s4  }
0x1a1: {  	s7 =	sadd.s32 $0x80, s7;
	v18 =	vld [tilespmem:s4+$0x0];
	v14 =	vadd.f32 v14, v15;
	v3 =	vadd.f32 v16, v3;
	v9 =	vmul.f32 v9, v0  }
0x1a2: {  	s5 =	sadd.s32 $0x100, s5;
	p0 =	slt.u32 s7, $0x3E00;
	v15 =	vld [tilespmem:s4+$0xFFFFFF90];
	v4 =	vadd.f32 v12, v4;
	v11 =	vmul.f32 v11, v0  }
0x1a3: {  	v12 =	vld [tilespmem:s5+$0x0];
	[tilespmem:s6+$0xFFFFFF90] =	vst v14;
	v5 =	vadd.f32 v9, v5;
	v9 =	vmul.f32 v10, v0  }
0x1a4: {  	v10 =	vld [tilespmem:s8+$0xFFFFFFA0];
	[tilespmem:s6+$0xFFFFFFA0] =	vst v3;
	v3 =	vadd.f32 v11, v6;
	v6 =	vmul.f32 v13, v0  }
0x1a5: {  	v11 =	vld [tilespmem:s4+$0xFFFFFFA0];
	[tilespmem:s6+$0xFFFFFFB0] =	vst v4;
	v4 =	vadd.f32 v9, v7  }
0x1a6: {  	v9 =	vmul.f32 v17, v1;
	v7 =	vld [tilespmem:s8+$0xFFFFFFB0];
	v13 =	vmul.f32 v18, v2;
	[tilespmem:s6+$0xFFFFFFC0] =	vst v5;
	v5 =	vadd.f32 v6, v8  }
0x1a7: {  	v15 =	vmul.f32 v15, v2;
	v6 =	vld [tilespmem:s4+$0xFFFFFFB0];
	[tilespmem:s6+$0xFFFFFFD0] =	vst v3  }
0x1a8: {  	v8 =	vld [tilespmem:s8+$0xFFFFFFC0];
	v3 =	vadd.f32 v13, v9;
	v9 =	vmul.f32 v12, v0;
	[tilespmem:s6+$0xFFFFFFE0] =	vst v4  }
0x1a9: {  	v4 =	vmul.f32 v10, v1;
	v10 =	vld [tilespmem:s4+$0xFFFFFFC0];
	[tilespmem:s6+$0xFFFFFFF0] =	vst v5  }
0x1aa: {  	v5 =	vmul.f32 v11, v2;
	v11 =	vld [tilespmem:s8+$0xFFFFFFD0];
	v9 =	vadd.f32 v9, v3  }
0x1ab: {  	s6 =	sadd.s32 $0x100, s6;
	v7 =	vmul.f32 v7, v1;
	v12 =	vld [tilespmem:s4+$0xFFFFFFD0]  }
0x1ac: {  	v3 =	vadd.f32 v5, v4;
	v4 =	vmul.f32 v6, v2;
	v6 =	vld [tilespmem:s8+$0xFFFFFFE0];
	[tilespmem:s6+$0x0] =	vst v9  }
0x1ad: {  	v5 =	vmul.f32 v8, v1;
	v8 =	vld [tilespmem:s4+$0xFFFFFFE0]  }
0x1ae: {  	v4 =	vadd.f32 v4, v7;
	v7 =	vmul.f32 v10, v2;
	v9 =	vld [tilespmem:s8+$0xFFFFFFF0]  }
0x1af: {  	v10 =	vmul.f32 v11, v1;
	v11 =	vld [tilespmem:s4+$0xFFFFFFF0]  }
0x1b0: {  	v13 =	vld [tilespmem:s8+$0xFFFFFF90];
	v5 =	vadd.f32 v7, v5;
	v7 =	vmul.f32 v12, v2  }
0x1b1: {  	v14 =	vld [tilespmem:s5+$0xFFFFFF90];
	v16 =	vmul.f32 v6, v1  }
0x1b2: {  	v17 =	vld [tilespmem:s5+$0xFFFFFFA0];
	v6 =	vadd.f32 v7, v10;
	v7 =	vmul.f32 v8, v2  }
.Ltmp21:
0x1b3: {  	v12 =	vld [tilespmem:s5+$0xFFFFFFB0];
	v8 =	vmul.f32 v9, v1;
	(pc) =	sbr.rel @p0 .LBB2_44-.Ltmp21, $4  }
0x1b4: {  	v9 =	vld [tilespmem:s5+$0xFFFFFFC0];
	v7 =	vadd.f32 v7, v16;
	v16 =	vmul.f32 v11, v2  }
0x1b5: {  	v13 =	vmul.f32 v13, v1;
	v11 =	vld [tilespmem:s5+$0xFFFFFFD0]  }
0x1b6: {  	v14 =	vmul.f32 v14, v0;
	v10 =	vld [tilespmem:s5+$0xFFFFFFE0];
	v8 =	vadd.f32 v16, v8  }
0x1b7: {  	s8 =	sadd.s32 $0x100, s8;
	v15 =	vadd.f32 v15, v13;
	v16 =	vmul.f32 v17, v0;
	v13 =	vld [tilespmem:s5+$0xFFFFFFF0]  }
0x1b8: {  	_ = 	snop  }
0x1b9: {  	v12 =	vmul.f32 v12, v0;
	v14 =	vadd.f32 v14, v15  }
0x1ba: {  	v3 =	vadd.f32 v16, v3;
	v9 =	vmul.f32 v9, v0  }
0x1bb: {  	v4 =	vadd.f32 v12, v4;
	v11 =	vmul.f32 v11, v0;
	[tilespmem:s6+$0xFFFFFF90] =	vst v14  }
0x1bc: {  	v5 =	vadd.f32 v9, v5;
	v60 =	vmul.f32 v10, v0;
	[tilespmem:s6+$0xFFFFFFA0] =	vst v3  }
0x1bd: {  	v3 =	vadd.f32 v11, v6;
	v61 =	vmul.f32 v13, v0;
	[tilespmem:s6+$0xFFFFFFB0] =	vst v4  }
0x1be: {  	v62 =	vadd.f32 v60, v7;
	[tilespmem:s6+$0xFFFFFFC0] =	vst v5  }
0x1bf: {  	v63 =	vadd.f32 v61, v8;
	[tilespmem:s6+$0xFFFFFFD0] =	vst v3  }
0x1c0: {  	s4 =	simm.s32 $0x17800;
	[tilespmem:s6+$0xFFFFFFE0] =	vst v62  }
0x1c1: {  	s5 =	simm.s32 $0x10;
	s7 =	sadd.s32 $0x0, s22;
	[tilespmem:s6+$0xFFFFFFF0] =	vst v63;
	s6 =	simm.s32 $0x17900  }
.LBB2_46:
0x1c2: {  	[hbm4b:s7+s1] =	stream.linear.scatter [tilespmem:s4], [sflag:$0x4], $0x80, $0x38;
	[tilespmem:$0x1F480] =	vst v63  }
0x1c3: {  	s7 =	smov.u32 s5;
	s4 =	smov.u32 s6;
	p0 =	sne.s32 s5, $0x7C0  }
.Ltmp22:
0x1c4: {  	s5 =	sadd.s32 $0x10, s5;
	(pc) =	sbr.rel @p0 .LBB2_46-.Ltmp22, $2  }
0x1c5: {  	_ =	sdelay $0x2  }
0x1c6: {  	s6 =	sadd.s32 $0x100, s6;
	s7 =	sadd.s32 s7, s22  }
0x1c7: {  	[hbm4b:s7+s1] =	stream.linear.scatter [tilespmem:s4], [sflag:$0x4], $0x80, $0x38;
	[tilespmem:$0x1F480] =	vst v63  }
0x1c8: {  	s4 =	simm.s32 $0x100  }
0x1c9: {  	s5 =	simm.s32 $0x10;
	s7 =	sadd.s32 $0x0, s17;
	s6 =	simm.s32 $0x200  }
.LBB2_48:
0x1ca: {  	[tilespmem:s4], [sflag:$0x2] =	stream.linear.gather [hbm4b:s7+s1], $0x80, $0x38;
	[tilespmem:$0x1F480] =	vst v63  }
0x1cb: {  	s7 =	smov.u32 s5;
	s4 =	smov.u32 s6;
	p0 =	sne.s32 s5, $0x7C0  }
.Ltmp23:
0x1cc: {  	s5 =	sadd.s32 $0x10, s5;
	(pc) =	sbr.rel @p0 .LBB2_48-.Ltmp23, $2  }
0x1cd: {  	_ =	sdelay $0x2  }
0x1ce: {  	s6 =	sadd.s32 $0x100, s6;
	s7 =	sadd.s32 s7, s17  }
0x1cf: {  	[tilespmem:s4], [sflag:$0x2] =	stream.linear.gather [hbm4b:s7+s1], $0x80, $0x38;
	[tilespmem:$0x1F480] =	vst v63  }
0x1d0: {  	s4 =	simm.s32 $0x7E00  }
0x1d1: {  	s5 =	simm.s32 $0x10;
	s7 =	sadd.s32 $0x0, s18;
	s6 =	simm.s32 $0x7F00  }
.LBB2_50:
0x1d2: {  	[tilespmem:s4], [sflag:$0x2] =	stream.linear.gather [hbm4b:s7+s1], $0x80, $0x38;
	[tilespmem:$0x1F480] =	vst v63  }
0x1d3: {  	s7 =	smov.u32 s5;
	s4 =	smov.u32 s6;
	p0 =	sne.s32 s5, $0x7C0  }
.Ltmp24:
0x1d4: {  	s5 =	sadd.s32 $0x10, s5;
	(pc) =	sbr.rel @p0 .LBB2_50-.Ltmp24, $2  }
0x1d5: {  	_ =	sdelay $0x2  }
0x1d6: {  	s6 =	sadd.s32 $0x100, s6;
	s7 =	sadd.s32 s7, s18  }
0x1d7: {  	[tilespmem:s4], [sflag:$0x2] =	stream.linear.gather [hbm4b:s7+s1], $0x80, $0x38;
	[tilespmem:$0x1F480] =	vst v63  }
0x1d8: {  	s4 =	simm.s32 $0xFB00  }
0x1d9: {  	s5 =	simm.s32 $0x10;
	s7 =	sadd.s32 $0x0, s19;
	s6 =	simm.s32 $0xFC00  }
.LBB2_52:
0x1da: {  	[tilespmem:s4], [sflag:$0x2] =	stream.linear.gather [hbm4b:s7+s1], $0x80, $0x38;
	[tilespmem:$0x1F480] =	vst v63  }
0x1db: {  	s7 =	smov.u32 s5;
	s4 =	smov.u32 s6;
	p0 =	sne.s32 s5, $0x7C0  }
.Ltmp25:
0x1dc: {  	s5 =	sadd.s32 $0x10, s5;
	(pc) =	sbr.rel @p0 .LBB2_52-.Ltmp25, $2  }
0x1dd: {  	_ =	sdelay $0x2  }
0x1de: {  	s6 =	sadd.s32 $0x100, s6;
	s7 =	sadd.s32 s7, s19  }
0x1df: {  	[tilespmem:s4], [sflag:$0x2] =	stream.linear.gather [hbm4b:s7+s1], $0x80, $0x38;
	[tilespmem:$0x1F480] =	vst v63  }
0x1e0: {  	s9 =	simm.s32 $0x1  }
0x1e1: {  	_ =	swait.ge [sflag:s9], $0x3E80  }
0x1e2: {  	[sflag:s9] =	ssyncset.done $0x0  }
0x1e3: {  	[sflag:s9] =	ssyncadd.s32 $0xFFFFC180  }
0x1e4: {  	_ =	swait.ge [sflag:s9], $0x3E80  }
0x1e5: {  	[sflag:s9] =	ssyncset.done $0x0  }
0x1e6: {  	[sflag:s9] =	ssyncadd.s32 $0xFFFFC180  }
0x1e7: {  	_ =	swait.ge [sflag:s9], $0x3E80  }
0x1e8: {  	[sflag:s9] =	ssyncset.done $0x0  }
0x1e9: {  	s10 =	simm.s32 $0x3;
	[sflag:s9] =	ssyncadd.s32 $0xFFFFC180  }
0x1ea: {  	_ =	swait.ge [sflag:s10], $0x3E80  }
0x1eb: {  	[sflag:s10] =	ssyncset.done $0x0  }
0x1ec: {  	s6 =	simm.s32 $0xC0;
	[sflag:s10] =	ssyncadd.s32 $0xFFFFC180  }
0x1ed: {  	s4 =	simm.s32 $0x7DC0;
	v3 =	vld [tilespmem:s6+$0x30]  }
0x1ee: {  	v4 =	vld [tilespmem:s4+$0x30]  }
0x1ef: {  	s5 =	simm.s32 $0xFAC0;
	v5 =	vld [tilespmem:s4+$0xFFFFFFC0]  }
0x1f0: {  	v6 =	vld [tilespmem:s5+$0x30]  }
0x1f1: {  	v7 =	vld [tilespmem:s6+$0xFFFFFFD0]  }
0x1f2: {  	v8 =	vld [tilespmem:s4+$0xFFFFFFD0]  }
0x1f3: {  	v9 =	vld [tilespmem:s6+$0xFFFFFFE0]  }
0x1f4: {  	v10 =	vld [tilespmem:s4+$0xFFFFFFE0]  }
0x1f5: {  	v11 =	vld [tilespmem:s6+$0xFFFFFFF0]  }
0x1f6: {  	v12 =	vld [tilespmem:s4+$0xFFFFFFF0]  }
0x1f7: {  	v13 =	vld [tilespmem:s6+$0x0]  }
0x1f8: {  	v14 =	vld [tilespmem:s4+$0x0]  }
0x1f9: {  	v15 =	vld [tilespmem:s6+$0x10]  }
0x1fa: {  	v16 =	vld [tilespmem:s4+$0x10];
	v3 =	vmul.f32 v3, v1  }
0x1fb: {  	v18 =	vld [tilespmem:s4+$0x20];
	v4 =	vmul.f32 v4, v2;
	v17 =	vmul.f32 v5, v2  }
0x1fc: {  	v19 =	vld [tilespmem:s6+$0xFFFFFFC0];
	v6 =	vmul.f32 v6, v0;
	v7 =	vmul.f32 v7, v1  }
0x1fd: {  	v5 =	vld [tilespmem:s6+$0x20];
	v13 =	vmul.f32 v13, v1;
	v3 =	vadd.f32 v4, v3;
	v4 =	vmul.f32 v8, v2  }
0x1fe: {  	v20 =	vld [tilespmem:s5+$0xFFFFFFC0];
	v8 =	vmul.f32 v9, v1;
	v9 =	vmul.f32 v10, v2  }
0x1ff: {  	v22 =	vld [tilespmem:s5+$0xFFFFFFD0];
	v10 =	vmul.f32 v11, v1;
	v21 =	vadd.f32 v6, v3;
	v6 =	vmul.f32 v12, v2  }
0x200: {  	v3 =	vadd.f32 v4, v7;
	v7 =	vmul.f32 v14, v2;
	v14 =	vmul.f32 v15, v1;
	v12 =	vld [tilespmem:s5+$0xFFFFFFE0]  }
0x201: {  	v4 =	vadd.f32 v9, v8;
	v8 =	vmul.f32 v16, v2;
	v9 =	vld [tilespmem:s5+$0xFFFFFFF0];
	v16 =	vmul.f32 v18, v2  }
0x202: {  	v11 =	vld [tilespmem:s5+$0x0];
	v18 =	vmul.f32 v19, v1;
	v15 =	vmul.f32 v5, v1;
	v5 =	vadd.f32 v6, v10  }
0x203: {  	s6 =	simm.s32 $0x177C0;
	v6 =	vadd.f32 v7, v13;
	v7 =	vadd.f32 v8, v14;
	v14 =	vmul.f32 v20, v0;
	v10 =	vld [tilespmem:s5+$0x10]  }
0x204: {  	s7 =	simm.s32 $0x0;
	s8 =	simm.s32 $0x1C0;
	[tilespmem:s6+$0x30] =	vst v21;
	v13 =	vld [tilespmem:s5+$0x20];
	v8 =	vadd.f32 v16, v15;
	v15 =	vadd.f32 v17, v18;
	v16 =	vmul.f32 v22, v0  }
.LBB2_54:
0x205: {  	v17 =	vld [tilespmem:s8+$0x30];
	v12 =	vmul.f32 v12, v0;
	s4 =	sadd.s32 $0x100, s4  }
0x206: {  	s7 =	sadd.s32 $0x80, s7;
	v18 =	vld [tilespmem:s4+$0x30];
	v14 =	vadd.f32 v14, v15;
	v3 =	vadd.f32 v16, v3;
	v9 =	vmul.f32 v9, v0  }
0x207: {  	s5 =	sadd.s32 $0x100, s5;
	p0 =	slt.u32 s7, $0x3E00;
	v15 =	vld [tilespmem:s4+$0xFFFFFFC0];
	v4 =	vadd.f32 v12, v4;
	v11 =	vmul.f32 v11, v0  }
0x208: {  	v12 =	vld [tilespmem:s5+$0x30];
	[tilespmem:s6+$0xFFFFFFC0] =	vst v14;
	v5 =	vadd.f32 v9, v5;
	v9 =	vmul.f32 v10, v0  }
0x209: {  	v10 =	vld [tilespmem:s8+$0xFFFFFFD0];
	[tilespmem:s6+$0xFFFFFFD0] =	vst v3;
	v3 =	vadd.f32 v11, v6;
	v6 =	vmul.f32 v13, v0  }
0x20a: {  	v11 =	vld [tilespmem:s4+$0xFFFFFFD0];
	[tilespmem:s6+$0xFFFFFFE0] =	vst v4;
	v4 =	vadd.f32 v9, v7  }
0x20b: {  	v9 =	vmul.f32 v17, v1;
	v7 =	vld [tilespmem:s8+$0xFFFFFFE0];
	v13 =	vmul.f32 v18, v2;
	[tilespmem:s6+$0xFFFFFFF0] =	vst v5;
	v5 =	vadd.f32 v6, v8  }
0x20c: {  	v15 =	vmul.f32 v15, v2;
	v6 =	vld [tilespmem:s4+$0xFFFFFFE0];
	[tilespmem:s6+$0x0] =	vst v3  }
0x20d: {  	v8 =	vld [tilespmem:s8+$0xFFFFFFF0];
	v3 =	vadd.f32 v13, v9;
	v9 =	vmul.f32 v12, v0;
	[tilespmem:s6+$0x10] =	vst v4  }
0x20e: {  	v4 =	vmul.f32 v10, v1;
	v10 =	vld [tilespmem:s4+$0xFFFFFFF0];
	[tilespmem:s6+$0x20] =	vst v5  }
0x20f: {  	v5 =	vmul.f32 v11, v2;
	v11 =	vld [tilespmem:s8+$0x0];
	v9 =	vadd.f32 v9, v3  }
0x210: {  	s6 =	sadd.s32 $0x100, s6;
	v7 =	vmul.f32 v7, v1;
	v12 =	vld [tilespmem:s4+$0x0]  }
0x211: {  	v3 =	vadd.f32 v5, v4;
	v4 =	vmul.f32 v6, v2;
	v6 =	vld [tilespmem:s8+$0x10];
	[tilespmem:s6+$0x30] =	vst v9  }
0x212: {  	v5 =	vmul.f32 v8, v1;
	v8 =	vld [tilespmem:s4+$0x10]  }
0x213: {  	v4 =	vadd.f32 v4, v7;
	v7 =	vmul.f32 v10, v2;
	v9 =	vld [tilespmem:s8+$0x20]  }
0x214: {  	v10 =	vmul.f32 v11, v1;
	v11 =	vld [tilespmem:s4+$0x20]  }
0x215: {  	v13 =	vld [tilespmem:s8+$0xFFFFFFC0];
	v5 =	vadd.f32 v7, v5;
	v7 =	vmul.f32 v12, v2  }
0x216: {  	v14 =	vld [tilespmem:s5+$0xFFFFFFC0];
	v16 =	vmul.f32 v6, v1  }
0x217: {  	v17 =	vld [tilespmem:s5+$0xFFFFFFD0];
	v6 =	vadd.f32 v7, v10;
	v7 =	vmul.f32 v8, v2  }
.Ltmp26:
0x218: {  	v12 =	vld [tilespmem:s5+$0xFFFFFFE0];
	v8 =	vmul.f32 v9, v1;
	(pc) =	sbr.rel @p0 .LBB2_54-.Ltmp26, $4  }
0x219: {  	v9 =	vld [tilespmem:s5+$0xFFFFFFF0];
	v7 =	vadd.f32 v7, v16;
	v16 =	vmul.f32 v11, v2  }
0x21a: {  	v13 =	vmul.f32 v13, v1;
	v11 =	vld [tilespmem:s5+$0x0]  }
0x21b: {  	v14 =	vmul.f32 v14, v0;
	v10 =	vld [tilespmem:s5+$0x10];
	v8 =	vadd.f32 v16, v8  }
0x21c: {  	s8 =	sadd.s32 $0x100, s8;
	v15 =	vadd.f32 v15, v13;
	v16 =	vmul.f32 v17, v0;
	v13 =	vld [tilespmem:s5+$0x20]  }
0x21d: {  	_ = 	snop  }
0x21e: {  	v12 =	vmul.f32 v12, v0;
	v14 =	vadd.f32 v14, v15  }
0x21f: {  	v3 =	vadd.f32 v16, v3;
	v9 =	vmul.f32 v9, v0  }
0x220: {  	v4 =	vadd.f32 v12, v4;
	v11 =	vmul.f32 v11, v0;
	[tilespmem:s6+$0xFFFFFFC0] =	vst v14  }
0x221: {  	v5 =	vadd.f32 v9, v5;
	v60 =	vmul.f32 v10, v0;
	[tilespmem:s6+$0xFFFFFFD0] =	vst v3  }
0x222: {  	v3 =	vadd.f32 v11, v6;
	v61 =	vmul.f32 v13, v0;
	[tilespmem:s6+$0xFFFFFFE0] =	vst v4  }
0x223: {  	v62 =	vadd.f32 v60, v7;
	[tilespmem:s6+$0xFFFFFFF0] =	vst v5  }
0x224: {  	v63 =	vadd.f32 v61, v8;
	[tilespmem:s6+$0x0] =	vst v3  }
0x225: {  	s4 =	simm.s32 $0x17780;
	[tilespmem:s6+$0x10] =	vst v62  }
0x226: {  	s5 =	simm.s32 $0x10;
	s7 =	sadd.s32 $0x0, s0;
	[tilespmem:s6+$0x20] =	vst v63;
	s6 =	simm.s32 $0x17880  }
.LBB2_56:
0x227: {  	[hbm4b:s7+s1] =	stream.linear.scatter [tilespmem:s4], [sflag:$0x3], $0x80, $0x38;
	[tilespmem:$0x1F480] =	vst v63  }
0x228: {  	s7 =	smov.u32 s5;
	s4 =	smov.u32 s6;
	p0 =	sne.s32 s5, $0x7C0  }
.Ltmp27:
0x229: {  	s5 =	sadd.s32 $0x10, s5;
	(pc) =	sbr.rel @p0 .LBB2_56-.Ltmp27, $2  }
0x22a: {  	_ =	sdelay $0x2  }
0x22b: {  	s6 =	sadd.s32 $0x100, s6;
	s7 =	sadd.s32 s7, s0  }
0x22c: {  	[hbm4b:s7+s1] =	stream.linear.scatter [tilespmem:s4], [sflag:$0x3], $0x80, $0x38;
	[tilespmem:$0x1F480] =	vst v63  }
0x22d: {  	s4 =	simm.s32 $0x80  }
0x22e: {  	s5 =	simm.s32 $0x10;
	s7 =	sadd.s32 $0x0, s20;
	s6 =	simm.s32 $0x180  }
.LBB2_58:
0x22f: {  	[tilespmem:s4], [sflag:$0x1] =	stream.linear.gather [hbm4b:s7+s1], $0x80, $0x38;
	[tilespmem:$0x1F480] =	vst v63  }
0x230: {  	s7 =	smov.u32 s5;
	s4 =	smov.u32 s6;
	p0 =	sne.s32 s5, $0x7C0  }
.Ltmp28:
0x231: {  	s5 =	sadd.s32 $0x10, s5;
	(pc) =	sbr.rel @p0 .LBB2_58-.Ltmp28, $2  }
0x232: {  	_ =	sdelay $0x2  }
0x233: {  	s6 =	sadd.s32 $0x100, s6;
	s7 =	sadd.s32 s7, s20  }
0x234: {  	[tilespmem:s4], [sflag:$0x1] =	stream.linear.gather [hbm4b:s7+s1], $0x80, $0x38;
	[tilespmem:$0x1F480] =	vst v63  }
0x235: {  	s4 =	simm.s32 $0x7D80  }
0x236: {  	s5 =	simm.s32 $0x10;
	s7 =	sadd.s32 $0x0, s21;
	s6 =	simm.s32 $0x7E80  }
.LBB2_60:
0x237: {  	[tilespmem:s4], [sflag:$0x1] =	stream.linear.gather [hbm4b:s7+s1], $0x80, $0x38;
	[tilespmem:$0x1F480] =	vst v63  }
0x238: {  	s7 =	smov.u32 s5;
	s4 =	smov.u32 s6;
	p0 =	sne.s32 s5, $0x7C0  }
.Ltmp29:
0x239: {  	s5 =	sadd.s32 $0x10, s5;
	(pc) =	sbr.rel @p0 .LBB2_60-.Ltmp29, $2  }
0x23a: {  	_ =	sdelay $0x2  }
0x23b: {  	s6 =	sadd.s32 $0x100, s6;
	s7 =	sadd.s32 s7, s21  }
0x23c: {  	[tilespmem:s4], [sflag:$0x1] =	stream.linear.gather [hbm4b:s7+s1], $0x80, $0x38;
	[tilespmem:$0x1F480] =	vst v63  }
0x23d: {  	s4 =	simm.s32 $0xFA80  }
0x23e: {  	s5 =	simm.s32 $0x10;
	s7 =	sadd.s32 $0x0, s23;
	s6 =	simm.s32 $0xFB80  }
.LBB2_62:
0x23f: {  	[tilespmem:s4], [sflag:$0x1] =	stream.linear.gather [hbm4b:s7+s1], $0x80, $0x38;
	[tilespmem:$0x1F480] =	vst v63  }
0x240: {  	s7 =	smov.u32 s5;
	s4 =	smov.u32 s6;
	p0 =	sne.s32 s5, $0x7C0  }
.Ltmp30:
0x241: {  	s5 =	sadd.s32 $0x10, s5;
	(pc) =	sbr.rel @p0 .LBB2_62-.Ltmp30, $2  }
0x242: {  	_ =	sdelay $0x2  }
0x243: {  	s6 =	sadd.s32 $0x100, s6;
	s7 =	sadd.s32 s7, s23  }
0x244: {  	[tilespmem:s4], [sflag:$0x1] =	stream.linear.gather [hbm4b:s7+s1], $0x80, $0x38;
	[tilespmem:$0x1F480] =	vst v63  }
0x245: {  	s9 =	simm.s32 $0x2  }
0x246: {  	_ =	swait.ge [sflag:s9], $0x3E80  }
0x247: {  	[sflag:s9] =	ssyncset.done $0x0  }
0x248: {  	[sflag:s9] =	ssyncadd.s32 $0xFFFFC180  }
0x249: {  	_ =	swait.ge [sflag:s9], $0x3E80  }
0x24a: {  	[sflag:s9] =	ssyncset.done $0x0  }
0x24b: {  	[sflag:s9] =	ssyncadd.s32 $0xFFFFC180  }
0x24c: {  	_ =	swait.ge [sflag:s9], $0x3E80  }
0x24d: {  	[sflag:s9] =	ssyncset.done $0x0  }
0x24e: {  	s10 =	simm.s32 $0x4;
	[sflag:s9] =	ssyncadd.s32 $0xFFFFC180  }
0x24f: {  	_ =	swait.ge [sflag:s10], $0x3E80  }
0x250: {  	[sflag:s10] =	ssyncset.done $0x0  }
0x251: {  	s6 =	simm.s32 $0x170;
	[sflag:s10] =	ssyncadd.s32 $0xFFFFC180  }
0x252: {  	s4 =	simm.s32 $0x7E70;
	v3 =	vld [tilespmem:s6+$0x0]  }
0x253: {  	v4 =	vld [tilespmem:s4+$0x0]  }
0x254: {  	s5 =	simm.s32 $0xFB70;
	v5 =	vld [tilespmem:s4+$0xFFFFFF90]  }
0x255: {  	v6 =	vld [tilespmem:s5+$0x0]  }
0x256: {  	v7 =	vld [tilespmem:s6+$0xFFFFFFA0]  }
0x257: {  	v8 =	vld [tilespmem:s4+$0xFFFFFFA0]  }
0x258: {  	v9 =	vld [tilespmem:s6+$0xFFFFFFB0]  }
0x259: {  	v10 =	vld [tilespmem:s4+$0xFFFFFFB0]  }
0x25a: {  	v11 =	vld [tilespmem:s6+$0xFFFFFFC0]  }
0x25b: {  	v12 =	vld [tilespmem:s4+$0xFFFFFFC0]  }
0x25c: {  	v13 =	vld [tilespmem:s6+$0xFFFFFFD0]  }
0x25d: {  	v14 =	vld [tilespmem:s4+$0xFFFFFFD0]  }
0x25e: {  	v15 =	vld [tilespmem:s6+$0xFFFFFFE0]  }
0x25f: {  	v16 =	vld [tilespmem:s4+$0xFFFFFFE0];
	v3 =	vmul.f32 v3, v1  }
0x260: {  	v18 =	vld [tilespmem:s4+$0xFFFFFFF0];
	v4 =	vmul.f32 v4, v2;
	v17 =	vmul.f32 v5, v2  }
0x261: {  	v19 =	vld [tilespmem:s6+$0xFFFFFF90];
	v6 =	vmul.f32 v6, v0;
	v7 =	vmul.f32 v7, v1  }
0x262: {  	v5 =	vld [tilespmem:s6+$0xFFFFFFF0];
	v13 =	vmul.f32 v13, v1;
	v3 =	vadd.f32 v4, v3;
	v4 =	vmul.f32 v8, v2  }
0x263: {  	v20 =	vld [tilespmem:s5+$0xFFFFFF90];
	v8 =	vmul.f32 v9, v1;
	v9 =	vmul.f32 v10, v2  }
0x264: {  	v22 =	vld [tilespmem:s5+$0xFFFFFFA0];
	v10 =	vmul.f32 v11, v1;
	v21 =	vadd.f32 v6, v3;
	v6 =	vmul.f32 v12, v2  }
0x265: {  	v3 =	vadd.f32 v4, v7;
	v7 =	vmul.f32 v14, v2;
	v14 =	vmul.f32 v15, v1;
	v12 =	vld [tilespmem:s5+$0xFFFFFFB0]  }
0x266: {  	v4 =	vadd.f32 v9, v8;
	v8 =	vmul.f32 v16, v2;
	v9 =	vld [tilespmem:s5+$0xFFFFFFC0];
	v16 =	vmul.f32 v18, v2  }
0x267: {  	v11 =	vld [tilespmem:s5+$0xFFFFFFD0];
	v18 =	vmul.f32 v19, v1;
	v15 =	vmul.f32 v5, v1;
	v5 =	vadd.f32 v6, v10  }
0x268: {  	s6 =	simm.s32 $0x17870;
	v6 =	vadd.f32 v7, v13;
	v7 =	vadd.f32 v8, v14;
	v14 =	vmul.f32 v20, v0;
	v10 =	vld [tilespmem:s5+$0xFFFFFFE0]  }
0x269: {  	s7 =	simm.s32 $0x0;
	s8 =	simm.s32 $0x270;
	[tilespmem:s6+$0x0] =	vst v21;
	v13 =	vld [tilespmem:s5+$0xFFFFFFF0];
	v8 =	vadd.f32 v16, v15;
	v15 =	vadd.f32 v17, v18;
	v16 =	vmul.f32 v22, v0  }
.LBB2_64:
0x26a: {  	v17 =	vld [tilespmem:s8+$0x0];
	v12 =	vmul.f32 v12, v0;
	s4 =	sadd.s32 $0x100, s4  }
0x26b: {  	s7 =	sadd.s32 $0x80, s7;
	v18 =	vld [tilespmem:s4+$0x0];
	v14 =	vadd.f32 v14, v15;
	v3 =	vadd.f32 v16, v3;
	v9 =	vmul.f32 v9, v0  }
0x26c: {  	s5 =	sadd.s32 $0x100, s5;
	p0 =	slt.u32 s7, $0x3E00;
	v15 =	vld [tilespmem:s4+$0xFFFFFF90];
	v4 =	vadd.f32 v12, v4;
	v11 =	vmul.f32 v11, v0  }
0x26d: {  	v12 =	vld [tilespmem:s5+$0x0];
	[tilespmem:s6+$0xFFFFFF90] =	vst v14;
	v5 =	vadd.f32 v9, v5;
	v9 =	vmul.f32 v10, v0  }
0x26e: {  	v10 =	vld [tilespmem:s8+$0xFFFFFFA0];
	[tilespmem:s6+$0xFFFFFFA0] =	vst v3;
	v3 =	vadd.f32 v11, v6;
	v6 =	vmul.f32 v13, v0  }
0x26f: {  	v11 =	vld [tilespmem:s4+$0xFFFFFFA0];
	[tilespmem:s6+$0xFFFFFFB0] =	vst v4;
	v4 =	vadd.f32 v9, v7  }
0x270: {  	v9 =	vmul.f32 v17, v1;
	v7 =	vld [tilespmem:s8+$0xFFFFFFB0];
	v13 =	vmul.f32 v18, v2;
	[tilespmem:s6+$0xFFFFFFC0] =	vst v5;
	v5 =	vadd.f32 v6, v8  }
0x271: {  	v15 =	vmul.f32 v15, v2;
	v6 =	vld [tilespmem:s4+$0xFFFFFFB0];
	[tilespmem:s6+$0xFFFFFFD0] =	vst v3  }
0x272: {  	v8 =	vld [tilespmem:s8+$0xFFFFFFC0];
	v3 =	vadd.f32 v13, v9;
	v9 =	vmul.f32 v12, v0;
	[tilespmem:s6+$0xFFFFFFE0] =	vst v4  }
0x273: {  	v4 =	vmul.f32 v10, v1;
	v10 =	vld [tilespmem:s4+$0xFFFFFFC0];
	[tilespmem:s6+$0xFFFFFFF0] =	vst v5  }
0x274: {  	v5 =	vmul.f32 v11, v2;
	v11 =	vld [tilespmem:s8+$0xFFFFFFD0];
	v9 =	vadd.f32 v9, v3  }
0x275: {  	s6 =	sadd.s32 $0x100, s6;
	v7 =	vmul.f32 v7, v1;
	v12 =	vld [tilespmem:s4+$0xFFFFFFD0]  }
0x276: {  	v3 =	vadd.f32 v5, v4;
	v4 =	vmul.f32 v6, v2;
	v6 =	vld [tilespmem:s8+$0xFFFFFFE0];
	[tilespmem:s6+$0x0] =	vst v9  }
0x277: {  	v5 =	vmul.f32 v8, v1;
	v8 =	vld [tilespmem:s4+$0xFFFFFFE0]  }
0x278: {  	v4 =	vadd.f32 v4, v7;
	v7 =	vmul.f32 v10, v2;
	v9 =	vld [tilespmem:s8+$0xFFFFFFF0]  }
0x279: {  	v10 =	vmul.f32 v11, v1;
	v11 =	vld [tilespmem:s4+$0xFFFFFFF0]  }
0x27a: {  	v13 =	vld [tilespmem:s8+$0xFFFFFF90];
	v5 =	vadd.f32 v7, v5;
	v7 =	vmul.f32 v12, v2  }
0x27b: {  	v14 =	vld [tilespmem:s5+$0xFFFFFF90];
	v16 =	vmul.f32 v6, v1  }
0x27c: {  	v17 =	vld [tilespmem:s5+$0xFFFFFFA0];
	v6 =	vadd.f32 v7, v10;
	v7 =	vmul.f32 v8, v2  }
.Ltmp31:
0x27d: {  	v12 =	vld [tilespmem:s5+$0xFFFFFFB0];
	v8 =	vmul.f32 v9, v1;
	(pc) =	sbr.rel @p0 .LBB2_64-.Ltmp31, $4  }
0x27e: {  	v9 =	vld [tilespmem:s5+$0xFFFFFFC0];
	v7 =	vadd.f32 v7, v16;
	v16 =	vmul.f32 v11, v2  }
0x27f: {  	v13 =	vmul.f32 v13, v1;
	v11 =	vld [tilespmem:s5+$0xFFFFFFD0]  }
0x280: {  	v14 =	vmul.f32 v14, v0;
	v10 =	vld [tilespmem:s5+$0xFFFFFFE0];
	v8 =	vadd.f32 v16, v8  }
0x281: {  	s8 =	sadd.s32 $0x100, s8;
	v15 =	vadd.f32 v15, v13;
	v16 =	vmul.f32 v17, v0;
	v13 =	vld [tilespmem:s5+$0xFFFFFFF0]  }
0x282: {  	_ = 	snop  }
0x283: {  	v12 =	vmul.f32 v12, v0;
	v14 =	vadd.f32 v14, v15  }
0x284: {  	v3 =	vadd.f32 v16, v3;
	v9 =	vmul.f32 v9, v0  }
0x285: {  	v4 =	vadd.f32 v12, v4;
	v11 =	vmul.f32 v11, v0;
	[tilespmem:s6+$0xFFFFFF90] =	vst v14  }
0x286: {  	v5 =	vadd.f32 v9, v5;
	v60 =	vmul.f32 v10, v0;
	[tilespmem:s6+$0xFFFFFFA0] =	vst v3  }
0x287: {  	v3 =	vadd.f32 v11, v6;
	v61 =	vmul.f32 v13, v0;
	[tilespmem:s6+$0xFFFFFFB0] =	vst v4  }
0x288: {  	v62 =	vadd.f32 v60, v7;
	[tilespmem:s6+$0xFFFFFFC0] =	vst v5  }
0x289: {  	v63 =	vadd.f32 v61, v8;
	[tilespmem:s6+$0xFFFFFFD0] =	vst v3  }
0x28a: {  	s4 =	simm.s32 $0x17800;
	[tilespmem:s6+$0xFFFFFFE0] =	vst v62  }
0x28b: {  	s5 =	simm.s32 $0x10;
	s7 =	sadd.s32 $0x0, s28;
	[tilespmem:s6+$0xFFFFFFF0] =	vst v63;
	s6 =	simm.s32 $0x17900  }
.LBB2_66:
0x28c: {  	[hbm4b:s7+s1] =	stream.linear.scatter [tilespmem:s4], [sflag:$0x4], $0x80, $0x38;
	[tilespmem:$0x1F480] =	vst v63  }
0x28d: {  	s7 =	smov.u32 s5;
	s4 =	smov.u32 s6;
	p0 =	sne.s32 s5, $0x7C0  }
.Ltmp32:
0x28e: {  	s5 =	sadd.s32 $0x10, s5;
	(pc) =	sbr.rel @p0 .LBB2_66-.Ltmp32, $2  }
0x28f: {  	_ =	sdelay $0x2  }
0x290: {  	s6 =	sadd.s32 $0x100, s6;
	s7 =	sadd.s32 s7, s28  }
0x291: {  	[hbm4b:s7+s1] =	stream.linear.scatter [tilespmem:s4], [sflag:$0x4], $0x80, $0x38;
	[tilespmem:$0x1F480] =	vst v63  }
0x292: {  	s4 =	simm.s32 $0x100  }
0x293: {  	s5 =	simm.s32 $0x10;
	s7 =	sadd.s32 $0x0, s24;
	s6 =	simm.s32 $0x200  }
.LBB2_68:
0x294: {  	[tilespmem:s4], [sflag:$0x2] =	stream.linear.gather [hbm4b:s7+s1], $0x80, $0x38;
	[tilespmem:$0x1F480] =	vst v63  }
0x295: {  	s7 =	smov.u32 s5;
	s4 =	smov.u32 s6;
	p0 =	sne.s32 s5, $0x7C0  }
.Ltmp33:
0x296: {  	s5 =	sadd.s32 $0x10, s5;
	(pc) =	sbr.rel @p0 .LBB2_68-.Ltmp33, $2  }
0x297: {  	_ =	sdelay $0x2  }
0x298: {  	s6 =	sadd.s32 $0x100, s6;
	s7 =	sadd.s32 s7, s24  }
0x299: {  	[tilespmem:s4], [sflag:$0x2] =	stream.linear.gather [hbm4b:s7+s1], $0x80, $0x38;
	[tilespmem:$0x1F480] =	vst v63  }
0x29a: {  	s4 =	simm.s32 $0x7E00  }
0x29b: {  	s5 =	simm.s32 $0x10;
	s7 =	sadd.s32 $0x0, s25;
	s6 =	simm.s32 $0x7F00  }
.LBB2_70:
0x29c: {  	[tilespmem:s4], [sflag:$0x2] =	stream.linear.gather [hbm4b:s7+s1], $0x80, $0x38;
	[tilespmem:$0x1F480] =	vst v63  }
0x29d: {  	s7 =	smov.u32 s5;
	s4 =	smov.u32 s6;
	p0 =	sne.s32 s5, $0x7C0  }
.Ltmp34:
0x29e: {  	s5 =	sadd.s32 $0x10, s5;
	(pc) =	sbr.rel @p0 .LBB2_70-.Ltmp34, $2  }
0x29f: {  	_ =	sdelay $0x2  }
0x2a0: {  	s6 =	sadd.s32 $0x100, s6;
	s7 =	sadd.s32 s7, s25  }
0x2a1: {  	[tilespmem:s4], [sflag:$0x2] =	stream.linear.gather [hbm4b:s7+s1], $0x80, $0x38;
	[tilespmem:$0x1F480] =	vst v63  }
0x2a2: {  	s4 =	simm.s32 $0xFB00  }
0x2a3: {  	s5 =	simm.s32 $0x10;
	s7 =	sadd.s32 $0x0, s26;
	s6 =	simm.s32 $0xFC00  }
.LBB2_72:
0x2a4: {  	[tilespmem:s4], [sflag:$0x2] =	stream.linear.gather [hbm4b:s7+s1], $0x80, $0x38;
	[tilespmem:$0x1F480] =	vst v63  }
0x2a5: {  	s7 =	smov.u32 s5;
	s4 =	smov.u32 s6;
	p0 =	sne.s32 s5, $0x7C0  }
.Ltmp35:
0x2a6: {  	s5 =	sadd.s32 $0x10, s5;
	(pc) =	sbr.rel @p0 .LBB2_72-.Ltmp35, $2  }
0x2a7: {  	_ =	sdelay $0x2  }
0x2a8: {  	s6 =	sadd.s32 $0x100, s6;
	s7 =	sadd.s32 s7, s26  }
0x2a9: {  	[tilespmem:s4], [sflag:$0x2] =	stream.linear.gather [hbm4b:s7+s1], $0x80, $0x38;
	[tilespmem:$0x1F480] =	vst v63  }
0x2aa: {  	s9 =	simm.s32 $0x1  }
0x2ab: {  	_ =	swait.ge [sflag:s9], $0x3E80  }
0x2ac: {  	[sflag:s9] =	ssyncset.done $0x0  }
0x2ad: {  	[sflag:s9] =	ssyncadd.s32 $0xFFFFC180  }
0x2ae: {  	_ =	swait.ge [sflag:s9], $0x3E80  }
0x2af: {  	[sflag:s9] =	ssyncset.done $0x0  }
0x2b0: {  	[sflag:s9] =	ssyncadd.s32 $0xFFFFC180  }
0x2b1: {  	_ =	swait.ge [sflag:s9], $0x3E80  }
0x2b2: {  	[sflag:s9] =	ssyncset.done $0x0  }
0x2b3: {  	s10 =	simm.s32 $0x3;
	[sflag:s9] =	ssyncadd.s32 $0xFFFFC180  }
0x2b4: {  	_ =	swait.ge [sflag:s10], $0x3E80  }
0x2b5: {  	[sflag:s10] =	ssyncset.done $0x0  }
0x2b6: {  	s6 =	simm.s32 $0xC0;
	[sflag:s10] =	ssyncadd.s32 $0xFFFFC180  }
0x2b7: {  	s4 =	simm.s32 $0x7DC0;
	v3 =	vld [tilespmem:s6+$0x30]  }
0x2b8: {  	v4 =	vld [tilespmem:s4+$0x30]  }
0x2b9: {  	s5 =	simm.s32 $0xFAC0;
	v5 =	vld [tilespmem:s4+$0xFFFFFFC0]  }
0x2ba: {  	v6 =	vld [tilespmem:s5+$0x30]  }
0x2bb: {  	v7 =	vld [tilespmem:s6+$0xFFFFFFD0]  }
0x2bc: {  	v8 =	vld [tilespmem:s4+$0xFFFFFFD0]  }
0x2bd: {  	v9 =	vld [tilespmem:s6+$0xFFFFFFE0]  }
0x2be: {  	v10 =	vld [tilespmem:s4+$0xFFFFFFE0]  }
0x2bf: {  	v11 =	vld [tilespmem:s6+$0xFFFFFFF0]  }
0x2c0: {  	v12 =	vld [tilespmem:s4+$0xFFFFFFF0]  }
0x2c1: {  	v13 =	vld [tilespmem:s6+$0x0]  }
0x2c2: {  	v14 =	vld [tilespmem:s4+$0x0]  }
0x2c3: {  	v15 =	vld [tilespmem:s6+$0x10]  }
0x2c4: {  	v16 =	vld [tilespmem:s4+$0x10];
	v3 =	vmul.f32 v3, v1  }
0x2c5: {  	v18 =	vld [tilespmem:s4+$0x20];
	v4 =	vmul.f32 v4, v2;
	v17 =	vmul.f32 v5, v2  }
0x2c6: {  	v19 =	vld [tilespmem:s6+$0xFFFFFFC0];
	v6 =	vmul.f32 v6, v0;
	v7 =	vmul.f32 v7, v1  }
0x2c7: {  	v5 =	vld [tilespmem:s6+$0x20];
	v13 =	vmul.f32 v13, v1;
	v3 =	vadd.f32 v4, v3;
	v4 =	vmul.f32 v8, v2  }
0x2c8: {  	v20 =	vld [tilespmem:s5+$0xFFFFFFC0];
	v8 =	vmul.f32 v9, v1;
	v9 =	vmul.f32 v10, v2  }
0x2c9: {  	v22 =	vld [tilespmem:s5+$0xFFFFFFD0];
	v10 =	vmul.f32 v11, v1;
	v21 =	vadd.f32 v6, v3;
	v6 =	vmul.f32 v12, v2  }
0x2ca: {  	v3 =	vadd.f32 v4, v7;
	v7 =	vmul.f32 v14, v2;
	v14 =	vmul.f32 v15, v1;
	v12 =	vld [tilespmem:s5+$0xFFFFFFE0]  }
0x2cb: {  	v4 =	vadd.f32 v9, v8;
	v8 =	vmul.f32 v16, v2;
	v9 =	vld [tilespmem:s5+$0xFFFFFFF0];
	v16 =	vmul.f32 v18, v2  }
0x2cc: {  	v11 =	vld [tilespmem:s5+$0x0];
	v18 =	vmul.f32 v19, v1;
	v15 =	vmul.f32 v5, v1;
	v5 =	vadd.f32 v6, v10  }
0x2cd: {  	s6 =	simm.s32 $0x177C0;
	v6 =	vadd.f32 v7, v13;
	v7 =	vadd.f32 v8, v14;
	v14 =	vmul.f32 v20, v0;
	v10 =	vld [tilespmem:s5+$0x10]  }
0x2ce: {  	s7 =	simm.s32 $0x0;
	s8 =	simm.s32 $0x1C0;
	[tilespmem:s6+$0x30] =	vst v21;
	v13 =	vld [tilespmem:s5+$0x20];
	v8 =	vadd.f32 v16, v15;
	v15 =	vadd.f32 v17, v18;
	v16 =	vmul.f32 v22, v0  }
.LBB2_74:
0x2cf: {  	v17 =	vld [tilespmem:s8+$0x30];
	v12 =	vmul.f32 v12, v0;
	s4 =	sadd.s32 $0x100, s4  }
0x2d0: {  	s7 =	sadd.s32 $0x80, s7;
	v18 =	vld [tilespmem:s4+$0x30];
	v14 =	vadd.f32 v14, v15;
	v3 =	vadd.f32 v16, v3;
	v9 =	vmul.f32 v9, v0  }
0x2d1: {  	s5 =	sadd.s32 $0x100, s5;
	p0 =	slt.u32 s7, $0x3E00;
	v15 =	vld [tilespmem:s4+$0xFFFFFFC0];
	v4 =	vadd.f32 v12, v4;
	v11 =	vmul.f32 v11, v0  }
0x2d2: {  	v12 =	vld [tilespmem:s5+$0x30];
	[tilespmem:s6+$0xFFFFFFC0] =	vst v14;
	v5 =	vadd.f32 v9, v5;
	v9 =	vmul.f32 v10, v0  }
0x2d3: {  	v10 =	vld [tilespmem:s8+$0xFFFFFFD0];
	[tilespmem:s6+$0xFFFFFFD0] =	vst v3;
	v3 =	vadd.f32 v11, v6;
	v6 =	vmul.f32 v13, v0  }
0x2d4: {  	v11 =	vld [tilespmem:s4+$0xFFFFFFD0];
	[tilespmem:s6+$0xFFFFFFE0] =	vst v4;
	v4 =	vadd.f32 v9, v7  }
0x2d5: {  	v9 =	vmul.f32 v17, v1;
	v7 =	vld [tilespmem:s8+$0xFFFFFFE0];
	v13 =	vmul.f32 v18, v2;
	[tilespmem:s6+$0xFFFFFFF0] =	vst v5;
	v5 =	vadd.f32 v6, v8  }
0x2d6: {  	v15 =	vmul.f32 v15, v2;
	v6 =	vld [tilespmem:s4+$0xFFFFFFE0];
	[tilespmem:s6+$0x0] =	vst v3  }
0x2d7: {  	v8 =	vld [tilespmem:s8+$0xFFFFFFF0];
	v3 =	vadd.f32 v13, v9;
	v9 =	vmul.f32 v12, v0;
	[tilespmem:s6+$0x10] =	vst v4  }
0x2d8: {  	v4 =	vmul.f32 v10, v1;
	v10 =	vld [tilespmem:s4+$0xFFFFFFF0];
	[tilespmem:s6+$0x20] =	vst v5  }
0x2d9: {  	v5 =	vmul.f32 v11, v2;
	v11 =	vld [tilespmem:s8+$0x0];
	v9 =	vadd.f32 v9, v3  }
0x2da: {  	s6 =	sadd.s32 $0x100, s6;
	v7 =	vmul.f32 v7, v1;
	v12 =	vld [tilespmem:s4+$0x0]  }
0x2db: {  	v3 =	vadd.f32 v5, v4;
	v4 =	vmul.f32 v6, v2;
	v6 =	vld [tilespmem:s8+$0x10];
	[tilespmem:s6+$0x30] =	vst v9  }
0x2dc: {  	v5 =	vmul.f32 v8, v1;
	v8 =	vld [tilespmem:s4+$0x10]  }
0x2dd: {  	v4 =	vadd.f32 v4, v7;
	v7 =	vmul.f32 v10, v2;
	v9 =	vld [tilespmem:s8+$0x20]  }
0x2de: {  	v10 =	vmul.f32 v11, v1;
	v11 =	vld [tilespmem:s4+$0x20]  }
0x2df: {  	v13 =	vld [tilespmem:s8+$0xFFFFFFC0];
	v5 =	vadd.f32 v7, v5;
	v7 =	vmul.f32 v12, v2  }
0x2e0: {  	v14 =	vld [tilespmem:s5+$0xFFFFFFC0];
	v16 =	vmul.f32 v6, v1  }
0x2e1: {  	v17 =	vld [tilespmem:s5+$0xFFFFFFD0];
	v6 =	vadd.f32 v7, v10;
	v7 =	vmul.f32 v8, v2  }
.Ltmp36:
0x2e2: {  	v12 =	vld [tilespmem:s5+$0xFFFFFFE0];
	v8 =	vmul.f32 v9, v1;
	(pc) =	sbr.rel @p0 .LBB2_74-.Ltmp36, $4  }
0x2e3: {  	v9 =	vld [tilespmem:s5+$0xFFFFFFF0];
	v7 =	vadd.f32 v7, v16;
	v16 =	vmul.f32 v11, v2  }
0x2e4: {  	v13 =	vmul.f32 v13, v1;
	v11 =	vld [tilespmem:s5+$0x0]  }
0x2e5: {  	v14 =	vmul.f32 v14, v0;
	v10 =	vld [tilespmem:s5+$0x10];
	v8 =	vadd.f32 v16, v8  }
0x2e6: {  	s8 =	sadd.s32 $0x100, s8;
	v15 =	vadd.f32 v15, v13;
	v16 =	vmul.f32 v17, v0;
	v13 =	vld [tilespmem:s5+$0x20]  }
0x2e7: {  	_ = 	snop  }
0x2e8: {  	v12 =	vmul.f32 v12, v0;
	v14 =	vadd.f32 v14, v15  }
0x2e9: {  	v3 =	vadd.f32 v16, v3;
	v9 =	vmul.f32 v9, v0  }
0x2ea: {  	v4 =	vadd.f32 v12, v4;
	v11 =	vmul.f32 v11, v0;
	[tilespmem:s6+$0xFFFFFFC0] =	vst v14  }
0x2eb: {  	v5 =	vadd.f32 v9, v5;
	v60 =	vmul.f32 v10, v0;
	[tilespmem:s6+$0xFFFFFFD0] =	vst v3  }
0x2ec: {  	v3 =	vadd.f32 v11, v6;
	v61 =	vmul.f32 v13, v0;
	[tilespmem:s6+$0xFFFFFFE0] =	vst v4  }
0x2ed: {  	v62 =	vadd.f32 v60, v7;
	[tilespmem:s6+$0xFFFFFFF0] =	vst v5  }
0x2ee: {  	v63 =	vadd.f32 v61, v8;
	[tilespmem:s6+$0x0] =	vst v3  }
0x2ef: {  	s4 =	simm.s32 $0x17780;
	[tilespmem:s6+$0x10] =	vst v62  }
0x2f0: {  	s5 =	simm.s32 $0x10;
	s7 =	sadd.s32 $0x0, s2;
	[tilespmem:s6+$0x20] =	vst v63;
	s6 =	simm.s32 $0x17880  }
.LBB2_76:
0x2f1: {  	[hbm4b:s7+s1] =	stream.linear.scatter [tilespmem:s4], [sflag:$0x3], $0x80, $0x38;
	[tilespmem:$0x1F480] =	vst v63  }
0x2f2: {  	s7 =	smov.u32 s5;
	s4 =	smov.u32 s6;
	p0 =	sne.s32 s5, $0x7C0  }
.Ltmp37:
0x2f3: {  	s5 =	sadd.s32 $0x10, s5;
	(pc) =	sbr.rel @p0 .LBB2_76-.Ltmp37, $2  }
0x2f4: {  	_ =	sdelay $0x2  }
0x2f5: {  	s6 =	sadd.s32 $0x100, s6;
	s7 =	sadd.s32 s7, s2  }
0x2f6: {  	[hbm4b:s7+s1] =	stream.linear.scatter [tilespmem:s4], [sflag:$0x3], $0x80, $0x38;
	[tilespmem:$0x1F480] =	vst v63  }
0x2f7: {  	s9 =	simm.s32 $0x2  }
0x2f8: {  	_ =	swait.ge [sflag:s9], $0x3E80  }
0x2f9: {  	[sflag:s9] =	ssyncset.done $0x0  }
0x2fa: {  	[sflag:s9] =	ssyncadd.s32 $0xFFFFC180  }
0x2fb: {  	_ =	swait.ge [sflag:s9], $0x3E80  }
0x2fc: {  	[sflag:s9] =	ssyncset.done $0x0  }
0x2fd: {  	[sflag:s9] =	ssyncadd.s32 $0xFFFFC180  }
0x2fe: {  	_ =	swait.ge [sflag:s9], $0x3E80  }
0x2ff: {  	[sflag:s9] =	ssyncset.done $0x0  }
0x300: {  	s10 =	simm.s32 $0x4;
	[sflag:s9] =	ssyncadd.s32 $0xFFFFC180  }
0x301: {  	_ =	swait.ge [sflag:s10], $0x3E80  }
0x302: {  	[sflag:s10] =	ssyncset.done $0x0  }
0x303: {  	s6 =	simm.s32 $0x170;
	[sflag:s10] =	ssyncadd.s32 $0xFFFFC180  }
0x304: {  	s4 =	simm.s32 $0x7E70;
	v3 =	vld [tilespmem:s6+$0x0]  }
0x305: {  	v4 =	vld [tilespmem:s4+$0x0]  }
0x306: {  	s5 =	simm.s32 $0xFB70;
	v5 =	vld [tilespmem:s4+$0xFFFFFF90]  }
0x307: {  	v6 =	vld [tilespmem:s5+$0x0]  }
0x308: {  	v7 =	vld [tilespmem:s6+$0xFFFFFFA0]  }
0x309: {  	v8 =	vld [tilespmem:s4+$0xFFFFFFA0]  }
0x30a: {  	v9 =	vld [tilespmem:s6+$0xFFFFFFB0]  }
0x30b: {  	v10 =	vld [tilespmem:s4+$0xFFFFFFB0]  }
0x30c: {  	v11 =	vld [tilespmem:s6+$0xFFFFFFC0]  }
0x30d: {  	v12 =	vld [tilespmem:s4+$0xFFFFFFC0]  }
0x30e: {  	v13 =	vld [tilespmem:s6+$0xFFFFFFD0]  }
0x30f: {  	v14 =	vld [tilespmem:s4+$0xFFFFFFD0]  }
0x310: {  	v15 =	vld [tilespmem:s6+$0xFFFFFFE0]  }
0x311: {  	v16 =	vld [tilespmem:s4+$0xFFFFFFE0];
	v3 =	vmul.f32 v3, v1  }
0x312: {  	v18 =	vld [tilespmem:s4+$0xFFFFFFF0];
	v4 =	vmul.f32 v4, v2;
	v17 =	vmul.f32 v5, v2  }
0x313: {  	v19 =	vld [tilespmem:s6+$0xFFFFFF90];
	v6 =	vmul.f32 v6, v0;
	v7 =	vmul.f32 v7, v1  }
0x314: {  	v5 =	vld [tilespmem:s6+$0xFFFFFFF0];
	v13 =	vmul.f32 v13, v1;
	v3 =	vadd.f32 v4, v3;
	v4 =	vmul.f32 v8, v2  }
0x315: {  	v20 =	vld [tilespmem:s5+$0xFFFFFF90];
	v8 =	vmul.f32 v9, v1;
	v9 =	vmul.f32 v10, v2  }
0x316: {  	v22 =	vld [tilespmem:s5+$0xFFFFFFA0];
	v10 =	vmul.f32 v11, v1;
	v21 =	vadd.f32 v6, v3;
	v6 =	vmul.f32 v12, v2  }
0x317: {  	v3 =	vadd.f32 v4, v7;
	v7 =	vmul.f32 v14, v2;
	v14 =	vmul.f32 v15, v1;
	v12 =	vld [tilespmem:s5+$0xFFFFFFB0]  }
0x318: {  	v4 =	vadd.f32 v9, v8;
	v8 =	vmul.f32 v16, v2;
	v9 =	vld [tilespmem:s5+$0xFFFFFFC0];
	v16 =	vmul.f32 v18, v2  }
0x319: {  	v11 =	vld [tilespmem:s5+$0xFFFFFFD0];
	v18 =	vmul.f32 v19, v1;
	v15 =	vmul.f32 v5, v1;
	v5 =	vadd.f32 v6, v10  }
0x31a: {  	s6 =	simm.s32 $0x17870;
	v6 =	vadd.f32 v7, v13;
	v7 =	vadd.f32 v8, v14;
	v14 =	vmul.f32 v20, v0;
	v10 =	vld [tilespmem:s5+$0xFFFFFFE0]  }
0x31b: {  	s7 =	simm.s32 $0x0;
	s8 =	simm.s32 $0x270;
	[tilespmem:s6+$0x0] =	vst v21;
	v13 =	vld [tilespmem:s5+$0xFFFFFFF0];
	v8 =	vadd.f32 v16, v15;
	v15 =	vadd.f32 v17, v18;
	v16 =	vmul.f32 v22, v0  }
.LBB2_78:
0x31c: {  	v17 =	vld [tilespmem:s8+$0x0];
	v12 =	vmul.f32 v12, v0;
	s4 =	sadd.s32 $0x100, s4  }
0x31d: {  	s7 =	sadd.s32 $0x80, s7;
	v18 =	vld [tilespmem:s4+$0x0];
	v14 =	vadd.f32 v14, v15;
	v3 =	vadd.f32 v16, v3;
	v9 =	vmul.f32 v9, v0  }
0x31e: {  	s5 =	sadd.s32 $0x100, s5;
	p0 =	slt.u32 s7, $0x3E00;
	v15 =	vld [tilespmem:s4+$0xFFFFFF90];
	v4 =	vadd.f32 v12, v4;
	v11 =	vmul.f32 v11, v0  }
0x31f: {  	v12 =	vld [tilespmem:s5+$0x0];
	[tilespmem:s6+$0xFFFFFF90] =	vst v14;
	v5 =	vadd.f32 v9, v5;
	v9 =	vmul.f32 v10, v0  }
0x320: {  	v10 =	vld [tilespmem:s8+$0xFFFFFFA0];
	[tilespmem:s6+$0xFFFFFFA0] =	vst v3;
	v3 =	vadd.f32 v11, v6;
	v6 =	vmul.f32 v13, v0  }
0x321: {  	v11 =	vld [tilespmem:s4+$0xFFFFFFA0];
	[tilespmem:s6+$0xFFFFFFB0] =	vst v4;
	v4 =	vadd.f32 v9, v7  }
0x322: {  	v9 =	vmul.f32 v17, v1;
	v7 =	vld [tilespmem:s8+$0xFFFFFFB0];
	v13 =	vmul.f32 v18, v2;
	[tilespmem:s6+$0xFFFFFFC0] =	vst v5;
	v5 =	vadd.f32 v6, v8  }
0x323: {  	v15 =	vmul.f32 v15, v2;
	v6 =	vld [tilespmem:s4+$0xFFFFFFB0];
	[tilespmem:s6+$0xFFFFFFD0] =	vst v3  }
0x324: {  	v8 =	vld [tilespmem:s8+$0xFFFFFFC0];
	v3 =	vadd.f32 v13, v9;
	v9 =	vmul.f32 v12, v0;
	[tilespmem:s6+$0xFFFFFFE0] =	vst v4  }
0x325: {  	v4 =	vmul.f32 v10, v1;
	v10 =	vld [tilespmem:s4+$0xFFFFFFC0];
	[tilespmem:s6+$0xFFFFFFF0] =	vst v5  }
0x326: {  	v5 =	vmul.f32 v11, v2;
	v11 =	vld [tilespmem:s8+$0xFFFFFFD0];
	v9 =	vadd.f32 v9, v3  }
0x327: {  	s6 =	sadd.s32 $0x100, s6;
	v7 =	vmul.f32 v7, v1;
	v12 =	vld [tilespmem:s4+$0xFFFFFFD0]  }
0x328: {  	v3 =	vadd.f32 v5, v4;
	v4 =	vmul.f32 v6, v2;
	v6 =	vld [tilespmem:s8+$0xFFFFFFE0];
	[tilespmem:s6+$0x0] =	vst v9  }
0x329: {  	v5 =	vmul.f32 v8, v1;
	v8 =	vld [tilespmem:s4+$0xFFFFFFE0]  }
0x32a: {  	v4 =	vadd.f32 v4, v7;
	v7 =	vmul.f32 v10, v2;
	v9 =	vld [tilespmem:s8+$0xFFFFFFF0]  }
0x32b: {  	v10 =	vmul.f32 v11, v1;
	v11 =	vld [tilespmem:s4+$0xFFFFFFF0]  }
0x32c: {  	v13 =	vld [tilespmem:s8+$0xFFFFFF90];
	v5 =	vadd.f32 v7, v5;
	v7 =	vmul.f32 v12, v2  }
0x32d: {  	v14 =	vld [tilespmem:s5+$0xFFFFFF90];
	v16 =	vmul.f32 v6, v1  }
0x32e: {  	v17 =	vld [tilespmem:s5+$0xFFFFFFA0];
	v6 =	vadd.f32 v7, v10;
	v7 =	vmul.f32 v8, v2  }
.Ltmp38:
0x32f: {  	v12 =	vld [tilespmem:s5+$0xFFFFFFB0];
	v8 =	vmul.f32 v9, v1;
	(pc) =	sbr.rel @p0 .LBB2_78-.Ltmp38, $4  }
0x330: {  	v9 =	vld [tilespmem:s5+$0xFFFFFFC0];
	v7 =	vadd.f32 v7, v16;
	v16 =	vmul.f32 v11, v2  }
0x331: {  	v13 =	vmul.f32 v13, v1;
	v11 =	vld [tilespmem:s5+$0xFFFFFFD0]  }
0x332: {  	v14 =	vmul.f32 v14, v0;
	v10 =	vld [tilespmem:s5+$0xFFFFFFE0];
	v8 =	vadd.f32 v16, v8  }
0x333: {  	s8 =	sadd.s32 $0x100, s8;
	v15 =	vadd.f32 v15, v13;
	v16 =	vmul.f32 v17, v0;
	v13 =	vld [tilespmem:s5+$0xFFFFFFF0]  }
0x334: {  	_ = 	snop  }
0x335: {  	v1 =	vmul.f32 v12, v0;
	v2 =	vadd.f32 v14, v15  }
0x336: {  	v3 =	vadd.f32 v16, v3;
	v9 =	vmul.f32 v9, v0  }
0x337: {  	v1 =	vadd.f32 v1, v4;
	v58 =	vmul.f32 v11, v0;
	[tilespmem:s6+$0xFFFFFF90] =	vst v2  }
0x338: {  	v59 =	vadd.f32 v9, v5;
	v60 =	vmul.f32 v10, v0;
	[tilespmem:s6+$0xFFFFFFA0] =	vst v3  }
0x339: {  	v61 =	vadd.f32 v58, v6;
	v62 =	vmul.f32 v13, v0;
	[tilespmem:s6+$0xFFFFFFB0] =	vst v1  }
0x33a: {  	v63 =	vadd.f32 v60, v7;
	[tilespmem:s6+$0xFFFFFFC0] =	vst v59  }
0x33b: {  	v0 =	vadd.f32 v62, v8;
	[tilespmem:s6+$0xFFFFFFD0] =	vst v61  }
0x33c: {  	s4 =	simm.s32 $0x17800;
	[tilespmem:s6+$0xFFFFFFE0] =	vst v63  }
0x33d: {  	s5 =	simm.s32 $0x10;
	s7 =	sadd.s32 $0x0, s3;
	[tilespmem:s6+$0xFFFFFFF0] =	vst v0;
	s6 =	simm.s32 $0x17900  }
.LBB2_80:
0x33e: {  	[hbm4b:s7+s1] =	stream.linear.scatter [tilespmem:s4], [sflag:$0x4], $0x80, $0x38;
	[tilespmem:$0x1F480] =	vst v63  }
0x33f: {  	s7 =	smov.u32 s5;
	s4 =	smov.u32 s6;
	p0 =	sne.s32 s5, $0x7C0  }
.Ltmp39:
0x340: {  	s5 =	sadd.s32 $0x10, s5;
	(pc) =	sbr.rel @p0 .LBB2_80-.Ltmp39, $2  }
0x341: {  	_ =	sdelay $0x2  }
0x342: {  	s6 =	sadd.s32 $0x100, s6;
	s7 =	sadd.s32 s7, s3  }
0x343: {  	[hbm4b:s7+s1] =	stream.linear.scatter [tilespmem:s4], [sflag:$0x4], $0x80, $0x38;
	[tilespmem:$0x1F480] =	vst v63  }
0x344: {  	s9 =	simm.s32 $0x4  }
0x345: {  	_ =	swait.ge [sflag:s9], $0x3E80  }
0x346: {  	[sflag:s9] =	ssyncset.done $0x0  }
0x347: {  	s5 =	simm.s32 $0x3;
	[sflag:s9] =	ssyncadd.s32 $0xFFFFC180  }
0x348: {  	_ =	swait.ge [sflag:s5], $0x3E80  }
0x349: {  	s6 =	rddreg [dreg:$0x10]  }
0x34a: {  	s10 =	rddreg [dreg:$0xf];
	s6 =	sadd.s32 $0x1, s6  }
0x34b: {  	p0 =	sne.s32 s6, s10  }
.Ltmp40:
0x34c: {  	_ = 	snop;
	(pc) =	sbr.rel @p0 .LBB2_1-.Ltmp40, $3  }
0x34d: {  	_ =	sdelay $0x1  }
0x34e: {  	[sflag:s5] =	ssyncset.done $0x0  }
0x34f: {  	s8 =	rddreg [dreg:$0x5];
	[sflag:s5] =	ssyncadd.s32 $0xFFFFC180  }
0x350: {  	_ =	sfence.sel $0x180000  }
0x351: {  	[bflag:$0x0] =	sbarrier.arrive $0xFFFF  }
0x352: {  	_ =	strace $0x90000047  }
0x353: {  	s0 =	stileid.u32;
	[bflag:$0x2] =	sbarrier.arrive $0xFFFF  }
0x354: {  	p0 =	sne.s32 s0, $0x0;
	s0 =	rddreg [dreg:$0x4]  }
0x355: {  	s0 =	sadd.s32 @!p0 $0x100000, s0  }
0x356: {  	[sflag:s0] =	ssyncadd.tile.s32 @!p0 $0x1;
	_ =	shalt  }
.Lfunc_end2:
_tile_overlayer_lowered:
.L_overlay_start_2:
0x357: {  	(tag) =	ssettag $0x2  }
0x358: {  	s0 =	rddreg [dreg:$0x0];
	s2 =	stileid.u32  }
0x359: {  	s1 =	rddreg [dreg:$0x1];
	p0 =	sne.s32 s2, $0x0  }
0x35a: {  	s3 =	rddreg [dreg:$0x2];
	[bflag:$0x3] =	sbarrier.arrive $0xFFFF;
	s2 =	simm.s32 @!p0 $0x1C05  }
0x35b: {  	[timem:s3], [sflag:s2] =	dma.local @!p0 [hbm:s0], s1  }
0x35c: {  	s0 =	simm.s32 @!p0 $0x5  }
0x35d: {  	_ =	swait.ge @!p0 [sflag:s0], s1  }
0x35e: {  	s1 =	ssub.s32 @!p0 $0x0, s1;
	[sflag:s0] =	ssyncset.done @!p0 $0x0  }
0x35f: {  	[sflag:s0] =	ssyncadd.s32 @!p0 s1  }
0x360: {  	[bflag:$0x3] =	sbarrier.arrive $0xFFFF  }
0x361: {  	_ =	shalt  }

</sc_bundles>
